<compile_context>
chip_gen: v7x
topology: tpu7x:2x2x1
jax: 0.10.2.dev20260603
libtpu: 0.0.44.dev20260713+nightly
codegen_flags: <defaults>
</compile_context>

<pallas_src>
import functools

import jax
import jax.numpy as jnp
from jax import lax
from jax.experimental import pallas as pl
from jax.experimental.pallas import tpu as pltpu
from jax.experimental.pallas import tpu_sc as plsc

N = 10000
D = 128
E = 320000

NSUB = 16
CHUNK = 128
EPS = E // NSUB
IBLK = 16
IB = 10
CH = IB * IBLK
SLOTS = CH * CHUNK
NF = 10240
NPAD = 10240
RPS = NPAD // NSUB
PRW = NF // NSUB
PCH = 128
PCC = PRW // PCH
CPW = 624


def _perm_body(x_hbm, permp, out, perm_v, rows_v, sem_a):
    c = lax.axis_index("c")
    s = lax.axis_index("s")

    @pl.when(c == 0)
    def _():
        pltpu.sync_copy(x_hbm.at[pl.ds(s * CPW, CPW)], out.at[pl.ds(s * CPW, CPW)])

        @pl.when(s == 0)
        def _():
            pltpu.sync_copy(x_hbm.at[pl.ds(NSUB * CPW, N - NSUB * CPW)],
                            out.at[pl.ds(NSUB * CPW, N - NSUB * CPW)])

    @pl.when(c == 1)
    def _():
        pltpu.sync_copy(permp.at[s], perm_v)
        base = NF + s * PRW
        pltpu.async_copy(x_hbm.at[perm_v], rows_v, sem_a).wait()
        pltpu.sync_copy(rows_v, out.at[pl.ds(base, PRW)])


def _perm_stack(x, permp):
    mesh = plsc.VectorSubcoreMesh(core_axis_name="c", subcore_axis_name="s")
    f = functools.partial(
        pl.kernel,
        out_type=jax.ShapeDtypeStruct((2 * NF, D), jnp.float32),
        mesh=mesh,
        scratch_types=[
            pltpu.VMEM((PRW,), jnp.int32),
            pltpu.VMEM((PRW, D), jnp.float32),
            pltpu.SemaphoreType.DMA,
        ],
    )(_perm_body)
    return f(x, permp)


def _aggr_body(zflat, srcp, dstp, zrows, out,
               src_v, dst_v, rows_a, rows_b, acc, sem_a, sem_b):
    c = lax.axis_index("c")
    s = lax.axis_index("s")
    pltpu.sync_copy(zrows, acc.at[pl.ds(s * RPS, RPS)])
    plsc.subcore_barrier()

    def outer(ib, carry):
        pltpu.sync_copy(srcp.at[c, s, ib], src_v)
        pltpu.sync_copy(dstp.at[s, ib], dst_v)
        pltpu.async_copy(zflat.at[src_v.at[0]], rows_a, sem_a)

        def body(p, carry2):
            j = 2 * p
            pltpu.async_copy(zflat.at[src_v.at[j + 1]], rows_b, sem_b)
            pltpu.make_async_copy(zflat.at[src_v.at[j]], rows_a, sem_a).wait()
            pltpu.sync_copy(rows_a, acc.at[dst_v.at[j]], add=True)

            @pl.when(j + 2 < IBLK)
            def _():
                pltpu.async_copy(zflat.at[src_v.at[j + 2]], rows_a, sem_a)

            pltpu.make_async_copy(zflat.at[src_v.at[j + 1]], rows_b, sem_b).wait()
            pltpu.sync_copy(rows_b, acc.at[dst_v.at[j + 1]], add=True)
            return carry2

        return lax.fori_loop(0, IBLK // 2, body, carry)

    lax.fori_loop(0, IB, outer, jnp.int32(0))
    plsc.subcore_barrier()
    pltpu.sync_copy(acc.at[pl.ds(s * RPS, RPS)], out.at[c, pl.ds(s * RPS, RPS)])


def _aggr_pair(zflat, srcp, dstp, zrows):
    mesh = plsc.VectorSubcoreMesh(core_axis_name="c", subcore_axis_name="s")
    f = functools.partial(
        pl.kernel,
        out_type=jax.ShapeDtypeStruct((2, NPAD, D), jnp.float32),
        mesh=mesh,
        scratch_types=[
            pltpu.VMEM((IBLK, CHUNK), jnp.int32),
            pltpu.VMEM((IBLK, CHUNK), jnp.int32),
            pltpu.VMEM((CHUNK, D), jnp.float32),
            pltpu.VMEM((CHUNK, D), jnp.float32),
            pltpu.VMEM_SHARED((NPAD, D), jnp.float32),
            pltpu.SemaphoreType.DMA,
            pltpu.SemaphoreType.DMA,
        ],
    )(_aggr_body)
    return f(zflat, srcp, dstp, zrows)


def _mlp_body(z_ref, a_ref, w1_ref, b1_ref, g_ref, be_ref, w2_ref, b2_ref, out_ref):
    h = z_ref[0] + a_ref[0]
    h = jnp.dot(h, w1_ref[...].T, preferred_element_type=jnp.float32) + b1_ref[...]
    mu = jnp.mean(h, axis=0, keepdims=True)
    var = jnp.mean((h - mu) ** 2, axis=0, keepdims=True)
    h = g_ref[...] * (h - mu) * lax.rsqrt(var + 1e-5) + be_ref[...]
    h = jnp.maximum(h, 0.0)
    h = jnp.dot(h, w2_ref[...].T, preferred_element_type=jnp.float32) + b2_ref[...]
    out_ref[0] = jnp.maximum(h, 0.0)


def _mlp_pair(z2, a2, w1, b1, g, be, w2, b2):
    nz = z2.shape[1]
    zblk = pl.BlockSpec((1, N, D), lambda i: (i, 0, 0))
    wspec = pl.BlockSpec((D, D), lambda i: (0, 0))
    vspec = pl.BlockSpec((D,), lambda i: (0,))
    return pl.pallas_call(
        _mlp_body,
        grid=(2,),
        in_specs=[zblk, zblk, wspec, vspec, vspec, vspec, wspec, vspec],
        out_specs=pl.BlockSpec((1, N, D), lambda i: (i, 0, 0)),
        out_shape=jax.ShapeDtypeStruct((2, N, D), jnp.float32),
    )(z2, a2, w1, b1, g, be, w2, b2)


def _readout_body(zr_ref, zp_ref, wd_ref, out_ref):
    zr = zr_ref[...]
    zp = zp_ref[...]
    s = jax.nn.sigmoid(jnp.mean(zr, axis=0, keepdims=True))
    w = jnp.dot(wd_ref[...].T, s.T, preferred_element_type=jnp.float32)
    real = jax.nn.sigmoid(jnp.dot(zr, w, preferred_element_type=jnp.float32))
    pert = jax.nn.sigmoid(jnp.dot(zp, w, preferred_element_type=jnp.float32))
    eps = 1e-12
    real = jnp.clip(real, eps, 1.0 - eps)
    pert = jnp.clip(pert, eps, 1.0 - eps)
    total = jnp.sum(jnp.log(real)) + jnp.sum(jnp.log(1.0 - pert))
    out_ref[...] = jnp.broadcast_to(-total / (2.0 * N), (1, 1))


def _readout(zr, zp, wd):
    return pl.pallas_call(
        _readout_body,
        out_shape=jax.ShapeDtypeStruct((1, 1), jnp.float32),
    )(zr, zp, wd)


def kernel(x, ei, perm, W1a, b1a, g1a, be1a, W2a, b2a, W1b, b1b, g1b, be1b, W2b, b2b, Wd):
    src = ei[0]
    dst = ei[1]
    perm = perm.astype(jnp.int32)

    pad = SLOTS - EPS
    src_r = src.reshape(NSUB, EPS)
    dst_r = dst.reshape(NSUB, EPS)
    zero_pad = jnp.zeros((NSUB, pad), jnp.int32)
    src_pad = jnp.concatenate([src_r, zero_pad], axis=1)
    dummy = N + (jnp.arange(pad, dtype=jnp.int32) % (NPAD - N))
    dst_pad = jnp.concatenate([dst_r, jnp.broadcast_to(dummy, (NSUB, pad))], axis=1)
    dstp = dst_pad.reshape(NSUB, IB, IBLK, CHUNK)
    srcp1 = jnp.stack([src_pad, src_pad + NF]).reshape(2, NSUB, IB, IBLK, CHUNK)
    srcp2 = jnp.stack([src_pad, src_pad + N]).reshape(2, NSUB, IB, IBLK, CHUNK)
    permp = jnp.concatenate([perm, jnp.zeros((NF - N,), jnp.int32)]).reshape(
        NSUB, PRW)
    zrows = jnp.zeros((RPS, D), jnp.float32)

    zstack = _perm_stack(x, permp)
    z1 = zstack.reshape(2, NF, D)

    a1 = _aggr_pair(zstack, srcp1, dstp, zrows)
    h1 = _mlp_pair(z1, a1, W1a, b1a, g1a, be1a, W2a, b2a)
    a2 = _aggr_pair(h1.reshape(2 * N, D), srcp2, dstp, zrows)
    h2 = _mlp_pair(h1, a2, W1b, b1b, g1b, be1b, W2b, b2b)
    loss = _readout(h2[0], h2[1], Wd)
    return loss.reshape(())

# --- scband reference (transcript-rebuilt; emitter-appended) ---
"""Pipeline reference for scband-inspection-l-90168543412743 (READ-ONLY COPY).

The authoritative reference and input builder live on the scoring server;
editing this copy changes nothing except your own understanding.
"""

import jax, jax.numpy as jnp
import numpy as np

N = 10000
E = 320000
D = 128
H = 128
O = 128

def setup_inputs(seed: int = 0):
    key = jax.random.key(seed)
    ks = jax.random.split(key, 16)
    s = 0.05
    inp = {}
    inp["x"] = jax.random.normal(ks[0], (N, D), dtype=jnp.float32)
    inp["ei"] = jax.random.randint(ks[1], (2, E), 0, N, dtype=jnp.int32)
    inp["perm"] = jax.random.permutation(ks[2], N)
    inp["W1a"] = jax.random.normal(ks[3], (H, D), dtype=jnp.float32) * s
    inp["b1a"] = jnp.zeros((H,), dtype=jnp.float32)
    inp["g1a"] = jnp.ones((H,), dtype=jnp.float32)
    inp["be1a"] = jnp.zeros((H,), dtype=jnp.float32)
    inp["W2a"] = jax.random.normal(ks[4], (H, H), dtype=jnp.float32) * s
    inp["b2a"] = jnp.zeros((H,), dtype=jnp.float32)
    inp["W1b"] = jax.random.normal(ks[5], (H, H), dtype=jnp.float32) * s
    inp["b1b"] = jnp.zeros((H,), dtype=jnp.float32)
    inp["g1b"] = jnp.ones((H,), dtype=jnp.float32)
    inp["be1b"] = jnp.zeros((H,), dtype=jnp.float32)
    inp["W2b"] = jax.random.normal(ks[6], (O, H), dtype=jnp.float32) * s
    inp["b2b"] = jnp.zeros((O,), dtype=jnp.float32)
    inp["Wd"] = jax.random.normal(ks[7], (O, O), dtype=jnp.float32) * s
    return inp

def _bn(h, g, b):
    mu = jnp.mean(h, axis=0)
    var = jnp.var(h, axis=0)
    return g * (h - mu) / jnp.sqrt(var + 1e-5) + b

def _gin(x, ei, W1, b1, g, be, W2, b2):
    src = ei[0]
    dst = ei[1]
    aggr = jnp.zeros((x.shape[0], x.shape[1]), dtype=x.dtype).at[dst].add(x[src])
    h = x + aggr
    h = h @ W1.T + b1
    h = jax.nn.relu(_bn(h, g, be))
    h = h @ W2.T + b2
    return jax.nn.relu(h)

def reference(x, ei, perm, W1a, b1a, g1a, be1a, W2a, b2a, W1b, b1b, g1b, be1b, W2b, b2b, Wd):
    def embed(z):
        z = _gin(z, ei, W1a, b1a, g1a, be1a, W2a, b2a)
        z = _gin(z, ei, W1b, b1b, g1b, be1b, W2b, b2b)
        return z
    x_real = embed(x)
    x_pert = embed(x[perm])
    s = jax.nn.sigmoid(jnp.mean(x_real, axis=0, keepdims=True))
    real = jax.nn.sigmoid((x_real @ Wd.T) @ s.T)
    pert = jax.nn.sigmoid((x_pert @ Wd.T) @ s.T)
    preds = jnp.concatenate([real, pert], axis=0)
    n = x.shape[0]
    targets = jnp.concatenate([jnp.ones((n, 1), jnp.float32), jnp.zeros((n, 1), jnp.float32)], axis=0)
    p = jnp.clip(preds, 1e-12, 1.0 - 1e-12)
    loss = -jnp.mean(targets * jnp.log(p) + (1.0 - targets) * jnp.log(1.0 - p))
    return loss

if __name__ == "__main__":
    import jax
    _d = setup_inputs()
    print(jax.jit(kernel)(*tuple(_d.values())))

</pallas_src>

<mosaic_0001>
#map = affine_map<(d0, d1) -> (0, 0)>
module attributes {stable_mosaic.version = 14 : i64} {
  func.func @_perm_body(%arg0: i32, %arg1: i32, %arg2: memref<10000x128xf32, #tpu.memory_space<hbm>>, %arg3: memref<16x640xi32, #tpu.memory_space<hbm>>, %arg4: memref<20480x128xf32, #tpu.memory_space<hbm>>, %arg5: memref<640xi32, #tpu.memory_space<vmem>>, %arg6: memref<640x128xf32, #tpu.memory_space<vmem>>, %arg7: memref<!tpu.dma_semaphore, #tpu.memory_space<semaphore_mem>>) attributes {dimension_semantics = [#tpu.dimension_semantics<core_parallel>, #tpu.dimension_semantics<subcore_parallel>], iteration_bounds = array<i64: 2, 16>, scalar_prefetch = 0 : i64, scratch_operands = 3 : i64, tpu.core_type = #tpu.core_type<sc_vector_subcore>, window_params = [{transform_indices = #map}, {transform_indices = #map}, {transform_indices = #map}]} {
    %eq3A = arith.constant 0 : i32
    %eq3A_0 = arith.cmpi eq, %arg0, %eq3A : i32
    %convert_element_type3A = arith.extui %eq3A_0 : i1 to i32
    %cond3A = arith.constant 0 : i32
    %cond3A_1 = arith.cmpi ne, %convert_element_type3A, %cond3A : i32
    scf.if %cond3A_1 {
      %mul3A = arith.constant 624 : i32
      %mul3A_7 = arith.muli %arg1, %mul3A : i32
      %mul3A_8 = arith.constant 624 : i32
      %mul3A_9 = arith.muli %arg1, %mul3A_8 : i32
      "tpu.region"() ({
        %run_scoped3A = tpu.sem_alloc : memref<!tpu.dma_semaphore, #tpu.memory_space<semaphore_mem>>
        %dma_start3A = arith.constant 0 : i32
        %dma_start3A_15 = tpu.memref_slice %arg4[%mul3A_9, %dma_start3A] : memref<20480x128xf32, #tpu.memory_space<hbm>> -> memref<624x128xf32, #tpu.memory_space<hbm>>
        %dma_start3A_16 = arith.constant 0 : i32
        %dma_start3A_17 = tpu.memref_slice %arg2[%mul3A_7, %dma_start3A_16] : memref<10000x128xf32, #tpu.memory_space<hbm>> -> memref<624x128xf32, #tpu.memory_space<hbm>>
        tpu.enqueue_dma source(%dma_start3A_17 : memref<624x128xf32, #tpu.memory_space<hbm>>) target(%dma_start3A_15 : memref<624x128xf32, #tpu.memory_space<hbm>>) target_semaphore(%run_scoped3A : memref<!tpu.dma_semaphore, #tpu.memory_space<semaphore_mem>>)
        %dma_wait3A = arith.constant 0 : i32
        %dma_wait3A_18 = tpu.memref_slice %arg4[%mul3A_9, %dma_wait3A] : memref<20480x128xf32, #tpu.memory_space<hbm>> -> memref<624x128xf32, #tpu.memory_space<hbm>>
        %dma_wait3A_19 = arith.constant 0 : i32
        %dma_wait3A_20 = tpu.memref_slice %arg2[%mul3A_7, %dma_wait3A_19] : memref<10000x128xf32, #tpu.memory_space<hbm>> -> memref<624x128xf32, #tpu.memory_space<hbm>>
        tpu.wait_dma2 semaphore(%run_scoped3A : memref<!tpu.dma_semaphore, #tpu.memory_space<semaphore_mem>>) src(%dma_wait3A_20 : memref<624x128xf32, #tpu.memory_space<hbm>>) dst(%dma_wait3A_18 : memref<624x128xf32, #tpu.memory_space<hbm>>)
        tpu.yield
      }) : () -> ()
      %eq3A_10 = arith.constant 0 : i32
      %eq3A_11 = arith.cmpi eq, %arg1, %eq3A_10 : i32
      %convert_element_type3A_12 = arith.extui %eq3A_11 : i1 to i32
      %cond3A_13 = arith.constant 0 : i32
      %cond3A_14 = arith.cmpi ne, %convert_element_type3A_12, %cond3A_13 : i32
      scf.if %cond3A_14 {
        "tpu.region"() ({
          %run_scoped3A = tpu.sem_alloc : memref<!tpu.dma_semaphore, #tpu.memory_space<semaphore_mem>>
          %dma_start3A = arith.constant 9984 : i32
          %dma_start3A_15 = arith.constant 0 : i32
          %dma_start3A_16 = tpu.memref_slice %arg4[%dma_start3A, %dma_start3A_15] : memref<20480x128xf32, #tpu.memory_space<hbm>> -> memref<16x128xf32, #tpu.memory_space<hbm>>
          %dma_start3A_17 = arith.constant 9984 : i32
          %dma_start3A_18 = arith.constant 0 : i32
          %dma_start3A_19 = tpu.memref_slice %arg2[%dma_start3A_17, %dma_start3A_18] : memref<10000x128xf32, #tpu.memory_space<hbm>> -> memref<16x128xf32, #tpu.memory_space<hbm>>
          tpu.enqueue_dma source(%dma_start3A_19 : memref<16x128xf32, #tpu.memory_space<hbm>>) target(%dma_start3A_16 : memref<16x128xf32, #tpu.memory_space<hbm>>) target_semaphore(%run_scoped3A : memref<!tpu.dma_semaphore, #tpu.memory_space<semaphore_mem>>)
          %dma_wait3A = arith.constant 9984 : i32
          %dma_wait3A_20 = arith.constant 0 : i32
          %dma_wait3A_21 = tpu.memref_slice %arg4[%dma_wait3A, %dma_wait3A_20] : memref<20480x128xf32, #tpu.memory_space<hbm>> -> memref<16x128xf32, #tpu.memory_space<hbm>>
          %dma_wait3A_22 = arith.constant 9984 : i32
          %dma_wait3A_23 = arith.constant 0 : i32
          %dma_wait3A_24 = tpu.memref_slice %arg2[%dma_wait3A_22, %dma_wait3A_23] : memref<10000x128xf32, #tpu.memory_space<hbm>> -> memref<16x128xf32, #tpu.memory_space<hbm>>
          tpu.wait_dma2 semaphore(%run_scoped3A : memref<!tpu.dma_semaphore, #tpu.memory_space<semaphore_mem>>) src(%dma_wait3A_24 : memref<16x128xf32, #tpu.memory_space<hbm>>) dst(%dma_wait3A_21 : memref<16x128xf32, #tpu.memory_space<hbm>>)
          tpu.yield
        }) : () -> ()
      } else {
      }
    } else {
    }
    %eq3A_2 = arith.constant 1 : i32
    %eq3A_3 = arith.cmpi eq, %arg0, %eq3A_2 : i32
    %convert_element_type3A_4 = arith.extui %eq3A_3 : i1 to i32
    %cond3A_5 = arith.constant 0 : i32
    %cond3A_6 = arith.cmpi ne, %convert_element_type3A_4, %cond3A_5 : i32
    scf.if %cond3A_6 {
      "tpu.region"() ({
        %run_scoped3A = tpu.sem_alloc : memref<!tpu.dma_semaphore, #tpu.memory_space<semaphore_mem>>
        %dma_start3A_13 = arith.constant 0 : i32
        %dma_start3A_14 = tpu.memref_slice %arg3[%arg1, %dma_start3A_13] : memref<16x640xi32, #tpu.memory_space<hbm>> -> memref<1x640xi32, #tpu.memory_space<hbm>>
        %dma_start3A_15 = tpu.memref_squeeze %dma_start3A_14 : memref<1x640xi32, #tpu.memory_space<hbm>> -> memref<640xi32, #tpu.memory_space<hbm>>
        %dma_start3A_16 = arith.constant 0 : i32
        %dma_start3A_17 = tpu.memref_slice %arg3[%arg1, %dma_start3A_16] : memref<16x640xi32, #tpu.memory_space<hbm>> -> memref<1x640xi32, #tpu.memory_space<hbm>>
        %dma_start3A_18 = tpu.memref_squeeze %dma_start3A_17 : memref<1x640xi32, #tpu.memory_space<hbm>> -> memref<640xi32, #tpu.memory_space<hbm>>
        tpu.enqueue_dma source(%dma_start3A_18 : memref<640xi32, #tpu.memory_space<hbm>>) target(%arg5 : memref<640xi32, #tpu.memory_space<vmem>>) target_semaphore(%run_scoped3A : memref<!tpu.dma_semaphore, #tpu.memory_space<semaphore_mem>>)
        %dma_wait3A_19 = arith.constant 0 : i32
        %dma_wait3A_20 = tpu.memref_slice %arg3[%arg1, %dma_wait3A_19] : memref<16x640xi32, #tpu.memory_space<hbm>> -> memref<1x640xi32, #tpu.memory_space<hbm>>
        %dma_wait3A_21 = tpu.memref_squeeze %dma_wait3A_20 : memref<1x640xi32, #tpu.memory_space<hbm>> -> memref<640xi32, #tpu.memory_space<hbm>>
        %dma_wait3A_22 = arith.constant 0 : i32
        %dma_wait3A_23 = tpu.memref_slice %arg3[%arg1, %dma_wait3A_22] : memref<16x640xi32, #tpu.memory_space<hbm>> -> memref<1x640xi32, #tpu.memory_space<hbm>>
        %dma_wait3A_24 = tpu.memref_squeeze %dma_wait3A_23 : memref<1x640xi32, #tpu.memory_space<hbm>> -> memref<640xi32, #tpu.memory_space<hbm>>
        tpu.wait_dma2 semaphore(%run_scoped3A : memref<!tpu.dma_semaphore, #tpu.memory_space<semaphore_mem>>) src(%dma_wait3A_24 : memref<640xi32, #tpu.memory_space<hbm>>) dst(%arg5 : memref<640xi32, #tpu.memory_space<vmem>>)
        tpu.yield
      }) : () -> ()
      %mul3A = arith.constant 640 : i32
      %mul3A_7 = arith.muli %arg1, %mul3A : i32
      %add3A = arith.constant 10240 : i32
      %add3A_8 = arith.addi %add3A, %mul3A_7 : i32
      %dma_start3A = arith.constant 0 : i32
      %dma_start3A_9 = arith.constant 0 : i32
      %dma_start3A_10 = tpu.memref_slice %arg2[%dma_start3A, %dma_start3A_9] : memref<10000x128xf32, #tpu.memory_space<hbm>> -> memref<10000x128xf32, #tpu.memory_space<hbm>>
      tpu.enqueue_indirect_dma source(%dma_start3A_10 : memref<10000x128xf32, #tpu.memory_space<hbm>>) target(%arg6 : memref<640x128xf32, #tpu.memory_space<vmem>>) offsets(%arg5 : memref<640xi32, #tpu.memory_space<vmem>>) semaphore(%arg7 : memref<!tpu.dma_semaphore, #tpu.memory_space<semaphore_mem>>)
      %dma_wait3A = arith.constant 0 : i32
      %dma_wait3A_11 = arith.constant 0 : i32
      %dma_wait3A_12 = tpu.memref_slice %arg2[%dma_wait3A, %dma_wait3A_11] : memref<10000x128xf32, #tpu.memory_space<hbm>> -> memref<10000x128xf32, #tpu.memory_space<hbm>>
      tpu.wait_indirect_dma semaphore(%arg7 : memref<!tpu.dma_semaphore, #tpu.memory_space<semaphore_mem>>) src(%dma_wait3A_12 : memref<10000x128xf32, #tpu.memory_space<hbm>>) dst(%arg6 : memref<640x128xf32, #tpu.memory_space<vmem>>)
      "tpu.region"() ({
        %run_scoped3A = tpu.sem_alloc : memref<!tpu.dma_semaphore, #tpu.memory_space<semaphore_mem>>
        %dma_start3A_13 = arith.constant 0 : i32
        %dma_start3A_14 = tpu.memref_slice %arg4[%add3A_8, %dma_start3A_13] : memref<20480x128xf32, #tpu.memory_space<hbm>> -> memref<640x128xf32, #tpu.memory_space<hbm>>
        %dma_start3A_15 = arith.constant 0 : i32
        %dma_start3A_16 = tpu.memref_slice %arg4[%add3A_8, %dma_start3A_15] : memref<20480x128xf32, #tpu.memory_space<hbm>> -> memref<640x128xf32, #tpu.memory_space<hbm>>
        tpu.enqueue_dma source(%arg6 : memref<640x128xf32, #tpu.memory_space<vmem>>) target(%dma_start3A_16 : memref<640x128xf32, #tpu.memory_space<hbm>>) target_semaphore(%run_scoped3A : memref<!tpu.dma_semaphore, #tpu.memory_space<semaphore_mem>>)
        %dma_wait3A_17 = arith.constant 0 : i32
        %dma_wait3A_18 = tpu.memref_slice %arg4[%add3A_8, %dma_wait3A_17] : memref<20480x128xf32, #tpu.memory_space<hbm>> -> memref<640x128xf32, #tpu.memory_space<hbm>>
        %dma_wait3A_19 = arith.constant 0 : i32
        %dma_wait3A_20 = tpu.memref_slice %arg4[%add3A_8, %dma_wait3A_19] : memref<20480x128xf32, #tpu.memory_space<hbm>> -> memref<640x128xf32, #tpu.memory_space<hbm>>
        tpu.wait_dma2 semaphore(%run_scoped3A : memref<!tpu.dma_semaphore, #tpu.memory_space<semaphore_mem>>) src(%arg6 : memref<640x128xf32, #tpu.memory_space<vmem>>) dst(%dma_wait3A_20 : memref<640x128xf32, #tpu.memory_space<hbm>>)
        tpu.yield
      }) : () -> ()
    } else {
    }
    return
  }
}

#map = affine_map<(d0, d1) -> (0, 0)>
#map1 = affine_map<(d0, d1) -> (0, 0, 0, 0, 0)>
#map2 = affine_map<(d0, d1) -> (0, 0, 0, 0)>
#map3 = affine_map<(d0, d1) -> (0, 0, 0)>
module attributes {stable_mosaic.version = 14 : i64} {
  func.func @_aggr_body(%arg0: i32, %arg1: i32, %arg2: memref<20000x128xf32, #tpu.memory_space<hbm>>, %arg3: memref<2x16x10x16x128xi32, #tpu.memory_space<hbm>>, %arg4: memref<16x10x16x128xi32, #tpu.memory_space<hbm>>, %arg5: memref<640x128xf32, #tpu.memory_space<hbm>>, %arg6: memref<2x10240x128xf32, #tpu.memory_space<hbm>>, %arg7: memref<16x128xi32, #tpu.memory_space<vmem>>, %arg8: memref<16x128xi32, #tpu.memory_space<vmem>>, %arg9: memref<128x128xf32, #tpu.memory_space<vmem>>, %arg10: memref<128x128xf32, #tpu.memory_space<vmem>>, %arg11: memref<10240x128xf32, #tpu.memory_space<vmem_shared>>, %arg12: memref<!tpu.dma_semaphore, #tpu.memory_space<semaphore_mem>>, %arg13: memref<!tpu.dma_semaphore, #tpu.memory_space<semaphore_mem>>) attributes {dimension_semantics = [#tpu.dimension_semantics<core_parallel>, #tpu.dimension_semantics<subcore_parallel>], iteration_bounds = array<i64: 2, 16>, scalar_prefetch = 0 : i64, scratch_operands = 7 : i64, tpu.core_type = #tpu.core_type<sc_vector_subcore>, window_params = [{transform_indices = #map}, {transform_indices = #map1}, {transform_indices = #map2}, {transform_indices = #map}, {transform_indices = #map3}]} {
    %mul3A = arith.constant 640 : i32
    %mul3A_0 = arith.muli %arg1, %mul3A : i32
    "tpu.region"() ({
      %run_scoped3A = tpu.sem_alloc : memref<!tpu.dma_semaphore, #tpu.memory_space<semaphore_mem>>
      %dma_start3A = arith.constant 0 : i32
      %dma_start3A_11 = tpu.memref_slice %arg11[%mul3A_0, %dma_start3A] : memref<10240x128xf32, #tpu.memory_space<vmem_shared>> -> memref<640x128xf32, #tpu.memory_space<vmem_shared>>
      tpu.enqueue_dma source(%arg5 : memref<640x128xf32, #tpu.memory_space<hbm>>) target(%dma_start3A_11 : memref<640x128xf32, #tpu.memory_space<vmem_shared>>) target_semaphore(%run_scoped3A : memref<!tpu.dma_semaphore, #tpu.memory_space<semaphore_mem>>)
      %dma_wait3A = arith.constant 0 : i32
      %dma_wait3A_12 = tpu.memref_slice %arg11[%mul3A_0, %dma_wait3A] : memref<10240x128xf32, #tpu.memory_space<vmem_shared>> -> memref<640x128xf32, #tpu.memory_space<vmem_shared>>
      tpu.wait_dma2 semaphore(%run_scoped3A : memref<!tpu.dma_semaphore, #tpu.memory_space<semaphore_mem>>) src(%arg5 : memref<640x128xf32, #tpu.memory_space<hbm>>) dst(%dma_wait3A_12 : memref<640x128xf32, #tpu.memory_space<vmem_shared>>)
      tpu.yield
    }) : () -> ()
    %barrier3A = arith.constant 0 : index
    tpu.barrier barrier_id(%barrier3A)
    %scan3A = arith.constant 0 : i32
    %scan3A_1 = arith.constant 0 : i32
    %scan3A_2 = arith.constant 10 : i32
    %scan3A_3 = arith.addi %scan3A_1, %scan3A_2 : i32
    %scan3A_4 = arith.constant 1 : i32
    scf.for %scan3A_11 = %scan3A_1 to %scan3A_3 step %scan3A_4  : i32 {
      "tpu.region"() ({
        %run_scoped3A = tpu.sem_alloc : memref<!tpu.dma_semaphore, #tpu.memory_space<semaphore_mem>>
        %dma_start3A_23 = arith.constant 0 : i32
        %dma_start3A_24 = arith.constant 0 : i32
        %dma_start3A_25 = tpu.memref_slice %arg3[%arg0, %arg1, %scan3A_11, %dma_start3A_23, %dma_start3A_24] : memref<2x16x10x16x128xi32, #tpu.memory_space<hbm>> -> memref<1x1x1x16x128xi32, #tpu.memory_space<hbm>>
        %dma_start3A_26 = tpu.memref_squeeze %dma_start3A_25 : memref<1x1x1x16x128xi32, #tpu.memory_space<hbm>> -> memref<16x128xi32, #tpu.memory_space<hbm>>
        %dma_start3A_27 = arith.constant 0 : i32
        %dma_start3A_28 = arith.constant 0 : i32
        %dma_start3A_29 = tpu.memref_slice %arg3[%arg0, %arg1, %scan3A_11, %dma_start3A_27, %dma_start3A_28] : memref<2x16x10x16x128xi32, #tpu.memory_space<hbm>> -> memref<1x1x1x16x128xi32, #tpu.memory_space<hbm>>
        %dma_start3A_30 = tpu.memref_squeeze %dma_start3A_29 : memref<1x1x1x16x128xi32, #tpu.memory_space<hbm>> -> memref<16x128xi32, #tpu.memory_space<hbm>>
        tpu.enqueue_dma source(%dma_start3A_30 : memref<16x128xi32, #tpu.memory_space<hbm>>) target(%arg7 : memref<16x128xi32, #tpu.memory_space<vmem>>) target_semaphore(%run_scoped3A : memref<!tpu.dma_semaphore, #tpu.memory_space<semaphore_mem>>)
        %dma_wait3A = arith.constant 0 : i32
        %dma_wait3A_31 = arith.constant 0 : i32
        %dma_wait3A_32 = tpu.memref_slice %arg3[%arg0, %arg1, %scan3A_11, %dma_wait3A, %dma_wait3A_31] : memref<2x16x10x16x128xi32, #tpu.memory_space<hbm>> -> memref<1x1x1x16x128xi32, #tpu.memory_space<hbm>>
        %dma_wait3A_33 = tpu.memref_squeeze %dma_wait3A_32 : memref<1x1x1x16x128xi32, #tpu.memory_space<hbm>> -> memref<16x128xi32, #tpu.memory_space<hbm>>
        %dma_wait3A_34 = arith.constant 0 : i32
        %dma_wait3A_35 = arith.constant 0 : i32
        %dma_wait3A_36 = tpu.memref_slice %arg3[%arg0, %arg1, %scan3A_11, %dma_wait3A_34, %dma_wait3A_35] : memref<2x16x10x16x128xi32, #tpu.memory_space<hbm>> -> memref<1x1x1x16x128xi32, #tpu.memory_space<hbm>>
        %dma_wait3A_37 = tpu.memref_squeeze %dma_wait3A_36 : memref<1x1x1x16x128xi32, #tpu.memory_space<hbm>> -> memref<16x128xi32, #tpu.memory_space<hbm>>
        tpu.wait_dma2 semaphore(%run_scoped3A : memref<!tpu.dma_semaphore, #tpu.memory_space<semaphore_mem>>) src(%dma_wait3A_37 : memref<16x128xi32, #tpu.memory_space<hbm>>) dst(%arg7 : memref<16x128xi32, #tpu.memory_space<vmem>>)
        tpu.yield
      }) : () -> ()
      "tpu.region"() ({
        %run_scoped3A = tpu.sem_alloc : memref<!tpu.dma_semaphore, #tpu.memory_space<semaphore_mem>>
        %dma_start3A_23 = arith.constant 0 : i32
        %dma_start3A_24 = arith.constant 0 : i32
        %dma_start3A_25 = tpu.memref_slice %arg4[%arg1, %scan3A_11, %dma_start3A_23, %dma_start3A_24] : memref<16x10x16x128xi32, #tpu.memory_space<hbm>> -> memref<1x1x16x128xi32, #tpu.memory_space<hbm>>
        %dma_start3A_26 = tpu.memref_squeeze %dma_start3A_25 : memref<1x1x16x128xi32, #tpu.memory_space<hbm>> -> memref<16x128xi32, #tpu.memory_space<hbm>>
        %dma_start3A_27 = arith.constant 0 : i32
        %dma_start3A_28 = arith.constant 0 : i32
        %dma_start3A_29 = tpu.memref_slice %arg4[%arg1, %scan3A_11, %dma_start3A_27, %dma_start3A_28] : memref<16x10x16x128xi32, #tpu.memory_space<hbm>> -> memref<1x1x16x128xi32, #tpu.memory_space<hbm>>
        %dma_start3A_30 = tpu.memref_squeeze %dma_start3A_29 : memref<1x1x16x128xi32, #tpu.memory_space<hbm>> -> memref<16x128xi32, #tpu.memory_space<hbm>>
        tpu.enqueue_dma source(%dma_start3A_30 : memref<16x128xi32, #tpu.memory_space<hbm>>) target(%arg8 : memref<16x128xi32, #tpu.memory_space<vmem>>) target_semaphore(%run_scoped3A : memref<!tpu.dma_semaphore, #tpu.memory_space<semaphore_mem>>)
        %dma_wait3A = arith.constant 0 : i32
        %dma_wait3A_31 = arith.constant 0 : i32
        %dma_wait3A_32 = tpu.memref_slice %arg4[%arg1, %scan3A_11, %dma_wait3A, %dma_wait3A_31] : memref<16x10x16x128xi32, #tpu.memory_space<hbm>> -> memref<1x1x16x128xi32, #tpu.memory_space<hbm>>
        %dma_wait3A_33 = tpu.memref_squeeze %dma_wait3A_32 : memref<1x1x16x128xi32, #tpu.memory_space<hbm>> -> memref<16x128xi32, #tpu.memory_space<hbm>>
        %dma_wait3A_34 = arith.constant 0 : i32
        %dma_wait3A_35 = arith.constant 0 : i32
        %dma_wait3A_36 = tpu.memref_slice %arg4[%arg1, %scan3A_11, %dma_wait3A_34, %dma_wait3A_35] : memref<16x10x16x128xi32, #tpu.memory_space<hbm>> -> memref<1x1x16x128xi32, #tpu.memory_space<hbm>>
        %dma_wait3A_37 = tpu.memref_squeeze %dma_wait3A_36 : memref<1x1x16x128xi32, #tpu.memory_space<hbm>> -> memref<16x128xi32, #tpu.memory_space<hbm>>
        tpu.wait_dma2 semaphore(%run_scoped3A : memref<!tpu.dma_semaphore, #tpu.memory_space<semaphore_mem>>) src(%dma_wait3A_37 : memref<16x128xi32, #tpu.memory_space<hbm>>) dst(%arg8 : memref<16x128xi32, #tpu.memory_space<vmem>>)
        tpu.yield
      }) : () -> ()
      %dma_start3A = arith.constant 0 : i32
      %dma_start3A_12 = arith.constant 0 : i32
      %dma_start3A_13 = tpu.memref_slice %arg7[%dma_start3A, %dma_start3A_12] : memref<16x128xi32, #tpu.memory_space<vmem>> -> memref<1x128xi32, #tpu.memory_space<vmem>>
      %dma_start3A_14 = tpu.memref_squeeze %dma_start3A_13 : memref<1x128xi32, #tpu.memory_space<vmem>> -> memref<128xi32, #tpu.memory_space<vmem>>
      %dma_start3A_15 = arith.constant 0 : i32
      %dma_start3A_16 = arith.constant 0 : i32
      %dma_start3A_17 = tpu.memref_slice %arg2[%dma_start3A_15, %dma_start3A_16] : memref<20000x128xf32, #tpu.memory_space<hbm>> -> memref<20000x128xf32, #tpu.memory_space<hbm>>
      tpu.enqueue_indirect_dma source(%dma_start3A_17 : memref<20000x128xf32, #tpu.memory_space<hbm>>) target(%arg9 : memref<128x128xf32, #tpu.memory_space<vmem>>) offsets(%dma_start3A_14 : memref<128xi32, #tpu.memory_space<vmem>>) semaphore(%arg12 : memref<!tpu.dma_semaphore, #tpu.memory_space<semaphore_mem>>)
      %scan3A_18 = arith.constant 0 : i32
      %scan3A_19 = arith.constant 8 : i32
      %scan3A_20 = arith.addi %scan3A_18, %scan3A_19 : i32
      %scan3A_21 = arith.constant 1 : i32
      scf.for %scan3A_23 = %scan3A_18 to %scan3A_20 step %scan3A_21  : i32 {
        %mul3A_24 = arith.constant 2 : i32
        %mul3A_25 = arith.muli %mul3A_24, %scan3A_23 : i32
        %add3A = arith.constant 1 : i32
        %add3A_26 = arith.addi %mul3A_25, %add3A : i32
        %dma_start3A_27 = arith.constant 0 : i32
        %dma_start3A_28 = tpu.memref_slice %arg7[%add3A_26, %dma_start3A_27] : memref<16x128xi32, #tpu.memory_space<vmem>> -> memref<1x128xi32, #tpu.memory_space<vmem>>
        %dma_start3A_29 = tpu.memref_squeeze %dma_start3A_28 : memref<1x128xi32, #tpu.memory_space<vmem>> -> memref<128xi32, #tpu.memory_space<vmem>>
        %dma_start3A_30 = arith.constant 0 : i32
        %dma_start3A_31 = arith.constant 0 : i32
        %dma_start3A_32 = tpu.memref_slice %arg2[%dma_start3A_30, %dma_start3A_31] : memref<20000x128xf32, #tpu.memory_space<hbm>> -> memref<20000x128xf32, #tpu.memory_space<hbm>>
        tpu.enqueue_indirect_dma source(%dma_start3A_32 : memref<20000x128xf32, #tpu.memory_space<hbm>>) target(%arg10 : memref<128x128xf32, #tpu.memory_space<vmem>>) offsets(%dma_start3A_29 : memref<128xi32, #tpu.memory_space<vmem>>) semaphore(%arg13 : memref<!tpu.dma_semaphore, #tpu.memory_space<semaphore_mem>>)
        %dma_wait3A = arith.constant 0 : i32
        %dma_wait3A_33 = tpu.memref_slice %arg7[%mul3A_25, %dma_wait3A] : memref<16x128xi32, #tpu.memory_space<vmem>> -> memref<1x128xi32, #tpu.memory_space<vmem>>
        %dma_wait3A_34 = tpu.memref_squeeze %dma_wait3A_33 : memref<1x128xi32, #tpu.memory_space<vmem>> -> memref<128xi32, #tpu.memory_space<vmem>>
        %dma_wait3A_35 = arith.constant 0 : i32
        %dma_wait3A_36 = arith.constant 0 : i32
        %dma_wait3A_37 = tpu.memref_slice %arg2[%dma_wait3A_35, %dma_wait3A_36] : memref<20000x128xf32, #tpu.memory_space<hbm>> -> memref<20000x128xf32, #tpu.memory_space<hbm>>
        tpu.wait_indirect_dma semaphore(%arg12 : memref<!tpu.dma_semaphore, #tpu.memory_space<semaphore_mem>>) src(%dma_wait3A_37 : memref<20000x128xf32, #tpu.memory_space<hbm>>) dst(%arg9 : memref<128x128xf32, #tpu.memory_space<vmem>>)
        "tpu.region"() ({
          %run_scoped3A = tpu.sem_alloc : memref<!tpu.dma_semaphore, #tpu.memory_space<semaphore_mem>>
          %dma_start3A_52 = arith.constant 0 : i32
          %dma_start3A_53 = tpu.memref_slice %arg8[%mul3A_25, %dma_start3A_52] : memref<16x128xi32, #tpu.memory_space<vmem>> -> memref<1x128xi32, #tpu.memory_space<vmem>>
          %dma_start3A_54 = tpu.memref_squeeze %dma_start3A_53 : memref<1x128xi32, #tpu.memory_space<vmem>> -> memref<128xi32, #tpu.memory_space<vmem>>
          %dma_start3A_55 = arith.constant 0 : i32
          %dma_start3A_56 = arith.constant 0 : i32
          %dma_start3A_57 = tpu.memref_slice %arg11[%dma_start3A_55, %dma_start3A_56] : memref<10240x128xf32, #tpu.memory_space<vmem_shared>> -> memref<10240x128xf32, #tpu.memory_space<vmem_shared>>
          tpu.enqueue_indirect_dma source(%arg9 : memref<128x128xf32, #tpu.memory_space<vmem>>) target(%dma_start3A_57 : memref<10240x128xf32, #tpu.memory_space<vmem_shared>>) offsets(%dma_start3A_54 : memref<128xi32, #tpu.memory_space<vmem>>) semaphore(%run_scoped3A : memref<!tpu.dma_semaphore, #tpu.memory_space<semaphore_mem>>) {add = true}
          %dma_wait3A_58 = arith.constant 0 : i32
          %dma_wait3A_59 = tpu.memref_slice %arg8[%mul3A_25, %dma_wait3A_58] : memref<16x128xi32, #tpu.memory_space<vmem>> -> memref<1x128xi32, #tpu.memory_space<vmem>>
          %dma_wait3A_60 = tpu.memref_squeeze %dma_wait3A_59 : memref<1x128xi32, #tpu.memory_space<vmem>> -> memref<128xi32, #tpu.memory_space<vmem>>
          %dma_wait3A_61 = arith.constant 0 : i32
          %dma_wait3A_62 = arith.constant 0 : i32
          %dma_wait3A_63 = tpu.memref_slice %arg11[%dma_wait3A_61, %dma_wait3A_62] : memref<10240x128xf32, #tpu.memory_space<vmem_shared>> -> memref<10240x128xf32, #tpu.memory_space<vmem_shared>>
          tpu.wait_indirect_dma semaphore(%run_scoped3A : memref<!tpu.dma_semaphore, #tpu.memory_space<semaphore_mem>>) src(%arg9 : memref<128x128xf32, #tpu.memory_space<vmem>>) dst(%dma_wait3A_63 : memref<10240x128xf32, #tpu.memory_space<vmem_shared>>)
          tpu.yield
        }) : () -> ()
        %add3A_38 = arith.constant 2 : i32
        %add3A_39 = arith.addi %mul3A_25, %add3A_38 : i32
        %lt3A = arith.constant 16 : i32
        %lt3A_40 = arith.cmpi slt, %add3A_39, %lt3A : i32
        %convert_element_type3A = arith.extui %lt3A_40 : i1 to i32
        %cond3A = arith.constant 0 : i32
        %cond3A_41 = arith.cmpi ne, %convert_element_type3A, %cond3A : i32
        scf.if %cond3A_41 {
          %add3A_52 = arith.constant 2 : i32
          %add3A_53 = arith.addi %mul3A_25, %add3A_52 : i32
          %dma_start3A_54 = arith.constant 0 : i32
          %dma_start3A_55 = tpu.memref_slice %arg7[%add3A_53, %dma_start3A_54] : memref<16x128xi32, #tpu.memory_space<vmem>> -> memref<1x128xi32, #tpu.memory_space<vmem>>
          %dma_start3A_56 = tpu.memref_squeeze %dma_start3A_55 : memref<1x128xi32, #tpu.memory_space<vmem>> -> memref<128xi32, #tpu.memory_space<vmem>>
          %dma_start3A_57 = arith.constant 0 : i32
          %dma_start3A_58 = arith.constant 0 : i32
          %dma_start3A_59 = tpu.memref_slice %arg2[%dma_start3A_57, %dma_start3A_58] : memref<20000x128xf32, #tpu.memory_space<hbm>> -> memref<20000x128xf32, #tpu.memory_space<hbm>>
          tpu.enqueue_indirect_dma source(%dma_start3A_59 : memref<20000x128xf32, #tpu.memory_space<hbm>>) target(%arg9 : memref<128x128xf32, #tpu.memory_space<vmem>>) offsets(%dma_start3A_56 : memref<128xi32, #tpu.memory_space<vmem>>) semaphore(%arg12 : memref<!tpu.dma_semaphore, #tpu.memory_space<semaphore_mem>>)
        } else {
        }
        %add3A_42 = arith.constant 1 : i32
        %add3A_43 = arith.addi %mul3A_25, %add3A_42 : i32
        %dma_wait3A_44 = arith.constant 0 : i32
        %dma_wait3A_45 = tpu.memref_slice %arg7[%add3A_43, %dma_wait3A_44] : memref<16x128xi32, #tpu.memory_space<vmem>> -> memref<1x128xi32, #tpu.memory_space<vmem>>
        %dma_wait3A_46 = tpu.memref_squeeze %dma_wait3A_45 : memref<1x128xi32, #tpu.memory_space<vmem>> -> memref<128xi32, #tpu.memory_space<vmem>>
        %dma_wait3A_47 = arith.constant 0 : i32
        %dma_wait3A_48 = arith.constant 0 : i32
        %dma_wait3A_49 = tpu.memref_slice %arg2[%dma_wait3A_47, %dma_wait3A_48] : memref<20000x128xf32, #tpu.memory_space<hbm>> -> memref<20000x128xf32, #tpu.memory_space<hbm>>
        tpu.wait_indirect_dma semaphore(%arg13 : memref<!tpu.dma_semaphore, #tpu.memory_space<semaphore_mem>>) src(%dma_wait3A_49 : memref<20000x128xf32, #tpu.memory_space<hbm>>) dst(%arg10 : memref<128x128xf32, #tpu.memory_space<vmem>>)
        %add3A_50 = arith.constant 1 : i32
        %add3A_51 = arith.addi %mul3A_25, %add3A_50 : i32
        "tpu.region"() ({
          %run_scoped3A = tpu.sem_alloc : memref<!tpu.dma_semaphore, #tpu.memory_space<semaphore_mem>>
          %dma_start3A_52 = arith.constant 0 : i32
          %dma_start3A_53 = tpu.memref_slice %arg8[%add3A_51, %dma_start3A_52] : memref<16x128xi32, #tpu.memory_space<vmem>> -> memref<1x128xi32, #tpu.memory_space<vmem>>
          %dma_start3A_54 = tpu.memref_squeeze %dma_start3A_53 : memref<1x128xi32, #tpu.memory_space<vmem>> -> memref<128xi32, #tpu.memory_space<vmem>>
          %dma_start3A_55 = arith.constant 0 : i32
          %dma_start3A_56 = arith.constant 0 : i32
          %dma_start3A_57 = tpu.memref_slice %arg11[%dma_start3A_55, %dma_start3A_56] : memref<10240x128xf32, #tpu.memory_space<vmem_shared>> -> memref<10240x128xf32, #tpu.memory_space<vmem_shared>>
          tpu.enqueue_indirect_dma source(%arg10 : memref<128x128xf32, #tpu.memory_space<vmem>>) target(%dma_start3A_57 : memref<10240x128xf32, #tpu.memory_space<vmem_shared>>) offsets(%dma_start3A_54 : memref<128xi32, #tpu.memory_space<vmem>>) semaphore(%run_scoped3A : memref<!tpu.dma_semaphore, #tpu.memory_space<semaphore_mem>>) {add = true}
          %dma_wait3A_58 = arith.constant 0 : i32
          %dma_wait3A_59 = tpu.memref_slice %arg8[%add3A_51, %dma_wait3A_58] : memref<16x128xi32, #tpu.memory_space<vmem>> -> memref<1x128xi32, #tpu.memory_space<vmem>>
          %dma_wait3A_60 = tpu.memref_squeeze %dma_wait3A_59 : memref<1x128xi32, #tpu.memory_space<vmem>> -> memref<128xi32, #tpu.memory_space<vmem>>
          %dma_wait3A_61 = arith.constant 0 : i32
          %dma_wait3A_62 = arith.constant 0 : i32
          %dma_wait3A_63 = tpu.memref_slice %arg11[%dma_wait3A_61, %dma_wait3A_62] : memref<10240x128xf32, #tpu.memory_space<vmem_shared>> -> memref<10240x128xf32, #tpu.memory_space<vmem_shared>>
          tpu.wait_indirect_dma semaphore(%run_scoped3A : memref<!tpu.dma_semaphore, #tpu.memory_space<semaphore_mem>>) src(%arg10 : memref<128x128xf32, #tpu.memory_space<vmem>>) dst(%dma_wait3A_63 : memref<10240x128xf32, #tpu.memory_space<vmem_shared>>)
          tpu.yield
        }) : () -> ()
      }
      %scan3A_22 = arith.constant 8 : i32
    }
    %scan3A_5 = arith.constant 10 : i32
    %barrier3A_6 = arith.constant 0 : index
    tpu.barrier barrier_id(%barrier3A_6)
    %mul3A_7 = arith.constant 640 : i32
    %mul3A_8 = arith.muli %arg1, %mul3A_7 : i32
    %mul3A_9 = arith.constant 640 : i32
    %mul3A_10 = arith.muli %arg1, %mul3A_9 : i32
    "tpu.region"() ({
      %run_scoped3A = tpu.sem_alloc : memref<!tpu.dma_semaphore, #tpu.memory_space<semaphore_mem>>
      %dma_start3A = arith.constant 0 : i32
      %dma_start3A_11 = tpu.memref_slice %arg6[%arg0, %mul3A_10, %dma_start3A] : memref<2x10240x128xf32, #tpu.memory_space<hbm>> -> memref<1x640x128xf32, #tpu.memory_space<hbm>>
      %dma_start3A_12 = tpu.memref_squeeze %dma_start3A_11 : memref<1x640x128xf32, #tpu.memory_space<hbm>> -> memref<640x128xf32, #tpu.memory_space<hbm>>
      %dma_start3A_13 = arith.constant 0 : i32
      %dma_start3A_14 = tpu.memref_slice %arg11[%mul3A_8, %dma_start3A_13] : memref<10240x128xf32, #tpu.memory_space<vmem_shared>> -> memref<640x128xf32, #tpu.memory_space<vmem_shared>>
      tpu.enqueue_dma source(%dma_start3A_14 : memref<640x128xf32, #tpu.memory_space<vmem_shared>>) target(%dma_start3A_12 : memref<640x128xf32, #tpu.memory_space<hbm>>) target_semaphore(%run_scoped3A : memref<!tpu.dma_semaphore, #tpu.memory_space<semaphore_mem>>)
      %dma_wait3A = arith.constant 0 : i32
      %dma_wait3A_15 = tpu.memref_slice %arg6[%arg0, %mul3A_10, %dma_wait3A] : memref<2x10240x128xf32, #tpu.memory_space<hbm>> -> memref<1x640x128xf32, #tpu.memory_space<hbm>>
      %dma_wait3A_16 = tpu.memref_squeeze %dma_wait3A_15 : memref<1x640x128xf32, #tpu.memory_space<hbm>> -> memref<640x128xf32, #tpu.memory_space<hbm>>
      %dma_wait3A_17 = arith.constant 0 : i32
      %dma_wait3A_18 = tpu.memref_slice %arg11[%mul3A_8, %dma_wait3A_17] : memref<10240x128xf32, #tpu.memory_space<vmem_shared>> -> memref<640x128xf32, #tpu.memory_space<vmem_shared>>
      tpu.wait_dma2 semaphore(%run_scoped3A : memref<!tpu.dma_semaphore, #tpu.memory_space<semaphore_mem>>) src(%dma_wait3A_18 : memref<640x128xf32, #tpu.memory_space<vmem_shared>>) dst(%dma_wait3A_16 : memref<640x128xf32, #tpu.memory_space<hbm>>)
      tpu.yield
    }) : () -> ()
    return
  }
}

#map = affine_map<(d0, d1) -> (0, 0)>
#map1 = affine_map<(d0, d1) -> (0, 0, 0, 0, 0)>
#map2 = affine_map<(d0, d1) -> (0, 0, 0, 0)>
#map3 = affine_map<(d0, d1) -> (0, 0, 0)>
module attributes {stable_mosaic.version = 14 : i64} {
  func.func @_aggr_body(%arg0: i32, %arg1: i32, %arg2: memref<20480x128xf32, #tpu.memory_space<hbm>>, %arg3: memref<2x16x10x16x128xi32, #tpu.memory_space<hbm>>, %arg4: memref<16x10x16x128xi32, #tpu.memory_space<hbm>>, %arg5: memref<640x128xf32, #tpu.memory_space<hbm>>, %arg6: memref<2x10240x128xf32, #tpu.memory_space<hbm>>, %arg7: memref<16x128xi32, #tpu.memory_space<vmem>>, %arg8: memref<16x128xi32, #tpu.memory_space<vmem>>, %arg9: memref<128x128xf32, #tpu.memory_space<vmem>>, %arg10: memref<128x128xf32, #tpu.memory_space<vmem>>, %arg11: memref<10240x128xf32, #tpu.memory_space<vmem_shared>>, %arg12: memref<!tpu.dma_semaphore, #tpu.memory_space<semaphore_mem>>, %arg13: memref<!tpu.dma_semaphore, #tpu.memory_space<semaphore_mem>>) attributes {dimension_semantics = [#tpu.dimension_semantics<core_parallel>, #tpu.dimension_semantics<subcore_parallel>], iteration_bounds = array<i64: 2, 16>, scalar_prefetch = 0 : i64, scratch_operands = 7 : i64, tpu.core_type = #tpu.core_type<sc_vector_subcore>, window_params = [{transform_indices = #map}, {transform_indices = #map1}, {transform_indices = #map2}, {transform_indices = #map}, {transform_indices = #map3}]} {
    %mul3A = arith.constant 640 : i32
    %mul3A_0 = arith.muli %arg1, %mul3A : i32
    "tpu.region"() ({
      %run_scoped3A = tpu.sem_alloc : memref<!tpu.dma_semaphore, #tpu.memory_space<semaphore_mem>>
      %dma_start3A = arith.constant 0 : i32
      %dma_start3A_11 = tpu.memref_slice %arg11[%mul3A_0, %dma_start3A] : memref<10240x128xf32, #tpu.memory_space<vmem_shared>> -> memref<640x128xf32, #tpu.memory_space<vmem_shared>>
      tpu.enqueue_dma source(%arg5 : memref<640x128xf32, #tpu.memory_space<hbm>>) target(%dma_start3A_11 : memref<640x128xf32, #tpu.memory_space<vmem_shared>>) target_semaphore(%run_scoped3A : memref<!tpu.dma_semaphore, #tpu.memory_space<semaphore_mem>>)
      %dma_wait3A = arith.constant 0 : i32
      %dma_wait3A_12 = tpu.memref_slice %arg11[%mul3A_0, %dma_wait3A] : memref<10240x128xf32, #tpu.memory_space<vmem_shared>> -> memref<640x128xf32, #tpu.memory_space<vmem_shared>>
      tpu.wait_dma2 semaphore(%run_scoped3A : memref<!tpu.dma_semaphore, #tpu.memory_space<semaphore_mem>>) src(%arg5 : memref<640x128xf32, #tpu.memory_space<hbm>>) dst(%dma_wait3A_12 : memref<640x128xf32, #tpu.memory_space<vmem_shared>>)
      tpu.yield
    }) : () -> ()
    %barrier3A = arith.constant 0 : index
    tpu.barrier barrier_id(%barrier3A)
    %scan3A = arith.constant 0 : i32
    %scan3A_1 = arith.constant 0 : i32
    %scan3A_2 = arith.constant 10 : i32
    %scan3A_3 = arith.addi %scan3A_1, %scan3A_2 : i32
    %scan3A_4 = arith.constant 1 : i32
    scf.for %scan3A_11 = %scan3A_1 to %scan3A_3 step %scan3A_4  : i32 {
      "tpu.region"() ({
        %run_scoped3A = tpu.sem_alloc : memref<!tpu.dma_semaphore, #tpu.memory_space<semaphore_mem>>
        %dma_start3A_23 = arith.constant 0 : i32
        %dma_start3A_24 = arith.constant 0 : i32
        %dma_start3A_25 = tpu.memref_slice %arg3[%arg0, %arg1, %scan3A_11, %dma_start3A_23, %dma_start3A_24] : memref<2x16x10x16x128xi32, #tpu.memory_space<hbm>> -> memref<1x1x1x16x128xi32, #tpu.memory_space<hbm>>
        %dma_start3A_26 = tpu.memref_squeeze %dma_start3A_25 : memref<1x1x1x16x128xi32, #tpu.memory_space<hbm>> -> memref<16x128xi32, #tpu.memory_space<hbm>>
        %dma_start3A_27 = arith.constant 0 : i32
        %dma_start3A_28 = arith.constant 0 : i32
        %dma_start3A_29 = tpu.memref_slice %arg3[%arg0, %arg1, %scan3A_11, %dma_start3A_27, %dma_start3A_28] : memref<2x16x10x16x128xi32, #tpu.memory_space<hbm>> -> memref<1x1x1x16x128xi32, #tpu.memory_space<hbm>>
        %dma_start3A_30 = tpu.memref_squeeze %dma_start3A_29 : memref<1x1x1x16x128xi32, #tpu.memory_space<hbm>> -> memref<16x128xi32, #tpu.memory_space<hbm>>
        tpu.enqueue_dma source(%dma_start3A_30 : memref<16x128xi32, #tpu.memory_space<hbm>>) target(%arg7 : memref<16x128xi32, #tpu.memory_space<vmem>>) target_semaphore(%run_scoped3A : memref<!tpu.dma_semaphore, #tpu.memory_space<semaphore_mem>>)
        %dma_wait3A = arith.constant 0 : i32
        %dma_wait3A_31 = arith.constant 0 : i32
        %dma_wait3A_32 = tpu.memref_slice %arg3[%arg0, %arg1, %scan3A_11, %dma_wait3A, %dma_wait3A_31] : memref<2x16x10x16x128xi32, #tpu.memory_space<hbm>> -> memref<1x1x1x16x128xi32, #tpu.memory_space<hbm>>
        %dma_wait3A_33 = tpu.memref_squeeze %dma_wait3A_32 : memref<1x1x1x16x128xi32, #tpu.memory_space<hbm>> -> memref<16x128xi32, #tpu.memory_space<hbm>>
        %dma_wait3A_34 = arith.constant 0 : i32
        %dma_wait3A_35 = arith.constant 0 : i32
        %dma_wait3A_36 = tpu.memref_slice %arg3[%arg0, %arg1, %scan3A_11, %dma_wait3A_34, %dma_wait3A_35] : memref<2x16x10x16x128xi32, #tpu.memory_space<hbm>> -> memref<1x1x1x16x128xi32, #tpu.memory_space<hbm>>
        %dma_wait3A_37 = tpu.memref_squeeze %dma_wait3A_36 : memref<1x1x1x16x128xi32, #tpu.memory_space<hbm>> -> memref<16x128xi32, #tpu.memory_space<hbm>>
        tpu.wait_dma2 semaphore(%run_scoped3A : memref<!tpu.dma_semaphore, #tpu.memory_space<semaphore_mem>>) src(%dma_wait3A_37 : memref<16x128xi32, #tpu.memory_space<hbm>>) dst(%arg7 : memref<16x128xi32, #tpu.memory_space<vmem>>)
        tpu.yield
      }) : () -> ()
      "tpu.region"() ({
        %run_scoped3A = tpu.sem_alloc : memref<!tpu.dma_semaphore, #tpu.memory_space<semaphore_mem>>
        %dma_start3A_23 = arith.constant 0 : i32
        %dma_start3A_24 = arith.constant 0 : i32
        %dma_start3A_25 = tpu.memref_slice %arg4[%arg1, %scan3A_11, %dma_start3A_23, %dma_start3A_24] : memref<16x10x16x128xi32, #tpu.memory_space<hbm>> -> memref<1x1x16x128xi32, #tpu.memory_space<hbm>>
        %dma_start3A_26 = tpu.memref_squeeze %dma_start3A_25 : memref<1x1x16x128xi32, #tpu.memory_space<hbm>> -> memref<16x128xi32, #tpu.memory_space<hbm>>
        %dma_start3A_27 = arith.constant 0 : i32
        %dma_start3A_28 = arith.constant 0 : i32
        %dma_start3A_29 = tpu.memref_slice %arg4[%arg1, %scan3A_11, %dma_start3A_27, %dma_start3A_28] : memref<16x10x16x128xi32, #tpu.memory_space<hbm>> -> memref<1x1x16x128xi32, #tpu.memory_space<hbm>>
        %dma_start3A_30 = tpu.memref_squeeze %dma_start3A_29 : memref<1x1x16x128xi32, #tpu.memory_space<hbm>> -> memref<16x128xi32, #tpu.memory_space<hbm>>
        tpu.enqueue_dma source(%dma_start3A_30 : memref<16x128xi32, #tpu.memory_space<hbm>>) target(%arg8 : memref<16x128xi32, #tpu.memory_space<vmem>>) target_semaphore(%run_scoped3A : memref<!tpu.dma_semaphore, #tpu.memory_space<semaphore_mem>>)
        %dma_wait3A = arith.constant 0 : i32
        %dma_wait3A_31 = arith.constant 0 : i32
        %dma_wait3A_32 = tpu.memref_slice %arg4[%arg1, %scan3A_11, %dma_wait3A, %dma_wait3A_31] : memref<16x10x16x128xi32, #tpu.memory_space<hbm>> -> memref<1x1x16x128xi32, #tpu.memory_space<hbm>>
        %dma_wait3A_33 = tpu.memref_squeeze %dma_wait3A_32 : memref<1x1x16x128xi32, #tpu.memory_space<hbm>> -> memref<16x128xi32, #tpu.memory_space<hbm>>
        %dma_wait3A_34 = arith.constant 0 : i32
        %dma_wait3A_35 = arith.constant 0 : i32
        %dma_wait3A_36 = tpu.memref_slice %arg4[%arg1, %scan3A_11, %dma_wait3A_34, %dma_wait3A_35] : memref<16x10x16x128xi32, #tpu.memory_space<hbm>> -> memref<1x1x16x128xi32, #tpu.memory_space<hbm>>
        %dma_wait3A_37 = tpu.memref_squeeze %dma_wait3A_36 : memref<1x1x16x128xi32, #tpu.memory_space<hbm>> -> memref<16x128xi32, #tpu.memory_space<hbm>>
        tpu.wait_dma2 semaphore(%run_scoped3A : memref<!tpu.dma_semaphore, #tpu.memory_space<semaphore_mem>>) src(%dma_wait3A_37 : memref<16x128xi32, #tpu.memory_space<hbm>>) dst(%arg8 : memref<16x128xi32, #tpu.memory_space<vmem>>)
        tpu.yield
      }) : () -> ()
      %dma_start3A = arith.constant 0 : i32
      %dma_start3A_12 = arith.constant 0 : i32
      %dma_start3A_13 = tpu.memref_slice %arg7[%dma_start3A, %dma_start3A_12] : memref<16x128xi32, #tpu.memory_space<vmem>> -> memref<1x128xi32, #tpu.memory_space<vmem>>
      %dma_start3A_14 = tpu.memref_squeeze %dma_start3A_13 : memref<1x128xi32, #tpu.memory_space<vmem>> -> memref<128xi32, #tpu.memory_space<vmem>>
      %dma_start3A_15 = arith.constant 0 : i32
      %dma_start3A_16 = arith.constant 0 : i32
      %dma_start3A_17 = tpu.memref_slice %arg2[%dma_start3A_15, %dma_start3A_16] : memref<20480x128xf32, #tpu.memory_space<hbm>> -> memref<20480x128xf32, #tpu.memory_space<hbm>>
      tpu.enqueue_indirect_dma source(%dma_start3A_17 : memref<20480x128xf32, #tpu.memory_space<hbm>>) target(%arg9 : memref<128x128xf32, #tpu.memory_space<vmem>>) offsets(%dma_start3A_14 : memref<128xi32, #tpu.memory_space<vmem>>) semaphore(%arg12 : memref<!tpu.dma_semaphore, #tpu.memory_space<semaphore_mem>>)
      %scan3A_18 = arith.constant 0 : i32
      %scan3A_19 = arith.constant 8 : i32
      %scan3A_20 = arith.addi %scan3A_18, %scan3A_19 : i32
      %scan3A_21 = arith.constant 1 : i32
      scf.for %scan3A_23 = %scan3A_18 to %scan3A_20 step %scan3A_21  : i32 {
        %mul3A_24 = arith.constant 2 : i32
        %mul3A_25 = arith.muli %mul3A_24, %scan3A_23 : i32
        %add3A = arith.constant 1 : i32
        %add3A_26 = arith.addi %mul3A_25, %add3A : i32
        %dma_start3A_27 = arith.constant 0 : i32
        %dma_start3A_28 = tpu.memref_slice %arg7[%add3A_26, %dma_start3A_27] : memref<16x128xi32, #tpu.memory_space<vmem>> -> memref<1x128xi32, #tpu.memory_space<vmem>>
        %dma_start3A_29 = tpu.memref_squeeze %dma_start3A_28 : memref<1x128xi32, #tpu.memory_space<vmem>> -> memref<128xi32, #tpu.memory_space<vmem>>
        %dma_start3A_30 = arith.constant 0 : i32
        %dma_start3A_31 = arith.constant 0 : i32
        %dma_start3A_32 = tpu.memref_slice %arg2[%dma_start3A_30, %dma_start3A_31] : memref<20480x128xf32, #tpu.memory_space<hbm>> -> memref<20480x128xf32, #tpu.memory_space<hbm>>
        tpu.enqueue_indirect_dma source(%dma_start3A_32 : memref<20480x128xf32, #tpu.memory_space<hbm>>) target(%arg10 : memref<128x128xf32, #tpu.memory_space<vmem>>) offsets(%dma_start3A_29 : memref<128xi32, #tpu.memory_space<vmem>>) semaphore(%arg13 : memref<!tpu.dma_semaphore, #tpu.memory_space<semaphore_mem>>)
        %dma_wait3A = arith.constant 0 : i32
        %dma_wait3A_33 = tpu.memref_slice %arg7[%mul3A_25, %dma_wait3A] : memref<16x128xi32, #tpu.memory_space<vmem>> -> memref<1x128xi32, #tpu.memory_space<vmem>>
        %dma_wait3A_34 = tpu.memref_squeeze %dma_wait3A_33 : memref<1x128xi32, #tpu.memory_space<vmem>> -> memref<128xi32, #tpu.memory_space<vmem>>
        %dma_wait3A_35 = arith.constant 0 : i32
        %dma_wait3A_36 = arith.constant 0 : i32
        %dma_wait3A_37 = tpu.memref_slice %arg2[%dma_wait3A_35, %dma_wait3A_36] : memref<20480x128xf32, #tpu.memory_space<hbm>> -> memref<20480x128xf32, #tpu.memory_space<hbm>>
        tpu.wait_indirect_dma semaphore(%arg12 : memref<!tpu.dma_semaphore, #tpu.memory_space<semaphore_mem>>) src(%dma_wait3A_37 : memref<20480x128xf32, #tpu.memory_space<hbm>>) dst(%arg9 : memref<128x128xf32, #tpu.memory_space<vmem>>)
        "tpu.region"() ({
          %run_scoped3A = tpu.sem_alloc : memref<!tpu.dma_semaphore, #tpu.memory_space<semaphore_mem>>
          %dma_start3A_52 = arith.constant 0 : i32
          %dma_start3A_53 = tpu.memref_slice %arg8[%mul3A_25, %dma_start3A_52] : memref<16x128xi32, #tpu.memory_space<vmem>> -> memref<1x128xi32, #tpu.memory_space<vmem>>
          %dma_start3A_54 = tpu.memref_squeeze %dma_start3A_53 : memref<1x128xi32, #tpu.memory_space<vmem>> -> memref<128xi32, #tpu.memory_space<vmem>>
          %dma_start3A_55 = arith.constant 0 : i32
          %dma_start3A_56 = arith.constant 0 : i32
          %dma_start3A_57 = tpu.memref_slice %arg11[%dma_start3A_55, %dma_start3A_56] : memref<10240x128xf32, #tpu.memory_space<vmem_shared>> -> memref<10240x128xf32, #tpu.memory_space<vmem_shared>>
          tpu.enqueue_indirect_dma source(%arg9 : memref<128x128xf32, #tpu.memory_space<vmem>>) target(%dma_start3A_57 : memref<10240x128xf32, #tpu.memory_space<vmem_shared>>) offsets(%dma_start3A_54 : memref<128xi32, #tpu.memory_space<vmem>>) semaphore(%run_scoped3A : memref<!tpu.dma_semaphore, #tpu.memory_space<semaphore_mem>>) {add = true}
          %dma_wait3A_58 = arith.constant 0 : i32
          %dma_wait3A_59 = tpu.memref_slice %arg8[%mul3A_25, %dma_wait3A_58] : memref<16x128xi32, #tpu.memory_space<vmem>> -> memref<1x128xi32, #tpu.memory_space<vmem>>
          %dma_wait3A_60 = tpu.memref_squeeze %dma_wait3A_59 : memref<1x128xi32, #tpu.memory_space<vmem>> -> memref<128xi32, #tpu.memory_space<vmem>>
          %dma_wait3A_61 = arith.constant 0 : i32
          %dma_wait3A_62 = arith.constant 0 : i32
          %dma_wait3A_63 = tpu.memref_slice %arg11[%dma_wait3A_61, %dma_wait3A_62] : memref<10240x128xf32, #tpu.memory_space<vmem_shared>> -> memref<10240x128xf32, #tpu.memory_space<vmem_shared>>
          tpu.wait_indirect_dma semaphore(%run_scoped3A : memref<!tpu.dma_semaphore, #tpu.memory_space<semaphore_mem>>) src(%arg9 : memref<128x128xf32, #tpu.memory_space<vmem>>) dst(%dma_wait3A_63 : memref<10240x128xf32, #tpu.memory_space<vmem_shared>>)
          tpu.yield
        }) : () -> ()
        %add3A_38 = arith.constant 2 : i32
        %add3A_39 = arith.addi %mul3A_25, %add3A_38 : i32
        %lt3A = arith.constant 16 : i32
        %lt3A_40 = arith.cmpi slt, %add3A_39, %lt3A : i32
        %convert_element_type3A = arith.extui %lt3A_40 : i1 to i32
        %cond3A = arith.constant 0 : i32
        %cond3A_41 = arith.cmpi ne, %convert_element_type3A, %cond3A : i32
        scf.if %cond3A_41 {
          %add3A_52 = arith.constant 2 : i32
          %add3A_53 = arith.addi %mul3A_25, %add3A_52 : i32
          %dma_start3A_54 = arith.constant 0 : i32
          %dma_start3A_55 = tpu.memref_slice %arg7[%add3A_53, %dma_start3A_54] : memref<16x128xi32, #tpu.memory_space<vmem>> -> memref<1x128xi32, #tpu.memory_space<vmem>>
          %dma_start3A_56 = tpu.memref_squeeze %dma_start3A_55 : memref<1x128xi32, #tpu.memory_space<vmem>> -> memref<128xi32, #tpu.memory_space<vmem>>
          %dma_start3A_57 = arith.constant 0 : i32
          %dma_start3A_58 = arith.constant 0 : i32
          %dma_start3A_59 = tpu.memref_slice %arg2[%dma_start3A_57, %dma_start3A_58] : memref<20480x128xf32, #tpu.memory_space<hbm>> -> memref<20480x128xf32, #tpu.memory_space<hbm>>
          tpu.enqueue_indirect_dma source(%dma_start3A_59 : memref<20480x128xf32, #tpu.memory_space<hbm>>) target(%arg9 : memref<128x128xf32, #tpu.memory_space<vmem>>) offsets(%dma_start3A_56 : memref<128xi32, #tpu.memory_space<vmem>>) semaphore(%arg12 : memref<!tpu.dma_semaphore, #tpu.memory_space<semaphore_mem>>)
        } else {
        }
        %add3A_42 = arith.constant 1 : i32
        %add3A_43 = arith.addi %mul3A_25, %add3A_42 : i32
        %dma_wait3A_44 = arith.constant 0 : i32
        %dma_wait3A_45 = tpu.memref_slice %arg7[%add3A_43, %dma_wait3A_44] : memref<16x128xi32, #tpu.memory_space<vmem>> -> memref<1x128xi32, #tpu.memory_space<vmem>>
        %dma_wait3A_46 = tpu.memref_squeeze %dma_wait3A_45 : memref<1x128xi32, #tpu.memory_space<vmem>> -> memref<128xi32, #tpu.memory_space<vmem>>
        %dma_wait3A_47 = arith.constant 0 : i32
        %dma_wait3A_48 = arith.constant 0 : i32
        %dma_wait3A_49 = tpu.memref_slice %arg2[%dma_wait3A_47, %dma_wait3A_48] : memref<20480x128xf32, #tpu.memory_space<hbm>> -> memref<20480x128xf32, #tpu.memory_space<hbm>>
        tpu.wait_indirect_dma semaphore(%arg13 : memref<!tpu.dma_semaphore, #tpu.memory_space<semaphore_mem>>) src(%dma_wait3A_49 : memref<20480x128xf32, #tpu.memory_space<hbm>>) dst(%arg10 : memref<128x128xf32, #tpu.memory_space<vmem>>)
        %add3A_50 = arith.constant 1 : i32
        %add3A_51 = arith.addi %mul3A_25, %add3A_50 : i32
        "tpu.region"() ({
          %run_scoped3A = tpu.sem_alloc : memref<!tpu.dma_semaphore, #tpu.memory_space<semaphore_mem>>
          %dma_start3A_52 = arith.constant 0 : i32
          %dma_start3A_53 = tpu.memref_slice %arg8[%add3A_51, %dma_start3A_52] : memref<16x128xi32, #tpu.memory_space<vmem>> -> memref<1x128xi32, #tpu.memory_space<vmem>>
          %dma_start3A_54 = tpu.memref_squeeze %dma_start3A_53 : memref<1x128xi32, #tpu.memory_space<vmem>> -> memref<128xi32, #tpu.memory_space<vmem>>
          %dma_start3A_55 = arith.constant 0 : i32
          %dma_start3A_56 = arith.constant 0 : i32
          %dma_start3A_57 = tpu.memref_slice %arg11[%dma_start3A_55, %dma_start3A_56] : memref<10240x128xf32, #tpu.memory_space<vmem_shared>> -> memref<10240x128xf32, #tpu.memory_space<vmem_shared>>
          tpu.enqueue_indirect_dma source(%arg10 : memref<128x128xf32, #tpu.memory_space<vmem>>) target(%dma_start3A_57 : memref<10240x128xf32, #tpu.memory_space<vmem_shared>>) offsets(%dma_start3A_54 : memref<128xi32, #tpu.memory_space<vmem>>) semaphore(%run_scoped3A : memref<!tpu.dma_semaphore, #tpu.memory_space<semaphore_mem>>) {add = true}
          %dma_wait3A_58 = arith.constant 0 : i32
          %dma_wait3A_59 = tpu.memref_slice %arg8[%add3A_51, %dma_wait3A_58] : memref<16x128xi32, #tpu.memory_space<vmem>> -> memref<1x128xi32, #tpu.memory_space<vmem>>
          %dma_wait3A_60 = tpu.memref_squeeze %dma_wait3A_59 : memref<1x128xi32, #tpu.memory_space<vmem>> -> memref<128xi32, #tpu.memory_space<vmem>>
          %dma_wait3A_61 = arith.constant 0 : i32
          %dma_wait3A_62 = arith.constant 0 : i32
          %dma_wait3A_63 = tpu.memref_slice %arg11[%dma_wait3A_61, %dma_wait3A_62] : memref<10240x128xf32, #tpu.memory_space<vmem_shared>> -> memref<10240x128xf32, #tpu.memory_space<vmem_shared>>
          tpu.wait_indirect_dma semaphore(%run_scoped3A : memref<!tpu.dma_semaphore, #tpu.memory_space<semaphore_mem>>) src(%arg10 : memref<128x128xf32, #tpu.memory_space<vmem>>) dst(%dma_wait3A_63 : memref<10240x128xf32, #tpu.memory_space<vmem_shared>>)
          tpu.yield
        }) : () -> ()
      }
      %scan3A_22 = arith.constant 8 : i32
    }
    %scan3A_5 = arith.constant 10 : i32
    %barrier3A_6 = arith.constant 0 : index
    tpu.barrier barrier_id(%barrier3A_6)
    %mul3A_7 = arith.constant 640 : i32
    %mul3A_8 = arith.muli %arg1, %mul3A_7 : i32
    %mul3A_9 = arith.constant 640 : i32
    %mul3A_10 = arith.muli %arg1, %mul3A_9 : i32
    "tpu.region"() ({
      %run_scoped3A = tpu.sem_alloc : memref<!tpu.dma_semaphore, #tpu.memory_space<semaphore_mem>>
      %dma_start3A = arith.constant 0 : i32
      %dma_start3A_11 = tpu.memref_slice %arg6[%arg0, %mul3A_10, %dma_start3A] : memref<2x10240x128xf32, #tpu.memory_space<hbm>> -> memref<1x640x128xf32, #tpu.memory_space<hbm>>
      %dma_start3A_12 = tpu.memref_squeeze %dma_start3A_11 : memref<1x640x128xf32, #tpu.memory_space<hbm>> -> memref<640x128xf32, #tpu.memory_space<hbm>>
      %dma_start3A_13 = arith.constant 0 : i32
      %dma_start3A_14 = tpu.memref_slice %arg11[%mul3A_8, %dma_start3A_13] : memref<10240x128xf32, #tpu.memory_space<vmem_shared>> -> memref<640x128xf32, #tpu.memory_space<vmem_shared>>
      tpu.enqueue_dma source(%dma_start3A_14 : memref<640x128xf32, #tpu.memory_space<vmem_shared>>) target(%dma_start3A_12 : memref<640x128xf32, #tpu.memory_space<hbm>>) target_semaphore(%run_scoped3A : memref<!tpu.dma_semaphore, #tpu.memory_space<semaphore_mem>>)
      %dma_wait3A = arith.constant 0 : i32
      %dma_wait3A_15 = tpu.memref_slice %arg6[%arg0, %mul3A_10, %dma_wait3A] : memref<2x10240x128xf32, #tpu.memory_space<hbm>> -> memref<1x640x128xf32, #tpu.memory_space<hbm>>
      %dma_wait3A_16 = tpu.memref_squeeze %dma_wait3A_15 : memref<1x640x128xf32, #tpu.memory_space<hbm>> -> memref<640x128xf32, #tpu.memory_space<hbm>>
      %dma_wait3A_17 = arith.constant 0 : i32
      %dma_wait3A_18 = tpu.memref_slice %arg11[%mul3A_8, %dma_wait3A_17] : memref<10240x128xf32, #tpu.memory_space<vmem_shared>> -> memref<640x128xf32, #tpu.memory_space<vmem_shared>>
      tpu.wait_dma2 semaphore(%run_scoped3A : memref<!tpu.dma_semaphore, #tpu.memory_space<semaphore_mem>>) src(%dma_wait3A_18 : memref<640x128xf32, #tpu.memory_space<vmem_shared>>) dst(%dma_wait3A_16 : memref<640x128xf32, #tpu.memory_space<hbm>>)
      tpu.yield
    }) : () -> ()
    return
  }
}

module attributes {stable_mosaic.version = 14 : i64} {
  func.func @_mlp_body(%arg0: i32, %arg1: memref<1x10000x128xf32, #tpu.memory_space<vmem>>, %arg2: memref<1x10000x128xf32, #tpu.memory_space<vmem>>, %arg3: memref<128x128xf32, #tpu.memory_space<vmem>>, %arg4: memref<128xf32, #tpu.memory_space<vmem>>, %arg5: memref<128xf32, #tpu.memory_space<vmem>>, %arg6: memref<128xf32, #tpu.memory_space<vmem>>, %arg7: memref<128x128xf32, #tpu.memory_space<vmem>>, %arg8: memref<128xf32, #tpu.memory_space<vmem>>, %arg9: memref<1x10000x128xf32, #tpu.memory_space<vmem>>) attributes {dimension_semantics = [#tpu.dimension_semantics<arbitrary>], iteration_bounds = array<i64: 2>, scalar_prefetch = 0 : i64, scratch_operands = 0 : i64, tpu.core_type = #tpu.core_type<tc>, window_params = [{transform_indices = @transform_0, window_bounds = array<i64: 1, 10000, 128>}, {transform_indices = @transform_1, window_bounds = array<i64: 1, 10000, 128>}, {pipeline_mode = #tpu.pipeline_mode<synchronous>, transform_indices = @transform_2, window_bounds = array<i64: 128, 128>}, {pipeline_mode = #tpu.pipeline_mode<synchronous>, transform_indices = @transform_3, window_bounds = array<i64: 128>}, {pipeline_mode = #tpu.pipeline_mode<synchronous>, transform_indices = @transform_4, window_bounds = array<i64: 128>}, {pipeline_mode = #tpu.pipeline_mode<synchronous>, transform_indices = @transform_5, window_bounds = array<i64: 128>}, {pipeline_mode = #tpu.pipeline_mode<synchronous>, transform_indices = @transform_6, window_bounds = array<i64: 128, 128>}, {pipeline_mode = #tpu.pipeline_mode<synchronous>, transform_indices = @transform_7, window_bounds = array<i64: 128>}, {transform_indices = @transform_8, window_bounds = array<i64: 1, 10000, 128>}]} {
    %get3A = arith.constant 0 : index
    %get3A_0 = arith.constant 0 : index
    %get3A_1 = arith.constant 0 : index
    %get3A_2 = vector.load %arg1[%get3A, %get3A_0, %get3A_1] : memref<1x10000x128xf32, #tpu.memory_space<vmem>>, vector<1x10000x128xf32>
    %get3A_3 = vector.shape_cast %get3A_2 : vector<1x10000x128xf32> to vector<10000x128xf32>
    %get3A_4 = arith.constant 0 : index
    %get3A_5 = arith.constant 0 : index
    %get3A_6 = arith.constant 0 : index
    %get3A_7 = vector.load %arg2[%get3A_4, %get3A_5, %get3A_6] : memref<1x10000x128xf32, #tpu.memory_space<vmem>>, vector<1x10000x128xf32>
    %get3A_8 = vector.shape_cast %get3A_7 : vector<1x10000x128xf32> to vector<10000x128xf32>
    %add3A = arith.addf %get3A_3, %get3A_8 : vector<10000x128xf32>
    %get3A_9 = arith.constant 0 : index
    %get3A_10 = arith.constant 0 : index
    %get3A_11 = vector.load %arg3[%get3A_9, %get3A_10] : memref<128x128xf32, #tpu.memory_space<vmem>>, vector<128x128xf32>
    %transpose3A = tpu.transpose %get3A_11, [1, 0] : vector<128x128xf32> -> vector<128x128xf32>
    %dot_general3A = arith.constant dense<0.000000e+00> : vector<10000x128xf32>
    %dot_general3A_12 = tpu.matmul %add3A, %transpose3A, %dot_general3A {dimension_numbers = #tpu.dot_dimension_numbers<[1], [0], [0], [1], [0, 0, 1, 1], [], []>, transpose_lhs_hint = false} : vector<10000x128xf32>, vector<128x128xf32>, vector<10000x128xf32> -> vector<10000x128xf32>
    %get3A_13 = arith.constant 0 : index
    %get3A_14 = vector.load %arg4[%get3A_13] : memref<128xf32, #tpu.memory_space<vmem>>, vector<128xf32>
    %broadcast_in_dim3A = vector.shape_cast %get3A_14 : vector<128xf32> to vector<1x128xf32>
    %add3A_15 = vector.broadcast %broadcast_in_dim3A : vector<1x128xf32> to vector<10000x128xf32>
    %add3A_16 = arith.addf %dot_general3A_12, %add3A_15 : vector<10000x128xf32>
    %reduce_sum3A = arith.constant dense<0.000000e+00> : vector<128xf32>
    %reduce_sum3A_17 = vector.multi_reduction <add>, %add3A_16, %reduce_sum3A [0] : vector<10000x128xf32> to vector<128xf32>
    %broadcast_in_dim3A_18 = vector.shape_cast %reduce_sum3A_17 : vector<128xf32> to vector<1x128xf32>
    %div3A = arith.constant 1.000000e+04 : f32
    %div3A_19 = vector.broadcast %div3A : f32 to vector<1x128xf32>
    %div3A_20 = arith.divf %broadcast_in_dim3A_18, %div3A_19 : vector<1x128xf32>
    %sub3A = vector.broadcast %div3A_20 : vector<1x128xf32> to vector<10000x128xf32>
    %sub3A_21 = arith.subf %add3A_16, %sub3A : vector<10000x128xf32>
    %integer_pow3A = arith.mulf %sub3A_21, %sub3A_21 : vector<10000x128xf32>
    %reduce_sum3A_22 = arith.constant dense<0.000000e+00> : vector<128xf32>
    %reduce_sum3A_23 = vector.multi_reduction <add>, %integer_pow3A, %reduce_sum3A_22 [0] : vector<10000x128xf32> to vector<128xf32>
    %broadcast_in_dim3A_24 = vector.shape_cast %reduce_sum3A_23 : vector<128xf32> to vector<1x128xf32>
    %div3A_25 = arith.constant 1.000000e+04 : f32
    %div3A_26 = vector.broadcast %div3A_25 : f32 to vector<1x128xf32>
    %div3A_27 = arith.divf %broadcast_in_dim3A_24, %div3A_26 : vector<1x128xf32>
    %get3A_28 = arith.constant 0 : index
    %get3A_29 = vector.load %arg5[%get3A_28] : memref<128xf32, #tpu.memory_space<vmem>>, vector<128xf32>
    %sub3A_30 = vector.broadcast %div3A_20 : vector<1x128xf32> to vector<10000x128xf32>
    %sub3A_31 = arith.subf %add3A_16, %sub3A_30 : vector<10000x128xf32>
    %broadcast_in_dim3A_32 = vector.shape_cast %get3A_29 : vector<128xf32> to vector<1x128xf32>
    %mul3A = vector.broadcast %broadcast_in_dim3A_32 : vector<1x128xf32> to vector<10000x128xf32>
    %mul3A_33 = arith.mulf %mul3A, %sub3A_31 : vector<10000x128xf32>
    %add3A_34 = arith.constant 9.99999974E-6 : f32
    %add3A_35 = vector.broadcast %add3A_34 : f32 to vector<1x128xf32>
    %add3A_36 = arith.addf %div3A_27, %add3A_35 : vector<1x128xf32>
    %rsqrt3A = math.rsqrt %add3A_36 : vector<1x128xf32>
    %mul3A_37 = vector.broadcast %rsqrt3A : vector<1x128xf32> to vector<10000x128xf32>
    %mul3A_38 = arith.mulf %mul3A_33, %mul3A_37 : vector<10000x128xf32>
    %get3A_39 = arith.constant 0 : index
    %get3A_40 = vector.load %arg6[%get3A_39] : memref<128xf32, #tpu.memory_space<vmem>>, vector<128xf32>
    %broadcast_in_dim3A_41 = vector.shape_cast %get3A_40 : vector<128xf32> to vector<1x128xf32>
    %add3A_42 = vector.broadcast %broadcast_in_dim3A_41 : vector<1x128xf32> to vector<10000x128xf32>
    %add3A_43 = arith.addf %mul3A_38, %add3A_42 : vector<10000x128xf32>
    %max3A = arith.constant 0.000000e+00 : f32
    %max3A_44 = vector.broadcast %max3A : f32 to vector<10000x128xf32>
    %max3A_45 = arith.maximumf %add3A_43, %max3A_44 : vector<10000x128xf32>
    %get3A_46 = arith.constant 0 : index
    %get3A_47 = arith.constant 0 : index
    %get3A_48 = vector.load %arg7[%get3A_46, %get3A_47] : memref<128x128xf32, #tpu.memory_space<vmem>>, vector<128x128xf32>
    %transpose3A_49 = tpu.transpose %get3A_48, [1, 0] : vector<128x128xf32> -> vector<128x128xf32>
    %dot_general3A_50 = arith.constant dense<0.000000e+00> : vector<10000x128xf32>
    %dot_general3A_51 = tpu.matmul %max3A_45, %transpose3A_49, %dot_general3A_50 {dimension_numbers = #tpu.dot_dimension_numbers<[1], [0], [0], [1], [0, 0, 1, 1], [], []>, transpose_lhs_hint = false} : vector<10000x128xf32>, vector<128x128xf32>, vector<10000x128xf32> -> vector<10000x128xf32>
    %get3A_52 = arith.constant 0 : index
    %get3A_53 = vector.load %arg8[%get3A_52] : memref<128xf32, #tpu.memory_space<vmem>>, vector<128xf32>
    %broadcast_in_dim3A_54 = vector.shape_cast %get3A_53 : vector<128xf32> to vector<1x128xf32>
    %add3A_55 = vector.broadcast %broadcast_in_dim3A_54 : vector<1x128xf32> to vector<10000x128xf32>
    %add3A_56 = arith.addf %dot_general3A_51, %add3A_55 : vector<10000x128xf32>
    %max3A_57 = arith.constant 0.000000e+00 : f32
    %max3A_58 = vector.broadcast %max3A_57 : f32 to vector<10000x128xf32>
    %max3A_59 = arith.maximumf %add3A_56, %max3A_58 : vector<10000x128xf32>
    %swap3A = arith.constant 0 : index
    %swap3A_60 = arith.constant 0 : index
    %swap3A_61 = arith.constant 0 : index
    %swap3A_62 = vector.load %arg9[%swap3A, %swap3A_60, %swap3A_61] : memref<1x10000x128xf32, #tpu.memory_space<vmem>>, vector<1x10000x128xf32>
    %swap3A_63 = vector.shape_cast %swap3A_62 : vector<1x10000x128xf32> to vector<10000x128xf32>
    %swap3A_64 = vector.shape_cast %max3A_59 : vector<10000x128xf32> to vector<1x10000x128xf32>
    tpu.vector_store %arg9[%swap3A, %swap3A_60, %swap3A_61], %swap3A_64 {strides = array<i32>} : memref<1x10000x128xf32, #tpu.memory_space<vmem>>, vector<1x10000x128xf32>,
    return
  }
  func.func @transform_0(%arg0: i32) -> (i32, i32, i32) {
    %c0_i32 = arith.constant 0 : i32
    %c0_i32_0 = arith.constant 0 : i32
    %c0_i32_1 = arith.constant 0 : i32
    return %arg0, %c0_i32, %c0_i32_0 : i32, i32, i32
  }
  func.func @transform_1(%arg0: i32) -> (i32, i32, i32) {
    %c0_i32 = arith.constant 0 : i32
    %c0_i32_0 = arith.constant 0 : i32
    %c0_i32_1 = arith.constant 0 : i32
    return %arg0, %c0_i32, %c0_i32_0 : i32, i32, i32
  }
  func.func @transform_2(%arg0: i32) -> (i32, i32) {
    %c0_i32 = arith.constant 0 : i32
    %c0_i32_0 = arith.constant 0 : i32
    %c0_i32_1 = arith.constant 0 : i32
    return %c0_i32, %c0_i32_0 : i32, i32
  }
  func.func @transform_3(%arg0: i32) -> i32 {
    %c0_i32 = arith.constant 0 : i32
    %c0_i32_0 = arith.constant 0 : i32
    return %c0_i32 : i32
  }
  func.func @transform_4(%arg0: i32) -> i32 {
    %c0_i32 = arith.constant 0 : i32
    %c0_i32_0 = arith.constant 0 : i32
    return %c0_i32 : i32
  }
  func.func @transform_5(%arg0: i32) -> i32 {
    %c0_i32 = arith.constant 0 : i32
    %c0_i32_0 = arith.constant 0 : i32
    return %c0_i32 : i32
  }
  func.func @transform_6(%arg0: i32) -> (i32, i32) {
    %c0_i32 = arith.constant 0 : i32
    %c0_i32_0 = arith.constant 0 : i32
    %c0_i32_1 = arith.constant 0 : i32
    return %c0_i32, %c0_i32_0 : i32, i32
  }
  func.func @transform_7(%arg0: i32) -> i32 {
    %c0_i32 = arith.constant 0 : i32
    %c0_i32_0 = arith.constant 0 : i32
    return %c0_i32 : i32
  }
  func.func @transform_8(%arg0: i32) -> (i32, i32, i32) {
    %c0_i32 = arith.constant 0 : i32
    %c0_i32_0 = arith.constant 0 : i32
    %c0_i32_1 = arith.constant 0 : i32
    return %arg0, %c0_i32, %c0_i32_0 : i32, i32, i32
  }
}

module attributes {stable_mosaic.version = 14 : i64} {
  func.func @_mlp_body(%arg0: i32, %arg1: memref<1x10000x128xf32, #tpu.memory_space<vmem>>, %arg2: memref<1x10000x128xf32, #tpu.memory_space<vmem>>, %arg3: memref<128x128xf32, #tpu.memory_space<vmem>>, %arg4: memref<128xf32, #tpu.memory_space<vmem>>, %arg5: memref<128xf32, #tpu.memory_space<vmem>>, %arg6: memref<128xf32, #tpu.memory_space<vmem>>, %arg7: memref<128x128xf32, #tpu.memory_space<vmem>>, %arg8: memref<128xf32, #tpu.memory_space<vmem>>, %arg9: memref<1x10000x128xf32, #tpu.memory_space<vmem>>) attributes {dimension_semantics = [#tpu.dimension_semantics<arbitrary>], iteration_bounds = array<i64: 2>, scalar_prefetch = 0 : i64, scratch_operands = 0 : i64, tpu.core_type = #tpu.core_type<tc>, window_params = [{transform_indices = @transform_0, window_bounds = array<i64: 1, 10000, 128>}, {transform_indices = @transform_1, window_bounds = array<i64: 1, 10000, 128>}, {pipeline_mode = #tpu.pipeline_mode<synchronous>, transform_indices = @transform_2, window_bounds = array<i64: 128, 128>}, {pipeline_mode = #tpu.pipeline_mode<synchronous>, transform_indices = @transform_3, window_bounds = array<i64: 128>}, {pipeline_mode = #tpu.pipeline_mode<synchronous>, transform_indices = @transform_4, window_bounds = array<i64: 128>}, {pipeline_mode = #tpu.pipeline_mode<synchronous>, transform_indices = @transform_5, window_bounds = array<i64: 128>}, {pipeline_mode = #tpu.pipeline_mode<synchronous>, transform_indices = @transform_6, window_bounds = array<i64: 128, 128>}, {pipeline_mode = #tpu.pipeline_mode<synchronous>, transform_indices = @transform_7, window_bounds = array<i64: 128>}, {transform_indices = @transform_8, window_bounds = array<i64: 1, 10000, 128>}]} {
    %get3A = arith.constant 0 : index
    %get3A_0 = arith.constant 0 : index
    %get3A_1 = arith.constant 0 : index
    %get3A_2 = vector.load %arg1[%get3A, %get3A_0, %get3A_1] : memref<1x10000x128xf32, #tpu.memory_space<vmem>>, vector<1x10000x128xf32>
    %get3A_3 = vector.shape_cast %get3A_2 : vector<1x10000x128xf32> to vector<10000x128xf32>
    %get3A_4 = arith.constant 0 : index
    %get3A_5 = arith.constant 0 : index
    %get3A_6 = arith.constant 0 : index
    %get3A_7 = vector.load %arg2[%get3A_4, %get3A_5, %get3A_6] : memref<1x10000x128xf32, #tpu.memory_space<vmem>>, vector<1x10000x128xf32>
    %get3A_8 = vector.shape_cast %get3A_7 : vector<1x10000x128xf32> to vector<10000x128xf32>
    %add3A = arith.addf %get3A_3, %get3A_8 : vector<10000x128xf32>
    %get3A_9 = arith.constant 0 : index
    %get3A_10 = arith.constant 0 : index
    %get3A_11 = vector.load %arg3[%get3A_9, %get3A_10] : memref<128x128xf32, #tpu.memory_space<vmem>>, vector<128x128xf32>
    %transpose3A = tpu.transpose %get3A_11, [1, 0] : vector<128x128xf32> -> vector<128x128xf32>
    %dot_general3A = arith.constant dense<0.000000e+00> : vector<10000x128xf32>
    %dot_general3A_12 = tpu.matmul %add3A, %transpose3A, %dot_general3A {dimension_numbers = #tpu.dot_dimension_numbers<[1], [0], [0], [1], [0, 0, 1, 1], [], []>, transpose_lhs_hint = false} : vector<10000x128xf32>, vector<128x128xf32>, vector<10000x128xf32> -> vector<10000x128xf32>
    %get3A_13 = arith.constant 0 : index
    %get3A_14 = vector.load %arg4[%get3A_13] : memref<128xf32, #tpu.memory_space<vmem>>, vector<128xf32>
    %broadcast_in_dim3A = vector.shape_cast %get3A_14 : vector<128xf32> to vector<1x128xf32>
    %add3A_15 = vector.broadcast %broadcast_in_dim3A : vector<1x128xf32> to vector<10000x128xf32>
    %add3A_16 = arith.addf %dot_general3A_12, %add3A_15 : vector<10000x128xf32>
    %reduce_sum3A = arith.constant dense<0.000000e+00> : vector<128xf32>
    %reduce_sum3A_17 = vector.multi_reduction <add>, %add3A_16, %reduce_sum3A [0] : vector<10000x128xf32> to vector<128xf32>
    %broadcast_in_dim3A_18 = vector.shape_cast %reduce_sum3A_17 : vector<128xf32> to vector<1x128xf32>
    %div3A = arith.constant 1.000000e+04 : f32
    %div3A_19 = vector.broadcast %div3A : f32 to vector<1x128xf32>
    %div3A_20 = arith.divf %broadcast_in_dim3A_18, %div3A_19 : vector<1x128xf32>
    %sub3A = vector.broadcast %div3A_20 : vector<1x128xf32> to vector<10000x128xf32>
    %sub3A_21 = arith.subf %add3A_16, %sub3A : vector<10000x128xf32>
    %integer_pow3A = arith.mulf %sub3A_21, %sub3A_21 : vector<10000x128xf32>
    %reduce_sum3A_22 = arith.constant dense<0.000000e+00> : vector<128xf32>
    %reduce_sum3A_23 = vector.multi_reduction <add>, %integer_pow3A, %reduce_sum3A_22 [0] : vector<10000x128xf32> to vector<128xf32>
    %broadcast_in_dim3A_24 = vector.shape_cast %reduce_sum3A_23 : vector<128xf32> to vector<1x128xf32>
    %div3A_25 = arith.constant 1.000000e+04 : f32
    %div3A_26 = vector.broadcast %div3A_25 : f32 to vector<1x128xf32>
    %div3A_27 = arith.divf %broadcast_in_dim3A_24, %div3A_26 : vector<1x128xf32>
    %get3A_28 = arith.constant 0 : index
    %get3A_29 = vector.load %arg5[%get3A_28] : memref<128xf32, #tpu.memory_space<vmem>>, vector<128xf32>
    %sub3A_30 = vector.broadcast %div3A_20 : vector<1x128xf32> to vector<10000x128xf32>
    %sub3A_31 = arith.subf %add3A_16, %sub3A_30 : vector<10000x128xf32>
    %broadcast_in_dim3A_32 = vector.shape_cast %get3A_29 : vector<128xf32> to vector<1x128xf32>
    %mul3A = vector.broadcast %broadcast_in_dim3A_32 : vector<1x128xf32> to vector<10000x128xf32>
    %mul3A_33 = arith.mulf %mul3A, %sub3A_31 : vector<10000x128xf32>
    %add3A_34 = arith.constant 9.99999974E-6 : f32
    %add3A_35 = vector.broadcast %add3A_34 : f32 to vector<1x128xf32>
    %add3A_36 = arith.addf %div3A_27, %add3A_35 : vector<1x128xf32>
    %rsqrt3A = math.rsqrt %add3A_36 : vector<1x128xf32>
    %mul3A_37 = vector.broadcast %rsqrt3A : vector<1x128xf32> to vector<10000x128xf32>
    %mul3A_38 = arith.mulf %mul3A_33, %mul3A_37 : vector<10000x128xf32>
    %get3A_39 = arith.constant 0 : index
    %get3A_40 = vector.load %arg6[%get3A_39] : memref<128xf32, #tpu.memory_space<vmem>>, vector<128xf32>
    %broadcast_in_dim3A_41 = vector.shape_cast %get3A_40 : vector<128xf32> to vector<1x128xf32>
    %add3A_42 = vector.broadcast %broadcast_in_dim3A_41 : vector<1x128xf32> to vector<10000x128xf32>
    %add3A_43 = arith.addf %mul3A_38, %add3A_42 : vector<10000x128xf32>
    %max3A = arith.constant 0.000000e+00 : f32
    %max3A_44 = vector.broadcast %max3A : f32 to vector<10000x128xf32>
    %max3A_45 = arith.maximumf %add3A_43, %max3A_44 : vector<10000x128xf32>
    %get3A_46 = arith.constant 0 : index
    %get3A_47 = arith.constant 0 : index
    %get3A_48 = vector.load %arg7[%get3A_46, %get3A_47] : memref<128x128xf32, #tpu.memory_space<vmem>>, vector<128x128xf32>
    %transpose3A_49 = tpu.transpose %get3A_48, [1, 0] : vector<128x128xf32> -> vector<128x128xf32>
    %dot_general3A_50 = arith.constant dense<0.000000e+00> : vector<10000x128xf32>
    %dot_general3A_51 = tpu.matmul %max3A_45, %transpose3A_49, %dot_general3A_50 {dimension_numbers = #tpu.dot_dimension_numbers<[1], [0], [0], [1], [0, 0, 1, 1], [], []>, transpose_lhs_hint = false} : vector<10000x128xf32>, vector<128x128xf32>, vector<10000x128xf32> -> vector<10000x128xf32>
    %get3A_52 = arith.constant 0 : index
    %get3A_53 = vector.load %arg8[%get3A_52] : memref<128xf32, #tpu.memory_space<vmem>>, vector<128xf32>
    %broadcast_in_dim3A_54 = vector.shape_cast %get3A_53 : vector<128xf32> to vector<1x128xf32>
    %add3A_55 = vector.broadcast %broadcast_in_dim3A_54 : vector<1x128xf32> to vector<10000x128xf32>
    %add3A_56 = arith.addf %dot_general3A_51, %add3A_55 : vector<10000x128xf32>
    %max3A_57 = arith.constant 0.000000e+00 : f32
    %max3A_58 = vector.broadcast %max3A_57 : f32 to vector<10000x128xf32>
    %max3A_59 = arith.maximumf %add3A_56, %max3A_58 : vector<10000x128xf32>
    %swap3A = arith.constant 0 : index
    %swap3A_60 = arith.constant 0 : index
    %swap3A_61 = arith.constant 0 : index
    %swap3A_62 = vector.load %arg9[%swap3A, %swap3A_60, %swap3A_61] : memref<1x10000x128xf32, #tpu.memory_space<vmem>>, vector<1x10000x128xf32>
    %swap3A_63 = vector.shape_cast %swap3A_62 : vector<1x10000x128xf32> to vector<10000x128xf32>
    %swap3A_64 = vector.shape_cast %max3A_59 : vector<10000x128xf32> to vector<1x10000x128xf32>
    tpu.vector_store %arg9[%swap3A, %swap3A_60, %swap3A_61], %swap3A_64 {strides = array<i32>} : memref<1x10000x128xf32, #tpu.memory_space<vmem>>, vector<1x10000x128xf32>,
    return
  }
  func.func @transform_0(%arg0: i32) -> (i32, i32, i32) {
    %c0_i32 = arith.constant 0 : i32
    %c0_i32_0 = arith.constant 0 : i32
    %c0_i32_1 = arith.constant 0 : i32
    return %arg0, %c0_i32, %c0_i32_0 : i32, i32, i32
  }
  func.func @transform_1(%arg0: i32) -> (i32, i32, i32) {
    %c0_i32 = arith.constant 0 : i32
    %c0_i32_0 = arith.constant 0 : i32
    %c0_i32_1 = arith.constant 0 : i32
    return %arg0, %c0_i32, %c0_i32_0 : i32, i32, i32
  }
  func.func @transform_2(%arg0: i32) -> (i32, i32) {
    %c0_i32 = arith.constant 0 : i32
    %c0_i32_0 = arith.constant 0 : i32
    %c0_i32_1 = arith.constant 0 : i32
    return %c0_i32, %c0_i32_0 : i32, i32
  }
  func.func @transform_3(%arg0: i32) -> i32 {
    %c0_i32 = arith.constant 0 : i32
    %c0_i32_0 = arith.constant 0 : i32
    return %c0_i32 : i32
  }
  func.func @transform_4(%arg0: i32) -> i32 {
    %c0_i32 = arith.constant 0 : i32
    %c0_i32_0 = arith.constant 0 : i32
    return %c0_i32 : i32
  }
  func.func @transform_5(%arg0: i32) -> i32 {
    %c0_i32 = arith.constant 0 : i32
    %c0_i32_0 = arith.constant 0 : i32
    return %c0_i32 : i32
  }
  func.func @transform_6(%arg0: i32) -> (i32, i32) {
    %c0_i32 = arith.constant 0 : i32
    %c0_i32_0 = arith.constant 0 : i32
    %c0_i32_1 = arith.constant 0 : i32
    return %c0_i32, %c0_i32_0 : i32, i32
  }
  func.func @transform_7(%arg0: i32) -> i32 {
    %c0_i32 = arith.constant 0 : i32
    %c0_i32_0 = arith.constant 0 : i32
    return %c0_i32 : i32
  }
  func.func @transform_8(%arg0: i32) -> (i32, i32, i32) {
    %c0_i32 = arith.constant 0 : i32
    %c0_i32_0 = arith.constant 0 : i32
    %c0_i32_1 = arith.constant 0 : i32
    return %arg0, %c0_i32, %c0_i32_0 : i32, i32, i32
  }
}

module attributes {stable_mosaic.version = 14 : i64} {
  func.func @_readout_body(%arg0: memref<10000x128xf32, #tpu.memory_space<vmem>>, %arg1: memref<10000x128xf32, #tpu.memory_space<vmem>>, %arg2: memref<128x128xf32, #tpu.memory_space<vmem>>, %arg3: memref<1x1xf32, #tpu.memory_space<vmem>>) attributes {dimension_semantics = [], scalar_prefetch = 0 : i64, scratch_operands = 0 : i64, tpu.core_type = #tpu.core_type<tc>} {
    %get3A = arith.constant 0 : index
    %get3A_0 = arith.constant 0 : index
    %get3A_1 = vector.load %arg0[%get3A, %get3A_0] : memref<10000x128xf32, #tpu.memory_space<vmem>>, vector<10000x128xf32>
    %get3A_2 = arith.constant 0 : index
    %get3A_3 = arith.constant 0 : index
    %get3A_4 = vector.load %arg1[%get3A_2, %get3A_3] : memref<10000x128xf32, #tpu.memory_space<vmem>>, vector<10000x128xf32>
    %reduce_sum3A = arith.constant dense<0.000000e+00> : vector<128xf32>
    %reduce_sum3A_5 = vector.multi_reduction <add>, %get3A_1, %reduce_sum3A [0] : vector<10000x128xf32> to vector<128xf32>
    %broadcast_in_dim3A = vector.shape_cast %reduce_sum3A_5 : vector<128xf32> to vector<1x128xf32>
    %div3A = arith.constant 1.000000e+04 : f32
    %div3A_6 = vector.broadcast %div3A : f32 to vector<1x128xf32>
    %div3A_7 = arith.divf %broadcast_in_dim3A, %div3A_6 : vector<1x128xf32>
    %logistic3A = arith.negf %div3A_7 : vector<1x128xf32>
    %logistic3A_8 = math.exp %logistic3A : vector<1x128xf32>
    %logistic3A_9 = arith.constant 1.000000e+00 : f32
    %logistic3A_10 = vector.broadcast %logistic3A_9 : f32 to vector<1x128xf32>
    %logistic3A_11 = arith.addf %logistic3A_10, %logistic3A_8 : vector<1x128xf32>
    %logistic3A_12 = arith.divf %logistic3A_10, %logistic3A_11 : vector<1x128xf32>
    %get3A_13 = arith.constant 0 : index
    %get3A_14 = arith.constant 0 : index
    %get3A_15 = vector.load %arg2[%get3A_13, %get3A_14] : memref<128x128xf32, #tpu.memory_space<vmem>>, vector<128x128xf32>
    %transpose3A = tpu.transpose %get3A_15, [1, 0] : vector<128x128xf32> -> vector<128x128xf32>
    %transpose3A_16 = tpu.transpose %logistic3A_12, [1, 0] : vector<1x128xf32> -> vector<128x1xf32>
    %dot_general3A = arith.constant dense<0.000000e+00> : vector<128x1xf32>
    %dot_general3A_17 = tpu.matmul %transpose3A, %transpose3A_16, %dot_general3A {dimension_numbers = #tpu.dot_dimension_numbers<[1], [0], [0], [1], [0, 0, 1, 1], [], []>, transpose_lhs_hint = false} : vector<128x128xf32>, vector<128x1xf32>, vector<128x1xf32> -> vector<128x1xf32>
    %dot_general3A_18 = arith.constant dense<0.000000e+00> : vector<10000x1xf32>
    %dot_general3A_19 = tpu.matmul %get3A_1, %dot_general3A_17, %dot_general3A_18 {dimension_numbers = #tpu.dot_dimension_numbers<[1], [0], [0], [1], [0, 0, 1, 1], [], []>, transpose_lhs_hint = false} : vector<10000x128xf32>, vector<128x1xf32>, vector<10000x1xf32> -> vector<10000x1xf32>
    %logistic3A_20 = arith.negf %dot_general3A_19 : vector<10000x1xf32>
    %logistic3A_21 = math.exp %logistic3A_20 : vector<10000x1xf32>
    %logistic3A_22 = arith.constant 1.000000e+00 : f32
    %logistic3A_23 = vector.broadcast %logistic3A_22 : f32 to vector<10000x1xf32>
    %logistic3A_24 = arith.addf %logistic3A_23, %logistic3A_21 : vector<10000x1xf32>
    %logistic3A_25 = arith.divf %logistic3A_23, %logistic3A_24 : vector<10000x1xf32>
    %dot_general3A_26 = arith.constant dense<0.000000e+00> : vector<10000x1xf32>
    %dot_general3A_27 = tpu.matmul %get3A_4, %dot_general3A_17, %dot_general3A_26 {dimension_numbers = #tpu.dot_dimension_numbers<[1], [0], [0], [1], [0, 0, 1, 1], [], []>, transpose_lhs_hint = false} : vector<10000x128xf32>, vector<128x1xf32>, vector<10000x1xf32> -> vector<10000x1xf32>
    %logistic3A_28 = arith.negf %dot_general3A_27 : vector<10000x1xf32>
    %logistic3A_29 = math.exp %logistic3A_28 : vector<10000x1xf32>
    %logistic3A_30 = arith.constant 1.000000e+00 : f32
    %logistic3A_31 = vector.broadcast %logistic3A_30 : f32 to vector<10000x1xf32>
    %logistic3A_32 = arith.addf %logistic3A_31, %logistic3A_29 : vector<10000x1xf32>
    %logistic3A_33 = arith.divf %logistic3A_31, %logistic3A_32 : vector<10000x1xf32>
    %jit3A = arith.constant 9.99999996E-13 : f32
    %jit3A_34 = arith.constant 1.000000e+00 : f32
    %max3A = vector.broadcast %jit3A : f32 to vector<10000x1xf32>
    %max3A_35 = arith.maximumf %max3A, %logistic3A_25 : vector<10000x1xf32>
    %min3A = vector.broadcast %jit3A_34 : f32 to vector<10000x1xf32>
    %min3A_36 = arith.minimumf %min3A, %max3A_35 : vector<10000x1xf32>
    %jit3A_37 = arith.constant 9.99999996E-13 : f32
    %jit3A_38 = arith.constant 1.000000e+00 : f32
    %max3A_39 = vector.broadcast %jit3A_37 : f32 to vector<10000x1xf32>
    %max3A_40 = arith.maximumf %max3A_39, %logistic3A_33 : vector<10000x1xf32>
    %min3A_41 = vector.broadcast %jit3A_38 : f32 to vector<10000x1xf32>
    %min3A_42 = arith.minimumf %min3A_41, %max3A_40 : vector<10000x1xf32>
    %log3A = math.log %min3A_36 : vector<10000x1xf32>
    %reduce_sum3A_43 = vector.shape_cast %log3A : vector<10000x1xf32> to vector<1x10000x1xf32>
    %reduce_sum3A_44 = arith.constant dense<0.000000e+00> : vector<1xf32>
    %reduce_sum3A_45 = vector.multi_reduction <add>, %reduce_sum3A_43, %reduce_sum3A_44 [1, 2] : vector<1x10000x1xf32> to vector<1xf32>
    %reduce_sum3A_46 = vector.shape_cast %reduce_sum3A_45 : vector<1xf32> to vector<1x1x1xf32>
    %reduce_sum3A_47 = vector.extract %reduce_sum3A_46[0, 0, 0] : f32 from vector<1x1x1xf32>
    %sub3A = arith.constant 1.000000e+00 : f32
    %sub3A_48 = vector.broadcast %sub3A : f32 to vector<10000x1xf32>
    %sub3A_49 = arith.subf %sub3A_48, %min3A_42 : vector<10000x1xf32>
    %log3A_50 = math.log %sub3A_49 : vector<10000x1xf32>
    %reduce_sum3A_51 = vector.shape_cast %log3A_50 : vector<10000x1xf32> to vector<1x10000x1xf32>
    %reduce_sum3A_52 = arith.constant dense<0.000000e+00> : vector<1xf32>
    %reduce_sum3A_53 = vector.multi_reduction <add>, %reduce_sum3A_51, %reduce_sum3A_52 [1, 2] : vector<1x10000x1xf32> to vector<1xf32>
    %reduce_sum3A_54 = vector.shape_cast %reduce_sum3A_53 : vector<1xf32> to vector<1x1x1xf32>
    %reduce_sum3A_55 = vector.extract %reduce_sum3A_54[0, 0, 0] : f32 from vector<1x1x1xf32>
    %add3A = arith.addf %reduce_sum3A_47, %reduce_sum3A_55 : f32
    %neg3A = arith.constant 0.000000e+00 : f32
    %neg3A_56 = arith.subf %neg3A, %add3A : f32
    %div3A_57 = arith.constant 2.000000e+04 : f32
    %div3A_58 = arith.divf %neg3A_56, %div3A_57 : f32
    %broadcast_in_dim3A_59 = vector.broadcast %div3A_58 : f32 to vector<1x1xf32>
    %swap3A = arith.constant 0 : index
    %swap3A_60 = arith.constant 0 : index
    %swap3A_61 = vector.load %arg3[%swap3A, %swap3A_60] : memref<1x1xf32, #tpu.memory_space<vmem>>, vector<1x1xf32>
    tpu.vector_store %arg3[%swap3A, %swap3A_60], %broadcast_in_dim3A_59 {strides = array<i32>} : memref<1x1xf32, #tpu.memory_space<vmem>>, vector<1x1xf32>,
    return
  }
}

</mosaic_0001>

<sc_bundles>
// kernel: kernel.11.cloned.1.call-start
scs
__scs_entry_jumppad:
0x0: {  	(pc) =	sbr.rel $0x88, $3  }
0x1: {  	(tag) =	ssettag $0x0;
	lr =	simm.s32 $0x1  }
0x2: {  	[smem:$0x3F91] =	sst lr;
	_ =	strace $0xD0000000  }
0x3: {  	_ = 	snop  }
0x4: {  	_ = 	snop  }
0x5: {  	_ = 	snop  }
0x6: {  	_ = 	snop  }
0x7: {  	_ = 	snop  }
__scs_overlays_trampoline_lowered:
0x8: {  	[smem:$0x3FA0] =	sst s0  }
0x9: {  	[smem:$0x3FA1] =	sst s1  }
0xa: {  	[smem:$0x3FA2] =	sst s2  }
0xb: {  	[smem:$0x3FA3] =	sst s3  }
0xc: {  	[smem:$0x3FA4] =	sst s4  }
0xd: {  	[smem:$0x3FA5] =	sst s5  }
0xe: {  	[smem:$0x3FA6] =	sst s6  }
0xf: {  	[smem:$0x3FA7] =	sst s7  }
0x10: {  	[smem:$0x3FA8] =	sst s8  }
0x11: {  	[smem:$0x3FA9] =	sst s9;
	s0 =	simm.s32 @!p0 $0x0  }
0x12: {  	s1 =	sld [smem:$0x3F8F];
	s0 =	simm.s32 @p0 $0x1  }
0x13: {  	[smem:$0x3FAA] =	sst s0;
	s0 =	simm.s32 @!p1 $0x0  }
0x14: {  	s2 =	sld [smem:$0x3F8E];
	s0 =	simm.s32 @p1 $0x1  }
0x15: {  	[smem:$0x3FAB] =	sst s0;
	s0 =	simm.s32 @!p2 $0x0  }
0x16: {  	s3 =	sld [smem:$0x3FDB];
	s0 =	simm.s32 @p2 $0x1  }
0x17: {  	s4 =	simm.s32 $0x1BF5;
	[smem:$0x3FAD] =	sst s0  }
0x18: {  	s0 =	sld [smem:$0x3F90];
	_ =	swait.ge [sflag:s4], $0x0  }
0x19: {  	s7 =	sld [smem:$0x3F91]  }
0x1a: {  	s8 =	sadd.s32 $0xFFFFE003, lr  }
0x1b: {  	s9 =	sadd.s32 $0xFFFFFEF7, lr;
	s5 =	simm.s32 $0xFFFFFFFF;
	p2 =	slt.u32 s8, $0xFFFFF086  }
0x1c: {  	p1 =	slt.u32 s9, $0xF7A;
	s5 =	simm.s32 @!p2 $0x0  }
0x1d: {  	s5 =	simm.s32 @p1 $0x1;
	p0 =	seq.s32 s7, s2  }
0x1e: {  	s7 =	smul.u32 @!p0 $0xF7A, s2;
	p2 =	seq.s32 @!p0 s5, $0x0  }
0x1f: {  	s9 =	smul.u32 $0xF7A, s1;
	s8 =	simm.s32 @!p0 $0x1BF5;
	p2 =	por !p2, p0  }
0x20: {  	[sflag:s8] =	ssyncset.s32 @!p0 $0xFFFFF086;
	s6 =	sadd.s32 @!p0 s3, s7;
	s7 =	simm.s32 @!p0 $0x108  }
0x21: {  	s3 =	sadd.s32 s3, s9;
	s6 =	sadd.s32 @!p0 $0x88, s6;
	s7 =	simm.s32 @p2 $0x1082  }
0x22: {  	[simem:s7], [sflag:s8] =	dma.local @!p0 [hbm:s6], $0xF7A  }
0x23: {  	s9 =	sor.u32 $0xD0000000, s2;
	s6 =	simm.s32 $0x108;
	_ =	swait.ge @!p0 [sflag:s8], $0x0  }
0x24: {  	s3 =	sadd.s32 $0x88, s3;
	s6 =	simm.s32 @!p1 $0x1082;
	[sflag:s4] =	ssyncset.s32 $0xFFFFF086  }
0x25: {  	[simem:s6], [sflag:s4] =	dma.local [hbm:s3], $0xF7A  }
0x26: {  	[smem:$0x3F91] =	sst s1;
	(tag) =	ssettag s2;
	_ =	strace s9  }
0x27: {  	s1 =	sld [smem:$0x3FA1]  }
0x28: {  	s2 =	sld [smem:$0x3FA2]  }
0x29: {  	s4 =	sld [smem:$0x3FA4]  }
0x2a: {  	p0 =	seq.s32 s5, $0x0;
	s5 =	sld [smem:$0x3FA5]  }
0x2b: {  	s6 =	sld [smem:$0x3FA6]  }
0x2c: {  	s7 =	sld [smem:$0x3FA7]  }
0x2d: {  	s3 =	simm.s32 $0x108;
	s8 =	sld [smem:$0x3FA8]  }
0x2e: {  	s3 =	simm.s32 @!p0 $0x1082;
	s9 =	sld [smem:$0x3FA9]  }
0x2f: {  	lr =	sadd.s32 s0, s3;
	s0 =	sld [smem:$0x3FA0]  }
0x30: {  	s3 =	sld [smem:$0x3FA3]  }
0x31: {  	[smem:$0x3FAC] =	sst s10  }
0x32: {  	s10 =	sld [smem:$0x3FAA];
	_ =	sdelay $0x3  }
0x33: {  	p0 =	seq.s32 s10, $0x1;
	s10 =	sld [smem:$0x3FAC];
	_ =	sdelay $0x3  }
0x34: {  	[smem:$0x3FAC] =	sst s10  }
0x35: {  	s10 =	sld [smem:$0x3FAB];
	_ =	sdelay $0x3  }
0x36: {  	p1 =	seq.s32 s10, $0x1;
	s10 =	sld [smem:$0x3FAC];
	_ =	sdelay $0x3  }
0x37: {  	[smem:$0x3FAC] =	sst s10  }
0x38: {  	s10 =	sld [smem:$0x3FAD]  }
0x39: {  	_ = 	snop;
	(pc) =	sbr.ind lr, $3  }
0x3a: {  	_ = 	snop  }
0x3b: {  	_ = 	snop  }
0x3c: {  	p2 =	seq.s32 s10, $0x1;
	s10 =	sld [smem:$0x3FAC]  }
0x3d: {  	_ =	shalt  }
0x3e: {  	_ =	shalt  }
0x3f: {  	_ =	shalt  }
0x40: {  	_ =	shalt  }
0x41: {  	_ =	shalt  }
0x42: {  	_ =	shalt  }
0x43: {  	_ =	shalt  }
0x44: {  	_ =	shalt  }
0x45: {  	_ =	shalt  }
0x46: {  	_ =	shalt  }
0x47: {  	_ =	shalt  }
0x48: {  	_ =	shalt  }
0x49: {  	_ =	shalt  }
0x4a: {  	_ =	shalt  }
0x4b: {  	_ =	shalt  }
0x4c: {  	_ =	shalt  }
0x4d: {  	_ =	shalt  }
0x4e: {  	_ =	shalt  }
0x4f: {  	_ =	shalt  }
0x50: {  	_ =	shalt  }
0x51: {  	_ =	shalt  }
0x52: {  	_ =	shalt  }
0x53: {  	_ =	shalt  }
0x54: {  	_ =	shalt  }
0x55: {  	_ =	shalt  }
0x56: {  	_ =	shalt  }
0x57: {  	_ =	shalt  }
0x58: {  	_ =	shalt  }
0x59: {  	_ =	shalt  }
0x5a: {  	_ =	shalt  }
0x5b: {  	_ =	shalt  }
0x5c: {  	_ =	shalt  }
0x5d: {  	_ =	shalt  }
0x5e: {  	_ =	shalt  }
0x5f: {  	_ =	shalt  }
0x60: {  	_ =	shalt  }
0x61: {  	_ =	shalt  }
0x62: {  	_ =	shalt  }
0x63: {  	_ =	shalt  }
0x64: {  	_ =	shalt  }
0x65: {  	_ =	shalt  }
0x66: {  	_ =	shalt  }
0x67: {  	_ =	shalt  }
0x68: {  	_ =	shalt  }
0x69: {  	_ =	shalt  }
0x6a: {  	_ =	shalt  }
0x6b: {  	_ =	shalt  }
0x6c: {  	_ =	shalt  }
0x6d: {  	_ =	shalt  }
0x6e: {  	_ =	shalt  }
0x6f: {  	_ =	shalt  }
0x70: {  	_ =	shalt  }
0x71: {  	_ =	shalt  }
0x72: {  	_ =	shalt  }
0x73: {  	_ =	shalt  }
0x74: {  	_ =	shalt  }
0x75: {  	_ =	shalt  }
0x76: {  	_ =	shalt  }
0x77: {  	_ =	shalt  }
0x78: {  	_ =	shalt  }
0x79: {  	_ =	shalt  }
0x7a: {  	_ =	shalt  }
0x7b: {  	_ =	shalt  }
0x7c: {  	_ =	shalt  }
0x7d: {  	_ =	shalt  }
0x7e: {  	_ =	shalt  }
0x7f: {  	_ =	shalt  }
0x80: {  	_ =	shalt  }
0x81: {  	_ =	shalt  }
0x82: {  	_ =	shalt  }
0x83: {  	_ =	shalt  }
0x84: {  	_ =	shalt  }
0x85: {  	_ =	shalt  }
0x86: {  	_ =	shalt  }
0x87: {  	_ =	shalt  }
.Lfunc_end0:
.L_simem_size_0:
called_computation.1_lowered:
.L_overlay_start_0:
0x88: {  	s2 =	sld [smem:$0x3FD9]  }
0x89: {  	s3 =	sld [smem:$0x3FFE];
	_ =	sdelay $0x1  }
0x8a: {  	s1 =	srdreg.scid  }
0x8b: {  	s0 =	sand.u32 $0x1, s1  }
0x8c: {  	s16 =	sshll.u32 s0, $0xA;
	s2 =	sadd.s32 s3, s2  }
0x8d: {  	s2 =	sadd.s32 s2, s16  }
0x8e: {  	[smem:$0x3FB8] =	sst s2  }
0x8f: {  	_ = 	snop  }
0x90: {  	(tm) =	ssettm $0x1  }
0x91: {  	s17 =	sld [smem:$0x3FFB];
	_ =	sdelay $0x3  }
0x92: {  	_ =	strace s17  }
0x93: {  	s2 =	sld [smem:$0x3FFC];
	_ =	sdelay $0x3  }
0x94: {  	_ =	strace s2  }
0x95: {  	s2 =	sld [smem:$0x3FFD];
	_ =	sdelay $0x3  }
0x96: {  	_ =	strace s2  }
0x97: {  	_ =	strace $0x8FFFFFFF  }
0x98: {  	s18 =	sld [smem:$0x3FDB];
	_ =	sdelay $0x1  }
0x99: {  	s19 =	simm.s32 $_scs_section_size  }
0x9a: {  	s4 =	simm.s32 $_size__tile_overlayer_lowered;
	s5 =	simm.s32 $_tile_overlayer_lowered  }
0x9b: {  	s22 =	simm.s32 $0x1BFF;
	s21 =	sshll.u32 s5, $0x1;
	s2 =	sadd.s32 s19, s18  }
0x9c: {  	s6 =	simm.s32 $0x0;
	s20 =	sshll.u32 s4, $0x1;
	s4 =	sadd.s32 s21, s2  }
0x9d: {  	[timem:s6], [sflag:s22] =	dma.local [hbm:s4], s20  }
0x9e: {  	_ =	swait.ge [sflag:s22], s20  }
0x9f: {  	s3 =	ssub.s32 $0x0, s20;
	[sflag:s22] =	ssyncset.done $0x0  }
0xa0: {  	[sflag:s22] =	ssyncadd.s32 s3;
	_ =	sdelay $0x1  }
0xa1: {  	s23 =	simm.s32 $0x1B8B  }
0xa2: {  	_ =	swait.ge [sflag:s23], $0x1  }
0xa3: {  	[sflag:s23] =	ssyncset.done $0x0  }
0xa4: {  	s25 =	simm.s32 $0x1B8E;
	s24 =	sld [smem:$0x3FFE];
	[sflag:s23] =	ssyncadd.s32 $0xFFFFFFFF  }
0xa5: {  	s26 =	simm.s32 $execute0_lowered;
	[smem:$0x3FD2] =	sst s25  }
0xa6: {  	s4 =	sshll.u32 s26, $0x1;
	_ =	strace $0x80000049;
	[dreg:$0x1] =	wrdreg $0xFFFFFFFF  }
0xa7: {  	s28 =	simm.s32 $_size_execute0_lowered;
	s2 =	sadd.s32 s2, s4;
	[dreg:$0x0] =	wrdreg $0x0  }
0xa8: {  	s4 =	sshll.u32 s28, $0x1;
	[dreg:$0x2] =	wrdreg s2  }
0xa9: {  	[dreg:$0x3] =	wrdreg s4  }
0xaa: {  	[dreg:$0x4] =	wrdreg $0xC0  }
0xab: {  	_ =	task [dreg:s6], $0x5FFFF  }
0xac: {  	[dreg:$0x1] =	wrdreg $0xFFFFFFFF  }
0xad: {  	[dreg:$0x0] =	wrdreg $0x60  }
0xae: {  	[dreg:$0x2] =	wrdreg s24  }
0xaf: {  	[dreg:$0x3] =	wrdreg $0x90000  }
0xb0: {  	[dreg:$0x4] =	wrdreg $0x9  }
0xb1: {  	_ =	task.clear_ibuf [dreg:s6], $0x5FFFF;
	_ =	strace $0x90000049  }
0xb2: {  	s29 =	simm.s32 $0x9;
	_ =	strace $0x8000004B  }
0xb3: {  	_ =	swait.ge [sflag:s29], $0x1  }
0xb4: {  	[sflag:s29] =	ssyncadd.s32 $0xFFFFFFFF  }
0xb5: {  	_ =	strace $0x9000004B  }
0xb6: {  	_ =	sfence  }
0xb7: {  	s30 =	sld [smem:$0x0];
	_ =	sdelay $0x2  }
0xb8: {  	s31 =	sshll.u32 s1, $0xD;
	s1 =	sshrl.u32 s1, $0x2  }
0xb9: {  	s3 =	sand.u32 $0x4000, s31;
	s1 =	sadd.s32 s1, s30  }
0xba: {  	s0 =	sor.u32 s3, s0;
	s1 =	sshll.u32 s1, $0x11  }
0xbb: {  	s0 =	sor.u32 s1, s0  }
0xbc: {  	s0 =	sadd.s32 $0x8F2B, s0  }
0xbd: {  	[sflag:s0] =	ssyncadd.remote.s32 $0x1  }
0xbe: {  	_ =	sfence.sel $0xFFFF  }
0xbf: {  	[dreg:$0x0] =	wrdreg $0xFFFFFFFF;
	(pc) =	sbr.abs _section_cstart, $3  }
0xc0: {  	[dreg:$0x1] =	wrdreg $0xFFFFFFFF  }
0xc1: {  	_ =	task.clear_ibuf [dreg:s6], $0x2FFFF;
	_ =	strace $0x9FFFFFFF  }
0xc2: {  	(tm) =	ssettm $0x7FFFFFFF  }
0xc3: {  	_ =	shalt  }
tec
execute0_lowered:
.L_overlay_start_1:
0x0: {  	(tag) =	ssettag $0x1  }
0x1: {  	s0 =	srdreg.scid;
	s1 =	rddreg [dreg:$0x0]  }
0x2: {  	s9 =	stileid.u32;
	s2 =	rddreg [dreg:$0x1]  }
0x3: {  	s3 =	simm.s32 $0x0;
	s14 =	simm.s32 $0x100;
	s15 =	simm.s32 $0x880  }
0x4: {  	s17 =	simm.s32 $0x180;
	[smem:$0x7FF] =	sst s3;
	s26 =	sadd.s32 $0x85C00, s1  }
0x5: {  	s18 =	simm.s32 $0x900;
	_ =	strace $0x8000004A;
	[dreg:$0x11] =	wrdreg s26  }
0x6: {  	s19 =	simm.s32 $0x200;
	s20 =	simm.s32 $0x980;
	[dreg:$0x5] =	wrdreg s14  }
0x7: {  	s21 =	simm.s32 $0x280;
	s22 =	simm.s32 $0xA00;
	[dreg:$0x6] =	wrdreg s15  }
0x8: {  	s23 =	simm.s32 $0x300;
	s24 =	simm.s32 $0xA80;
	[dreg:$0x7] =	wrdreg s17  }
0x9: {  	s28 =	simm.s32 $0x680;
	s29 =	simm.s32 $0xE00;
	[dreg:$0x8] =	wrdreg s18  }
0xa: {  	s30 =	simm.s32 $0x700;
	s5 =	smul.u32 $0x5000, s9;
	[dreg:$0x9] =	wrdreg s19  }
0xb: {  	s31 =	simm.s32 $0xE80;
	s7 =	smul.u32 $0x14000, s9;
	[dreg:$0xa] =	wrdreg s20  }
0xc: {  	s0 =	sand.u32 $0x1, s0;
	s8 =	smul.u32 $0xA00, s9;
	[dreg:$0xb] =	wrdreg s21  }
0xd: {  	s11 =	smul.u32 $0x50000, s9;
	s16 =	sshll.u32 s9, $0x6;
	[dreg:$0xc] =	wrdreg s22  }
0xe: {  	s9 =	simm.s32 $0x0;
	s4 =	smul.u32 $0x50000, s0;
	[dreg:$0xd] =	wrdreg s23  }
0xf: {  	s6 =	smul.u32 $0x140000, s0;
	s0 =	ssub.s32 $0x2, s0;
	[dreg:$0xe] =	wrdreg s24  }
0x10: {  	s14 =	simm.s32 $0x5000;
	s26 =	simm.s32 $0xB00;
	s15 =	simm.s32 $0x1  }
0x11: {  	s17 =	simm.s32 $0x400;
	s18 =	simm.s32 $0xB80;
	s19 =	simm.s32 $0x480  }
0x12: {  	s20 =	simm.s32 $0xC00;
	s21 =	simm.s32 $0x500;
	s22 =	simm.s32 $0xC80  }
0x13: {  	s23 =	simm.s32 $0x580;
	s24 =	simm.s32 $0xD00;
	s25 =	sadd.s32 s8, s1  }
0x14: {  	s10 =	sshrl.u32 s0, $0x1;
	s13 =	sshrl.u32 s11, $0x2;
	s11 =	simm.s32 $0x800  }
0x15: {  	[dreg:$0x10] =	wrdreg s26;
	s26 =	simm.s32 $0xD80;
	s5 =	sadd.s32 s4, s5  }
0x16: {  	s4 =	sadd.s32 $0x3C00, s1;
	s6 =	sadd.s32 s7, s6;
	s0 =	ssub.s32 s0, s10  }
0x17: {  	s12 =	sadd.s32 $0x53C00, s25;
	s7 =	sor.u32 $0x1C03, s16;
	s10 =	simm.s32 $0x3  }
0x18: {  	s25 =	simm.s32 $0x380;
	s16 =	simm.s32 $0x2;
	s5 =	sshrl.u32 s5, $0x3  }
0x19: {  	s6 =	sshrl.u32 s6, $0x3;
	[dreg:$0x4] =	wrdreg s12;
	s0 =	smax.u32 s0, $0x1  }
0x1a: {  	s12 =	simm.s32 $0x80;
	[dreg:$0xf] =	wrdreg s25;
	s25 =	simm.s32 $0x600  }
0x1b: {  	[dreg:$0x12] =	wrdreg s7;
	s5 =	sadd.s32 s5, s1;
	s1 =	sadd.s32 s6, s1  }
0x1c: {  	s6 =	sadd.s32 s13, s2;
	[dreg:$0x14] =	wrdreg s0;
	s5 =	sadd.s32 $0x5DC00, s5  }
0x1d: {  	s13 =	simm.s32 $0x1000;
	s1 =	sadd.s32 $0x88400, s1;
	[dreg:$0x3] =	wrdreg s5  }
0x1e: {  	s0 =	simm.s32 $0xF00;
	s8 =	sshrl.u32 s6, $0x3;
	[dreg:$0x13] =	wrdreg s1  }
0x1f: {  	s1 =	simm.s32 $0x780;
	s5 =	simm.s32 $0xF80;
	[dreg:$0x15] =	wrdreg s8  }
.LBB2_1:
0x20: {  	[dreg:$0x16] =	wrdreg s9  }
0x21: {  	s6 =	rddreg [dreg:$0x11]  }
0x22: {  	[spmem:s8], [sflag:s7] =	dma.local [hbm:s6], $0x2800  }
0x23: {  	_ =	swait.ge [sflag:s10], $0x2800  }
0x24: {  	[sflag:s10] =	ssyncset.done $0x0  }
0x25: {  	[sflag:s10] =	ssyncadd.s32 $0xFFFFD800  }
0x26: {  	[bflag:$0x0] =	sbarrier.arrive $0xFFFF  }
0x27: {  	s8 =	rddreg [dreg:$0x3]  }
0x28: {  	s6 =	sadd.s32 $0x0, s8  }
0x29: {  	[tilespmem:s3], [sflag:$0x3] =	stream.linear.gather [hbm4b:s6+s3], $0x800, $0x38;
	[tilespmem:$0x1D000] =	vst v63  }
0x2a: {  	_ =	swait.ge [sflag:s10], $0x800  }
0x2b: {  	s9 =	rddreg [dreg:$0x4];
	[sflag:s10] =	ssyncset.done $0x0  }
0x2c: {  	[sflag:s10] =	ssyncadd.s32 $0xFFFFF800;
	s6 =	sadd.s32 $0x0, s9  }
0x2d: {  	[tilespmem:s11], [sflag:$0x3] =	stream.linear.gather [hbm4b:s6+s3], $0x800, $0x38;
	[tilespmem:$0x1D000] =	vst v63  }
0x2e: {  	_ =	swait.ge [sflag:s10], $0x800  }
0x2f: {  	[sflag:s10] =	ssyncset.done $0x0  }
0x30: {  	[sflag:s10] =	ssyncadd.s32 $0xFFFFF800  }
0x31: {  	[tilespmem:s13], [sflag:$0x1] =	stream.indirect.gather [hbm4b:s4+s12], $0x80, s3, s12, $0xb8;
	[tilespmem:$0x1D000] =	vst v63  }
0x32: {  	_ = 	snop  }
0x33: {  	[tilespmem:s14], [sflag:$0x2] =	stream.indirect.gather [hbm4b:s4+s12], $0x80, s12, s12, $0xb8;
	[tilespmem:$0x1D000] =	vst v63  }
0x34: {  	_ =	swait.ge [sflag:s15], $0x4000  }
0x35: {  	[sflag:s15] =	ssyncset.done $0x0  }
0x36: {  	[sflag:s15] =	ssyncadd.s32 $0xFFFFC000  }
0x37: {  	[spmem:s2] =	stream.indirect.scatter.add.f32 [tilespmem:s13], [sflag:$0x3], $0x80, s11, s12, $0xb8;
	[tilespmem:$0x1D000] =	vst v63  }
0x38: {  	_ =	swait.ge [sflag:s10], $0x4000  }
0x39: {  	[sflag:s10] =	ssyncset.done $0x0  }
0x3a: {  	s7 =	rddreg [dreg:$0x5];
	[sflag:s10] =	ssyncadd.s32 $0xFFFFC000  }
0x3b: {  	[tilespmem:s13], [sflag:$0x1] =	stream.indirect.gather [hbm4b:s4+s12], $0x80, s7, s12, $0xb8;
	[tilespmem:$0x1D000] =	vst v63  }
0x3c: {  	_ =	swait.ge [sflag:s16], $0x4000  }
0x3d: {  	[sflag:s16] =	ssyncset.done $0x0  }
0x3e: {  	s8 =	rddreg [dreg:$0x6];
	[sflag:s16] =	ssyncadd.s32 $0xFFFFC000  }
0x3f: {  	[spmem:s2] =	stream.indirect.scatter.add.f32 [tilespmem:s14], [sflag:$0x3], $0x80, s8, s12, $0xb8;
	[tilespmem:$0x1D000] =	vst v63  }
0x40: {  	_ =	swait.ge [sflag:s10], $0x4000  }
0x41: {  	[sflag:s10] =	ssyncset.done $0x0  }
0x42: {  	s9 =	rddreg [dreg:$0x7];
	[sflag:s10] =	ssyncadd.s32 $0xFFFFC000  }
0x43: {  	[tilespmem:s14], [sflag:$0x2] =	stream.indirect.gather [hbm4b:s4+s12], $0x80, s9, s12, $0xb8;
	[tilespmem:$0x1D000] =	vst v63  }
0x44: {  	_ =	swait.ge [sflag:s15], $0x4000  }
0x45: {  	[sflag:s15] =	ssyncset.done $0x0  }
0x46: {  	s7 =	rddreg [dreg:$0x8];
	[sflag:s15] =	ssyncadd.s32 $0xFFFFC000  }
0x47: {  	[spmem:s2] =	stream.indirect.scatter.add.f32 [tilespmem:s13], [sflag:$0x3], $0x80, s7, s12, $0xb8;
	[tilespmem:$0x1D000] =	vst v63  }
0x48: {  	_ =	swait.ge [sflag:s10], $0x4000  }
0x49: {  	[sflag:s10] =	ssyncset.done $0x0  }
0x4a: {  	s8 =	rddreg [dreg:$0x9];
	[sflag:s10] =	ssyncadd.s32 $0xFFFFC000  }
0x4b: {  	[tilespmem:s13], [sflag:$0x1] =	stream.indirect.gather [hbm4b:s4+s12], $0x80, s8, s12, $0xb8;
	[tilespmem:$0x1D000] =	vst v63  }
0x4c: {  	_ =	swait.ge [sflag:s16], $0x4000  }
0x4d: {  	[sflag:s16] =	ssyncset.done $0x0  }
0x4e: {  	s9 =	rddreg [dreg:$0xa];
	[sflag:s16] =	ssyncadd.s32 $0xFFFFC000  }
0x4f: {  	[spmem:s2] =	stream.indirect.scatter.add.f32 [tilespmem:s14], [sflag:$0x3], $0x80, s9, s12, $0xb8;
	[tilespmem:$0x1D000] =	vst v63  }
0x50: {  	_ =	swait.ge [sflag:s10], $0x4000  }
0x51: {  	[sflag:s10] =	ssyncset.done $0x0  }
0x52: {  	s7 =	rddreg [dreg:$0xb];
	[sflag:s10] =	ssyncadd.s32 $0xFFFFC000  }
0x53: {  	[tilespmem:s14], [sflag:$0x2] =	stream.indirect.gather [hbm4b:s4+s12], $0x80, s7, s12, $0xb8;
	[tilespmem:$0x1D000] =	vst v63  }
0x54: {  	_ =	swait.ge [sflag:s15], $0x4000  }
0x55: {  	[sflag:s15] =	ssyncset.done $0x0  }
0x56: {  	s8 =	rddreg [dreg:$0xc];
	[sflag:s15] =	ssyncadd.s32 $0xFFFFC000  }
0x57: {  	[spmem:s2] =	stream.indirect.scatter.add.f32 [tilespmem:s13], [sflag:$0x3], $0x80, s8, s12, $0xb8;
	[tilespmem:$0x1D000] =	vst v63  }
0x58: {  	_ =	swait.ge [sflag:s10], $0x4000  }
0x59: {  	[sflag:s10] =	ssyncset.done $0x0  }
0x5a: {  	s9 =	rddreg [dreg:$0xd];
	[sflag:s10] =	ssyncadd.s32 $0xFFFFC000  }
0x5b: {  	[tilespmem:s13], [sflag:$0x1] =	stream.indirect.gather [hbm4b:s4+s12], $0x80, s9, s12, $0xb8;
	[tilespmem:$0x1D000] =	vst v63  }
0x5c: {  	_ =	swait.ge [sflag:s16], $0x4000  }
0x5d: {  	[sflag:s16] =	ssyncset.done $0x0  }
0x5e: {  	s7 =	rddreg [dreg:$0xe];
	[sflag:s16] =	ssyncadd.s32 $0xFFFFC000  }
0x5f: {  	[spmem:s2] =	stream.indirect.scatter.add.f32 [tilespmem:s14], [sflag:$0x3], $0x80, s7, s12, $0xb8;
	[tilespmem:$0x1D000] =	vst v63  }
0x60: {  	_ =	swait.ge [sflag:s10], $0x4000  }
0x61: {  	[sflag:s10] =	ssyncset.done $0x0  }
0x62: {  	s8 =	rddreg [dreg:$0xf];
	[sflag:s10] =	ssyncadd.s32 $0xFFFFC000  }
0x63: {  	[tilespmem:s14], [sflag:$0x2] =	stream.indirect.gather [hbm4b:s4+s12], $0x80, s8, s12, $0xb8;
	[tilespmem:$0x1D000] =	vst v63  }
0x64: {  	_ =	swait.ge [sflag:s15], $0x4000  }
0x65: {  	[sflag:s15] =	ssyncset.done $0x0  }
0x66: {  	s9 =	rddreg [dreg:$0x10];
	[sflag:s15] =	ssyncadd.s32 $0xFFFFC000  }
0x67: {  	[spmem:s2] =	stream.indirect.scatter.add.f32 [tilespmem:s13], [sflag:$0x3], $0x80, s9, s12, $0xb8;
	[tilespmem:$0x1D000] =	vst v63  }
0x68: {  	_ =	swait.ge [sflag:s10], $0x4000  }
0x69: {  	[sflag:s10] =	ssyncset.done $0x0  }
0x6a: {  	[sflag:s10] =	ssyncadd.s32 $0xFFFFC000  }
0x6b: {  	[tilespmem:s13], [sflag:$0x1] =	stream.indirect.gather [hbm4b:s4+s12], $0x80, s17, s12, $0xb8;
	[tilespmem:$0x1D000] =	vst v63  }
0x6c: {  	_ =	swait.ge [sflag:s16], $0x4000  }
0x6d: {  	[sflag:s16] =	ssyncset.done $0x0  }
0x6e: {  	[sflag:s16] =	ssyncadd.s32 $0xFFFFC000  }
0x6f: {  	[spmem:s2] =	stream.indirect.scatter.add.f32 [tilespmem:s14], [sflag:$0x3], $0x80, s18, s12, $0xb8;
	[tilespmem:$0x1D000] =	vst v63  }
0x70: {  	_ =	swait.ge [sflag:s10], $0x4000  }
0x71: {  	[sflag:s10] =	ssyncset.done $0x0  }
0x72: {  	[sflag:s10] =	ssyncadd.s32 $0xFFFFC000  }
0x73: {  	[tilespmem:s14], [sflag:$0x2] =	stream.indirect.gather [hbm4b:s4+s12], $0x80, s19, s12, $0xb8;
	[tilespmem:$0x1D000] =	vst v63  }
0x74: {  	_ =	swait.ge [sflag:s15], $0x4000  }
0x75: {  	[sflag:s15] =	ssyncset.done $0x0  }
0x76: {  	[sflag:s15] =	ssyncadd.s32 $0xFFFFC000  }
0x77: {  	[spmem:s2] =	stream.indirect.scatter.add.f32 [tilespmem:s13], [sflag:$0x3], $0x80, s20, s12, $0xb8;
	[tilespmem:$0x1D000] =	vst v63  }
0x78: {  	_ =	swait.ge [sflag:s10], $0x4000  }
0x79: {  	[sflag:s10] =	ssyncset.done $0x0  }
0x7a: {  	[sflag:s10] =	ssyncadd.s32 $0xFFFFC000  }
0x7b: {  	[tilespmem:s13], [sflag:$0x1] =	stream.indirect.gather [hbm4b:s4+s12], $0x80, s21, s12, $0xb8;
	[tilespmem:$0x1D000] =	vst v63  }
0x7c: {  	_ =	swait.ge [sflag:s16], $0x4000  }
0x7d: {  	[sflag:s16] =	ssyncset.done $0x0  }
0x7e: {  	[sflag:s16] =	ssyncadd.s32 $0xFFFFC000  }
0x7f: {  	[spmem:s2] =	stream.indirect.scatter.add.f32 [tilespmem:s14], [sflag:$0x3], $0x80, s22, s12, $0xb8;
	[tilespmem:$0x1D000] =	vst v63  }
0x80: {  	_ =	swait.ge [sflag:s10], $0x4000  }
0x81: {  	[sflag:s10] =	ssyncset.done $0x0  }
0x82: {  	[sflag:s10] =	ssyncadd.s32 $0xFFFFC000  }
0x83: {  	[tilespmem:s14], [sflag:$0x2] =	stream.indirect.gather [hbm4b:s4+s12], $0x80, s23, s12, $0xb8;
	[tilespmem:$0x1D000] =	vst v63  }
0x84: {  	_ =	swait.ge [sflag:s15], $0x4000  }
0x85: {  	[sflag:s15] =	ssyncset.done $0x0  }
0x86: {  	[sflag:s15] =	ssyncadd.s32 $0xFFFFC000  }
0x87: {  	[spmem:s2] =	stream.indirect.scatter.add.f32 [tilespmem:s13], [sflag:$0x3], $0x80, s24, s12, $0xb8;
	[tilespmem:$0x1D000] =	vst v63  }
0x88: {  	_ =	swait.ge [sflag:s10], $0x4000  }
0x89: {  	[sflag:s10] =	ssyncset.done $0x0  }
0x8a: {  	[sflag:s10] =	ssyncadd.s32 $0xFFFFC000  }
0x8b: {  	[tilespmem:s13], [sflag:$0x1] =	stream.indirect.gather [hbm4b:s4+s12], $0x80, s25, s12, $0xb8;
	[tilespmem:$0x1D000] =	vst v63  }
0x8c: {  	_ =	swait.ge [sflag:s16], $0x4000  }
0x8d: {  	[sflag:s16] =	ssyncset.done $0x0  }
0x8e: {  	[sflag:s16] =	ssyncadd.s32 $0xFFFFC000  }
0x8f: {  	[spmem:s2] =	stream.indirect.scatter.add.f32 [tilespmem:s14], [sflag:$0x3], $0x80, s26, s12, $0xb8;
	[tilespmem:$0x1D000] =	vst v63  }
0x90: {  	_ =	swait.ge [sflag:s10], $0x4000  }
0x91: {  	[sflag:s10] =	ssyncset.done $0x0  }
0x92: {  	[sflag:s10] =	ssyncadd.s32 $0xFFFFC000  }
0x93: {  	[tilespmem:s14], [sflag:$0x2] =	stream.indirect.gather [hbm4b:s4+s12], $0x80, s28, s12, $0xb8;
	[tilespmem:$0x1D000] =	vst v63  }
0x94: {  	_ =	swait.ge [sflag:s15], $0x4000  }
0x95: {  	[sflag:s15] =	ssyncset.done $0x0  }
0x96: {  	[sflag:s15] =	ssyncadd.s32 $0xFFFFC000  }
0x97: {  	[spmem:s2] =	stream.indirect.scatter.add.f32 [tilespmem:s13], [sflag:$0x3], $0x80, s29, s12, $0xb8;
	[tilespmem:$0x1D000] =	vst v63  }
0x98: {  	_ =	swait.ge [sflag:s10], $0x4000  }
0x99: {  	[sflag:s10] =	ssyncset.done $0x0  }
0x9a: {  	[sflag:s10] =	ssyncadd.s32 $0xFFFFC000  }
0x9b: {  	[tilespmem:s13], [sflag:$0x1] =	stream.indirect.gather [hbm4b:s4+s12], $0x80, s30, s12, $0xb8;
	[tilespmem:$0x1D000] =	vst v63  }
0x9c: {  	_ =	swait.ge [sflag:s16], $0x4000  }
0x9d: {  	[sflag:s16] =	ssyncset.done $0x0  }
0x9e: {  	[sflag:s16] =	ssyncadd.s32 $0xFFFFC000  }
0x9f: {  	[spmem:s2] =	stream.indirect.scatter.add.f32 [tilespmem:s14], [sflag:$0x3], $0x80, s31, s12, $0xb8;
	[tilespmem:$0x1D000] =	vst v63  }
0xa0: {  	_ =	swait.ge [sflag:s10], $0x4000  }
0xa1: {  	[sflag:s10] =	ssyncset.done $0x0  }
0xa2: {  	[sflag:s10] =	ssyncadd.s32 $0xFFFFC000  }
0xa3: {  	[tilespmem:s14], [sflag:$0x2] =	stream.indirect.gather [hbm4b:s4+s12], $0x80, s1, s12, $0xb8;
	[tilespmem:$0x1D000] =	vst v63  }
0xa4: {  	_ =	swait.ge [sflag:s15], $0x4000  }
0xa5: {  	[sflag:s15] =	ssyncset.done $0x0  }
0xa6: {  	[sflag:s15] =	ssyncadd.s32 $0xFFFFC000  }
0xa7: {  	[spmem:s2] =	stream.indirect.scatter.add.f32 [tilespmem:s13], [sflag:$0x3], $0x80, s0, s12, $0xb8;
	[tilespmem:$0x1D000] =	vst v63  }
0xa8: {  	_ =	swait.ge [sflag:s10], $0x4000  }
0xa9: {  	[sflag:s10] =	ssyncset.done $0x0  }
0xaa: {  	[sflag:s10] =	ssyncadd.s32 $0xFFFFC000  }
0xab: {  	_ =	swait.ge [sflag:s16], $0x4000  }
0xac: {  	[sflag:s16] =	ssyncset.done $0x0  }
0xad: {  	[sflag:s16] =	ssyncadd.s32 $0xFFFFC000  }
0xae: {  	[spmem:s2] =	stream.indirect.scatter.add.f32 [tilespmem:s14], [sflag:$0x3], $0x80, s5, s12, $0xb8;
	[tilespmem:$0x1D000] =	vst v63  }
0xaf: {  	s6 =	simm.s32 $0x200;
	_ =	swait.ge [sflag:s10], $0x4000  }
0xb0: {  	s8 =	simm.s32 $0x100;
	s9 =	rddreg [dreg:$0x3];
	[sflag:s10] =	ssyncset.done $0x0  }
.LBB2_2:
0xb1: {  	[sflag:s10] =	ssyncadd.s32 $0xFFFFC000;
	s9 =	sadd.s32 s8, s9  }
0xb2: {  	[tilespmem:s3], [sflag:$0x3] =	stream.linear.gather [hbm4b:s9+s3], $0x800, $0x38;
	[tilespmem:$0x1D000] =	vst v63  }
0xb3: {  	_ =	swait.ge [sflag:s10], $0x800  }
0xb4: {  	s9 =	rddreg [dreg:$0x4];
	[sflag:s10] =	ssyncset.done $0x0  }
0xb5: {  	[sflag:s10] =	ssyncadd.s32 $0xFFFFF800;
	s9 =	sadd.s32 s8, s9  }
0xb6: {  	[tilespmem:s11], [sflag:$0x3] =	stream.linear.gather [hbm4b:s9+s3], $0x800, $0x38;
	[tilespmem:$0x1D000] =	vst v63  }
0xb7: {  	_ =	swait.ge [sflag:s10], $0x800  }
0xb8: {  	[sflag:s10] =	ssyncset.done $0x0  }
0xb9: {  	[sflag:s10] =	ssyncadd.s32 $0xFFFFF800  }
0xba: {  	[tilespmem:s13], [sflag:$0x1] =	stream.indirect.gather [hbm4b:s4+s12], $0x80, s3, s12, $0xb8;
	[tilespmem:$0x1D000] =	vst v63  }
0xbb: {  	_ = 	snop  }
0xbc: {  	[tilespmem:s14], [sflag:$0x2] =	stream.indirect.gather [hbm4b:s4+s12], $0x80, s12, s12, $0xb8;
	[tilespmem:$0x1D000] =	vst v63  }
0xbd: {  	_ =	swait.ge [sflag:s15], $0x4000  }
0xbe: {  	[sflag:s15] =	ssyncset.done $0x0  }
0xbf: {  	[sflag:s15] =	ssyncadd.s32 $0xFFFFC000  }
0xc0: {  	[spmem:s2] =	stream.indirect.scatter.add.f32 [tilespmem:s13], [sflag:$0x3], $0x80, s11, s12, $0xb8;
	[tilespmem:$0x1D000] =	vst v63  }
0xc1: {  	_ =	swait.ge [sflag:s10], $0x4000  }
0xc2: {  	[sflag:s10] =	ssyncset.done $0x0  }
0xc3: {  	s9 =	rddreg [dreg:$0x5];
	[sflag:s10] =	ssyncadd.s32 $0xFFFFC000  }
0xc4: {  	[tilespmem:s13], [sflag:$0x1] =	stream.indirect.gather [hbm4b:s4+s12], $0x80, s9, s12, $0xb8;
	[tilespmem:$0x1D000] =	vst v63  }
0xc5: {  	_ =	swait.ge [sflag:s16], $0x4000  }
0xc6: {  	[sflag:s16] =	ssyncset.done $0x0  }
0xc7: {  	s9 =	rddreg [dreg:$0x6];
	[sflag:s16] =	ssyncadd.s32 $0xFFFFC000  }
0xc8: {  	[spmem:s2] =	stream.indirect.scatter.add.f32 [tilespmem:s14], [sflag:$0x3], $0x80, s9, s12, $0xb8;
	[tilespmem:$0x1D000] =	vst v63  }
0xc9: {  	_ =	swait.ge [sflag:s10], $0x4000  }
0xca: {  	[sflag:s10] =	ssyncset.done $0x0  }
0xcb: {  	s9 =	rddreg [dreg:$0x7];
	[sflag:s10] =	ssyncadd.s32 $0xFFFFC000  }
0xcc: {  	[tilespmem:s14], [sflag:$0x2] =	stream.indirect.gather [hbm4b:s4+s12], $0x80, s9, s12, $0xb8;
	[tilespmem:$0x1D000] =	vst v63  }
0xcd: {  	_ =	swait.ge [sflag:s15], $0x4000  }
0xce: {  	[sflag:s15] =	ssyncset.done $0x0  }
0xcf: {  	s9 =	rddreg [dreg:$0x8];
	[sflag:s15] =	ssyncadd.s32 $0xFFFFC000  }
0xd0: {  	[spmem:s2] =	stream.indirect.scatter.add.f32 [tilespmem:s13], [sflag:$0x3], $0x80, s9, s12, $0xb8;
	[tilespmem:$0x1D000] =	vst v63  }
0xd1: {  	_ =	swait.ge [sflag:s10], $0x4000  }
0xd2: {  	[sflag:s10] =	ssyncset.done $0x0  }
0xd3: {  	s9 =	rddreg [dreg:$0x9];
	[sflag:s10] =	ssyncadd.s32 $0xFFFFC000  }
0xd4: {  	[tilespmem:s13], [sflag:$0x1] =	stream.indirect.gather [hbm4b:s4+s12], $0x80, s9, s12, $0xb8;
	[tilespmem:$0x1D000] =	vst v63  }
0xd5: {  	_ =	swait.ge [sflag:s16], $0x4000  }
0xd6: {  	[sflag:s16] =	ssyncset.done $0x0  }
0xd7: {  	s9 =	rddreg [dreg:$0xa];
	[sflag:s16] =	ssyncadd.s32 $0xFFFFC000  }
0xd8: {  	[spmem:s2] =	stream.indirect.scatter.add.f32 [tilespmem:s14], [sflag:$0x3], $0x80, s9, s12, $0xb8;
	[tilespmem:$0x1D000] =	vst v63  }
0xd9: {  	_ =	swait.ge [sflag:s10], $0x4000  }
0xda: {  	[sflag:s10] =	ssyncset.done $0x0  }
0xdb: {  	s9 =	rddreg [dreg:$0xb];
	[sflag:s10] =	ssyncadd.s32 $0xFFFFC000  }
0xdc: {  	[tilespmem:s14], [sflag:$0x2] =	stream.indirect.gather [hbm4b:s4+s12], $0x80, s9, s12, $0xb8;
	[tilespmem:$0x1D000] =	vst v63  }
0xdd: {  	_ =	swait.ge [sflag:s15], $0x4000  }
0xde: {  	[sflag:s15] =	ssyncset.done $0x0  }
0xdf: {  	s9 =	rddreg [dreg:$0xc];
	[sflag:s15] =	ssyncadd.s32 $0xFFFFC000  }
0xe0: {  	[spmem:s2] =	stream.indirect.scatter.add.f32 [tilespmem:s13], [sflag:$0x3], $0x80, s9, s12, $0xb8;
	[tilespmem:$0x1D000] =	vst v63  }
0xe1: {  	_ =	swait.ge [sflag:s10], $0x4000  }
0xe2: {  	[sflag:s10] =	ssyncset.done $0x0  }
0xe3: {  	s9 =	rddreg [dreg:$0xd];
	[sflag:s10] =	ssyncadd.s32 $0xFFFFC000  }
0xe4: {  	[tilespmem:s13], [sflag:$0x1] =	stream.indirect.gather [hbm4b:s4+s12], $0x80, s9, s12, $0xb8;
	[tilespmem:$0x1D000] =	vst v63  }
0xe5: {  	_ =	swait.ge [sflag:s16], $0x4000  }
0xe6: {  	[sflag:s16] =	ssyncset.done $0x0  }
0xe7: {  	s9 =	rddreg [dreg:$0xe];
	[sflag:s16] =	ssyncadd.s32 $0xFFFFC000  }
0xe8: {  	[spmem:s2] =	stream.indirect.scatter.add.f32 [tilespmem:s14], [sflag:$0x3], $0x80, s9, s12, $0xb8;
	[tilespmem:$0x1D000] =	vst v63  }
0xe9: {  	_ =	swait.ge [sflag:s10], $0x4000  }
0xea: {  	[sflag:s10] =	ssyncset.done $0x0  }
0xeb: {  	s9 =	rddreg [dreg:$0xf];
	[sflag:s10] =	ssyncadd.s32 $0xFFFFC000  }
0xec: {  	[tilespmem:s14], [sflag:$0x2] =	stream.indirect.gather [hbm4b:s4+s12], $0x80, s9, s12, $0xb8;
	[tilespmem:$0x1D000] =	vst v63  }
0xed: {  	_ =	swait.ge [sflag:s15], $0x4000  }
0xee: {  	[sflag:s15] =	ssyncset.done $0x0  }
0xef: {  	s9 =	rddreg [dreg:$0x10];
	[sflag:s15] =	ssyncadd.s32 $0xFFFFC000  }
0xf0: {  	[spmem:s2] =	stream.indirect.scatter.add.f32 [tilespmem:s13], [sflag:$0x3], $0x80, s9, s12, $0xb8;
	[tilespmem:$0x1D000] =	vst v63  }
0xf1: {  	_ =	swait.ge [sflag:s10], $0x4000  }
0xf2: {  	[sflag:s10] =	ssyncset.done $0x0  }
0xf3: {  	[sflag:s10] =	ssyncadd.s32 $0xFFFFC000  }
0xf4: {  	[tilespmem:s13], [sflag:$0x1] =	stream.indirect.gather [hbm4b:s4+s12], $0x80, s17, s12, $0xb8;
	[tilespmem:$0x1D000] =	vst v63  }
0xf5: {  	_ =	swait.ge [sflag:s16], $0x4000  }
0xf6: {  	[sflag:s16] =	ssyncset.done $0x0  }
0xf7: {  	[sflag:s16] =	ssyncadd.s32 $0xFFFFC000  }
0xf8: {  	[spmem:s2] =	stream.indirect.scatter.add.f32 [tilespmem:s14], [sflag:$0x3], $0x80, s18, s12, $0xb8;
	[tilespmem:$0x1D000] =	vst v63  }
0xf9: {  	_ =	swait.ge [sflag:s10], $0x4000  }
0xfa: {  	[sflag:s10] =	ssyncset.done $0x0  }
0xfb: {  	[sflag:s10] =	ssyncadd.s32 $0xFFFFC000  }
0xfc: {  	[tilespmem:s14], [sflag:$0x2] =	stream.indirect.gather [hbm4b:s4+s12], $0x80, s19, s12, $0xb8;
	[tilespmem:$0x1D000] =	vst v63  }
0xfd: {  	_ =	swait.ge [sflag:s15], $0x4000  }
0xfe: {  	[sflag:s15] =	ssyncset.done $0x0  }
0xff: {  	[sflag:s15] =	ssyncadd.s32 $0xFFFFC000  }
0x100: {  	[spmem:s2] =	stream.indirect.scatter.add.f32 [tilespmem:s13], [sflag:$0x3], $0x80, s20, s12, $0xb8;
	[tilespmem:$0x1D000] =	vst v63  }
0x101: {  	_ =	swait.ge [sflag:s10], $0x4000  }
0x102: {  	[sflag:s10] =	ssyncset.done $0x0  }
0x103: {  	[sflag:s10] =	ssyncadd.s32 $0xFFFFC000  }
0x104: {  	[tilespmem:s13], [sflag:$0x1] =	stream.indirect.gather [hbm4b:s4+s12], $0x80, s21, s12, $0xb8;
	[tilespmem:$0x1D000] =	vst v63  }
0x105: {  	_ =	swait.ge [sflag:s16], $0x4000  }
0x106: {  	[sflag:s16] =	ssyncset.done $0x0  }
0x107: {  	[sflag:s16] =	ssyncadd.s32 $0xFFFFC000  }
0x108: {  	[spmem:s2] =	stream.indirect.scatter.add.f32 [tilespmem:s14], [sflag:$0x3], $0x80, s22, s12, $0xb8;
	[tilespmem:$0x1D000] =	vst v63  }
0x109: {  	_ =	swait.ge [sflag:s10], $0x4000  }
0x10a: {  	[sflag:s10] =	ssyncset.done $0x0  }
0x10b: {  	[sflag:s10] =	ssyncadd.s32 $0xFFFFC000  }
0x10c: {  	[tilespmem:s14], [sflag:$0x2] =	stream.indirect.gather [hbm4b:s4+s12], $0x80, s23, s12, $0xb8;
	[tilespmem:$0x1D000] =	vst v63  }
0x10d: {  	_ =	swait.ge [sflag:s15], $0x4000  }
0x10e: {  	[sflag:s15] =	ssyncset.done $0x0  }
0x10f: {  	[sflag:s15] =	ssyncadd.s32 $0xFFFFC000  }
0x110: {  	[spmem:s2] =	stream.indirect.scatter.add.f32 [tilespmem:s13], [sflag:$0x3], $0x80, s24, s12, $0xb8;
	[tilespmem:$0x1D000] =	vst v63  }
0x111: {  	_ =	swait.ge [sflag:s10], $0x4000  }
0x112: {  	[sflag:s10] =	ssyncset.done $0x0  }
0x113: {  	[sflag:s10] =	ssyncadd.s32 $0xFFFFC000  }
0x114: {  	[tilespmem:s13], [sflag:$0x1] =	stream.indirect.gather [hbm4b:s4+s12], $0x80, s25, s12, $0xb8;
	[tilespmem:$0x1D000] =	vst v63  }
0x115: {  	_ =	swait.ge [sflag:s16], $0x4000  }
0x116: {  	[sflag:s16] =	ssyncset.done $0x0  }
0x117: {  	[sflag:s16] =	ssyncadd.s32 $0xFFFFC000  }
0x118: {  	[spmem:s2] =	stream.indirect.scatter.add.f32 [tilespmem:s14], [sflag:$0x3], $0x80, s26, s12, $0xb8;
	[tilespmem:$0x1D000] =	vst v63  }
0x119: {  	_ =	swait.ge [sflag:s10], $0x4000  }
0x11a: {  	[sflag:s10] =	ssyncset.done $0x0  }
0x11b: {  	[sflag:s10] =	ssyncadd.s32 $0xFFFFC000  }
0x11c: {  	[tilespmem:s14], [sflag:$0x2] =	stream.indirect.gather [hbm4b:s4+s12], $0x80, s28, s12, $0xb8;
	[tilespmem:$0x1D000] =	vst v63  }
0x11d: {  	_ =	swait.ge [sflag:s15], $0x4000  }
0x11e: {  	[sflag:s15] =	ssyncset.done $0x0  }
0x11f: {  	[sflag:s15] =	ssyncadd.s32 $0xFFFFC000  }
0x120: {  	[spmem:s2] =	stream.indirect.scatter.add.f32 [tilespmem:s13], [sflag:$0x3], $0x80, s29, s12, $0xb8;
	[tilespmem:$0x1D000] =	vst v63  }
0x121: {  	_ =	swait.ge [sflag:s10], $0x4000  }
0x122: {  	[sflag:s10] =	ssyncset.done $0x0  }
0x123: {  	[sflag:s10] =	ssyncadd.s32 $0xFFFFC000  }
0x124: {  	[tilespmem:s13], [sflag:$0x1] =	stream.indirect.gather [hbm4b:s4+s12], $0x80, s30, s12, $0xb8;
	[tilespmem:$0x1D000] =	vst v63  }
0x125: {  	_ =	swait.ge [sflag:s16], $0x4000  }
0x126: {  	[sflag:s16] =	ssyncset.done $0x0  }
0x127: {  	[sflag:s16] =	ssyncadd.s32 $0xFFFFC000  }
0x128: {  	[spmem:s2] =	stream.indirect.scatter.add.f32 [tilespmem:s14], [sflag:$0x3], $0x80, s31, s12, $0xb8;
	[tilespmem:$0x1D000] =	vst v63  }
0x129: {  	_ =	swait.ge [sflag:s10], $0x4000  }
0x12a: {  	[sflag:s10] =	ssyncset.done $0x0  }
0x12b: {  	[sflag:s10] =	ssyncadd.s32 $0xFFFFC000  }
0x12c: {  	[tilespmem:s14], [sflag:$0x2] =	stream.indirect.gather [hbm4b:s4+s12], $0x80, s1, s12, $0xb8;
	[tilespmem:$0x1D000] =	vst v63  }
0x12d: {  	_ =	swait.ge [sflag:s15], $0x4000  }
0x12e: {  	[sflag:s15] =	ssyncset.done $0x0  }
0x12f: {  	[sflag:s15] =	ssyncadd.s32 $0xFFFFC000  }
0x130: {  	[spmem:s2] =	stream.indirect.scatter.add.f32 [tilespmem:s13], [sflag:$0x3], $0x80, s0, s12, $0xb8;
	[tilespmem:$0x1D000] =	vst v63  }
0x131: {  	_ =	swait.ge [sflag:s10], $0x4000  }
0x132: {  	[sflag:s10] =	ssyncset.done $0x0  }
0x133: {  	[sflag:s10] =	ssyncadd.s32 $0xFFFFC000  }
0x134: {  	p0 =	sne.s32 s6, $0x900;
	_ =	swait.ge [sflag:s16], $0x4000  }
.Ltmp0:
0x135: {  	[sflag:s16] =	ssyncset.done $0x0;
	(pc) =	sbr.rel @p0 .LBB2_2-.Ltmp0, $4  }
0x136: {  	[sflag:s16] =	ssyncadd.s32 $0xFFFFC000  }
0x137: {  	[spmem:s2] =	stream.indirect.scatter.add.f32 [tilespmem:s14], [sflag:$0x3], $0x80, s5, s12, $0xb8;
	[tilespmem:$0x1D000] =	vst v63  }
0x138: {  	s7 =	smov.u32 s6;
	s6 =	sadd.s32 $0x100, s6;
	_ =	swait.ge [sflag:s10], $0x4000  }
0x139: {  	s8 =	smov.u32 s7;
	s9 =	rddreg [dreg:$0x3];
	[sflag:s10] =	ssyncset.done $0x0  }
0x13a: {  	[sflag:s10] =	ssyncadd.s32 $0xFFFFC000;
	s6 =	sadd.s32 s8, s9  }
0x13b: {  	[tilespmem:s3], [sflag:$0x3] =	stream.linear.gather [hbm4b:s6+s3], $0x800, $0x38;
	[tilespmem:$0x1D000] =	vst v63  }
0x13c: {  	_ =	swait.ge [sflag:s10], $0x800  }
0x13d: {  	s7 =	rddreg [dreg:$0x4];
	[sflag:s10] =	ssyncset.done $0x0  }
0x13e: {  	s6 =	sadd.s32 s8, s7;
	[sflag:s10] =	ssyncadd.s32 $0xFFFFF800  }
0x13f: {  	[tilespmem:s11], [sflag:$0x3] =	stream.linear.gather [hbm4b:s6+s3], $0x800, $0x38;
	[tilespmem:$0x1D000] =	vst v63  }
0x140: {  	_ =	swait.ge [sflag:s10], $0x800  }
0x141: {  	[sflag:s10] =	ssyncset.done $0x0  }
0x142: {  	[sflag:s10] =	ssyncadd.s32 $0xFFFFF800  }
0x143: {  	[tilespmem:s13], [sflag:$0x1] =	stream.indirect.gather [hbm4b:s4+s12], $0x80, s3, s12, $0xb8;
	[tilespmem:$0x1D000] =	vst v63  }
0x144: {  	_ = 	snop  }
0x145: {  	[tilespmem:s14], [sflag:$0x2] =	stream.indirect.gather [hbm4b:s4+s12], $0x80, s12, s12, $0xb8;
	[tilespmem:$0x1D000] =	vst v63  }
0x146: {  	_ =	swait.ge [sflag:s15], $0x4000  }
0x147: {  	[sflag:s15] =	ssyncset.done $0x0  }
0x148: {  	[sflag:s15] =	ssyncadd.s32 $0xFFFFC000  }
0x149: {  	[spmem:s2] =	stream.indirect.scatter.add.f32 [tilespmem:s13], [sflag:$0x3], $0x80, s11, s12, $0xb8;
	[tilespmem:$0x1D000] =	vst v63  }
0x14a: {  	_ =	swait.ge [sflag:s10], $0x4000  }
0x14b: {  	[sflag:s10] =	ssyncset.done $0x0  }
0x14c: {  	s9 =	rddreg [dreg:$0x5];
	[sflag:s10] =	ssyncadd.s32 $0xFFFFC000  }
0x14d: {  	[tilespmem:s13], [sflag:$0x1] =	stream.indirect.gather [hbm4b:s4+s12], $0x80, s9, s12, $0xb8;
	[tilespmem:$0x1D000] =	vst v63  }
0x14e: {  	_ =	swait.ge [sflag:s16], $0x4000  }
0x14f: {  	[sflag:s16] =	ssyncset.done $0x0  }
0x150: {  	s7 =	rddreg [dreg:$0x6];
	[sflag:s16] =	ssyncadd.s32 $0xFFFFC000  }
0x151: {  	[spmem:s2] =	stream.indirect.scatter.add.f32 [tilespmem:s14], [sflag:$0x3], $0x80, s7, s12, $0xb8;
	[tilespmem:$0x1D000] =	vst v63  }
0x152: {  	_ =	swait.ge [sflag:s10], $0x4000  }
0x153: {  	[sflag:s10] =	ssyncset.done $0x0  }
0x154: {  	s8 =	rddreg [dreg:$0x7];
	[sflag:s10] =	ssyncadd.s32 $0xFFFFC000  }
0x155: {  	[tilespmem:s14], [sflag:$0x2] =	stream.indirect.gather [hbm4b:s4+s12], $0x80, s8, s12, $0xb8;
	[tilespmem:$0x1D000] =	vst v63  }
0x156: {  	_ =	swait.ge [sflag:s15], $0x4000  }
0x157: {  	[sflag:s15] =	ssyncset.done $0x0  }
0x158: {  	s9 =	rddreg [dreg:$0x8];
	[sflag:s15] =	ssyncadd.s32 $0xFFFFC000  }
0x159: {  	[spmem:s2] =	stream.indirect.scatter.add.f32 [tilespmem:s13], [sflag:$0x3], $0x80, s9, s12, $0xb8;
	[tilespmem:$0x1D000] =	vst v63  }
0x15a: {  	_ =	swait.ge [sflag:s10], $0x4000  }
0x15b: {  	[sflag:s10] =	ssyncset.done $0x0  }
0x15c: {  	s7 =	rddreg [dreg:$0x9];
	[sflag:s10] =	ssyncadd.s32 $0xFFFFC000  }
0x15d: {  	[tilespmem:s13], [sflag:$0x1] =	stream.indirect.gather [hbm4b:s4+s12], $0x80, s7, s12, $0xb8;
	[tilespmem:$0x1D000] =	vst v63  }
0x15e: {  	_ =	swait.ge [sflag:s16], $0x4000  }
0x15f: {  	[sflag:s16] =	ssyncset.done $0x0  }
0x160: {  	s8 =	rddreg [dreg:$0xa];
	[sflag:s16] =	ssyncadd.s32 $0xFFFFC000  }
0x161: {  	[spmem:s2] =	stream.indirect.scatter.add.f32 [tilespmem:s14], [sflag:$0x3], $0x80, s8, s12, $0xb8;
	[tilespmem:$0x1D000] =	vst v63  }
0x162: {  	_ =	swait.ge [sflag:s10], $0x4000  }
0x163: {  	[sflag:s10] =	ssyncset.done $0x0  }
0x164: {  	s9 =	rddreg [dreg:$0xb];
	[sflag:s10] =	ssyncadd.s32 $0xFFFFC000  }
0x165: {  	[tilespmem:s14], [sflag:$0x2] =	stream.indirect.gather [hbm4b:s4+s12], $0x80, s9, s12, $0xb8;
	[tilespmem:$0x1D000] =	vst v63  }
0x166: {  	_ =	swait.ge [sflag:s15], $0x4000  }
0x167: {  	[sflag:s15] =	ssyncset.done $0x0  }
0x168: {  	s7 =	rddreg [dreg:$0xc];
	[sflag:s15] =	ssyncadd.s32 $0xFFFFC000  }
0x169: {  	[spmem:s2] =	stream.indirect.scatter.add.f32 [tilespmem:s13], [sflag:$0x3], $0x80, s7, s12, $0xb8;
	[tilespmem:$0x1D000] =	vst v63  }
0x16a: {  	_ =	swait.ge [sflag:s10], $0x4000  }
0x16b: {  	[sflag:s10] =	ssyncset.done $0x0  }
0x16c: {  	s8 =	rddreg [dreg:$0xd];
	[sflag:s10] =	ssyncadd.s32 $0xFFFFC000  }
0x16d: {  	[tilespmem:s13], [sflag:$0x1] =	stream.indirect.gather [hbm4b:s4+s12], $0x80, s8, s12, $0xb8;
	[tilespmem:$0x1D000] =	vst v63  }
0x16e: {  	_ =	swait.ge [sflag:s16], $0x4000  }
0x16f: {  	[sflag:s16] =	ssyncset.done $0x0  }
0x170: {  	s9 =	rddreg [dreg:$0xe];
	[sflag:s16] =	ssyncadd.s32 $0xFFFFC000  }
0x171: {  	[spmem:s2] =	stream.indirect.scatter.add.f32 [tilespmem:s14], [sflag:$0x3], $0x80, s9, s12, $0xb8;
	[tilespmem:$0x1D000] =	vst v63  }
0x172: {  	_ =	swait.ge [sflag:s10], $0x4000  }
0x173: {  	[sflag:s10] =	ssyncset.done $0x0  }
0x174: {  	s7 =	rddreg [dreg:$0xf];
	[sflag:s10] =	ssyncadd.s32 $0xFFFFC000  }
0x175: {  	[tilespmem:s14], [sflag:$0x2] =	stream.indirect.gather [hbm4b:s4+s12], $0x80, s7, s12, $0xb8;
	[tilespmem:$0x1D000] =	vst v63  }
0x176: {  	_ =	swait.ge [sflag:s15], $0x4000  }
0x177: {  	[sflag:s15] =	ssyncset.done $0x0  }
0x178: {  	s8 =	rddreg [dreg:$0x10];
	[sflag:s15] =	ssyncadd.s32 $0xFFFFC000  }
0x179: {  	[spmem:s2] =	stream.indirect.scatter.add.f32 [tilespmem:s13], [sflag:$0x3], $0x80, s8, s12, $0xb8;
	[tilespmem:$0x1D000] =	vst v63  }
0x17a: {  	_ =	swait.ge [sflag:s10], $0x4000  }
0x17b: {  	[sflag:s10] =	ssyncset.done $0x0  }
0x17c: {  	[sflag:s10] =	ssyncadd.s32 $0xFFFFC000  }
0x17d: {  	[tilespmem:s13], [sflag:$0x1] =	stream.indirect.gather [hbm4b:s4+s12], $0x80, s17, s12, $0xb8;
	[tilespmem:$0x1D000] =	vst v63  }
0x17e: {  	_ =	swait.ge [sflag:s16], $0x4000  }
0x17f: {  	[sflag:s16] =	ssyncset.done $0x0  }
0x180: {  	[sflag:s16] =	ssyncadd.s32 $0xFFFFC000  }
0x181: {  	[spmem:s2] =	stream.indirect.scatter.add.f32 [tilespmem:s14], [sflag:$0x3], $0x80, s18, s12, $0xb8;
	[tilespmem:$0x1D000] =	vst v63  }
0x182: {  	_ =	swait.ge [sflag:s10], $0x4000  }
0x183: {  	[sflag:s10] =	ssyncset.done $0x0  }
0x184: {  	[sflag:s10] =	ssyncadd.s32 $0xFFFFC000  }
0x185: {  	[tilespmem:s14], [sflag:$0x2] =	stream.indirect.gather [hbm4b:s4+s12], $0x80, s19, s12, $0xb8;
	[tilespmem:$0x1D000] =	vst v63  }
0x186: {  	_ =	swait.ge [sflag:s15], $0x4000  }
0x187: {  	[sflag:s15] =	ssyncset.done $0x0  }
0x188: {  	[sflag:s15] =	ssyncadd.s32 $0xFFFFC000  }
0x189: {  	[spmem:s2] =	stream.indirect.scatter.add.f32 [tilespmem:s13], [sflag:$0x3], $0x80, s20, s12, $0xb8;
	[tilespmem:$0x1D000] =	vst v63  }
0x18a: {  	_ =	swait.ge [sflag:s10], $0x4000  }
0x18b: {  	[sflag:s10] =	ssyncset.done $0x0  }
0x18c: {  	[sflag:s10] =	ssyncadd.s32 $0xFFFFC000  }
0x18d: {  	[tilespmem:s13], [sflag:$0x1] =	stream.indirect.gather [hbm4b:s4+s12], $0x80, s21, s12, $0xb8;
	[tilespmem:$0x1D000] =	vst v63  }
0x18e: {  	_ =	swait.ge [sflag:s16], $0x4000  }
0x18f: {  	[sflag:s16] =	ssyncset.done $0x0  }
0x190: {  	[sflag:s16] =	ssyncadd.s32 $0xFFFFC000  }
0x191: {  	[spmem:s2] =	stream.indirect.scatter.add.f32 [tilespmem:s14], [sflag:$0x3], $0x80, s22, s12, $0xb8;
	[tilespmem:$0x1D000] =	vst v63  }
0x192: {  	_ =	swait.ge [sflag:s10], $0x4000  }
0x193: {  	[sflag:s10] =	ssyncset.done $0x0  }
0x194: {  	[sflag:s10] =	ssyncadd.s32 $0xFFFFC000  }
0x195: {  	[tilespmem:s14], [sflag:$0x2] =	stream.indirect.gather [hbm4b:s4+s12], $0x80, s23, s12, $0xb8;
	[tilespmem:$0x1D000] =	vst v63  }
0x196: {  	_ =	swait.ge [sflag:s15], $0x4000  }
0x197: {  	[sflag:s15] =	ssyncset.done $0x0  }
0x198: {  	[sflag:s15] =	ssyncadd.s32 $0xFFFFC000  }
0x199: {  	[spmem:s2] =	stream.indirect.scatter.add.f32 [tilespmem:s13], [sflag:$0x3], $0x80, s24, s12, $0xb8;
	[tilespmem:$0x1D000] =	vst v63  }
0x19a: {  	_ =	swait.ge [sflag:s10], $0x4000  }
0x19b: {  	[sflag:s10] =	ssyncset.done $0x0  }
0x19c: {  	[sflag:s10] =	ssyncadd.s32 $0xFFFFC000  }
0x19d: {  	[tilespmem:s13], [sflag:$0x1] =	stream.indirect.gather [hbm4b:s4+s12], $0x80, s25, s12, $0xb8;
	[tilespmem:$0x1D000] =	vst v63  }
0x19e: {  	_ =	swait.ge [sflag:s16], $0x4000  }
0x19f: {  	[sflag:s16] =	ssyncset.done $0x0  }
0x1a0: {  	[sflag:s16] =	ssyncadd.s32 $0xFFFFC000  }
0x1a1: {  	[spmem:s2] =	stream.indirect.scatter.add.f32 [tilespmem:s14], [sflag:$0x3], $0x80, s26, s12, $0xb8;
	[tilespmem:$0x1D000] =	vst v63  }
0x1a2: {  	_ =	swait.ge [sflag:s10], $0x4000  }
0x1a3: {  	[sflag:s10] =	ssyncset.done $0x0  }
0x1a4: {  	[sflag:s10] =	ssyncadd.s32 $0xFFFFC000  }
0x1a5: {  	[tilespmem:s14], [sflag:$0x2] =	stream.indirect.gather [hbm4b:s4+s12], $0x80, s28, s12, $0xb8;
	[tilespmem:$0x1D000] =	vst v63  }
0x1a6: {  	_ =	swait.ge [sflag:s15], $0x4000  }
0x1a7: {  	[sflag:s15] =	ssyncset.done $0x0  }
0x1a8: {  	[sflag:s15] =	ssyncadd.s32 $0xFFFFC000  }
0x1a9: {  	[spmem:s2] =	stream.indirect.scatter.add.f32 [tilespmem:s13], [sflag:$0x3], $0x80, s29, s12, $0xb8;
	[tilespmem:$0x1D000] =	vst v63  }
0x1aa: {  	_ =	swait.ge [sflag:s10], $0x4000  }
0x1ab: {  	[sflag:s10] =	ssyncset.done $0x0  }
0x1ac: {  	[sflag:s10] =	ssyncadd.s32 $0xFFFFC000  }
0x1ad: {  	[tilespmem:s13], [sflag:$0x1] =	stream.indirect.gather [hbm4b:s4+s12], $0x80, s30, s12, $0xb8;
	[tilespmem:$0x1D000] =	vst v63  }
0x1ae: {  	_ =	swait.ge [sflag:s16], $0x4000  }
0x1af: {  	[sflag:s16] =	ssyncset.done $0x0  }
0x1b0: {  	[sflag:s16] =	ssyncadd.s32 $0xFFFFC000  }
0x1b1: {  	[spmem:s2] =	stream.indirect.scatter.add.f32 [tilespmem:s14], [sflag:$0x3], $0x80, s31, s12, $0xb8;
	[tilespmem:$0x1D000] =	vst v63  }
0x1b2: {  	_ =	swait.ge [sflag:s10], $0x4000  }
0x1b3: {  	[sflag:s10] =	ssyncset.done $0x0  }
0x1b4: {  	[sflag:s10] =	ssyncadd.s32 $0xFFFFC000  }
0x1b5: {  	[tilespmem:s14], [sflag:$0x2] =	stream.indirect.gather [hbm4b:s4+s12], $0x80, s1, s12, $0xb8;
	[tilespmem:$0x1D000] =	vst v63  }
0x1b6: {  	_ =	swait.ge [sflag:s15], $0x4000  }
0x1b7: {  	[sflag:s15] =	ssyncset.done $0x0  }
0x1b8: {  	[sflag:s15] =	ssyncadd.s32 $0xFFFFC000  }
0x1b9: {  	[spmem:s2] =	stream.indirect.scatter.add.f32 [tilespmem:s13], [sflag:$0x3], $0x80, s0, s12, $0xb8;
	[tilespmem:$0x1D000] =	vst v63  }
0x1ba: {  	_ =	swait.ge [sflag:s10], $0x4000  }
0x1bb: {  	[sflag:s10] =	ssyncset.done $0x0  }
0x1bc: {  	[sflag:s10] =	ssyncadd.s32 $0xFFFFC000  }
0x1bd: {  	_ =	swait.ge [sflag:s16], $0x4000  }
0x1be: {  	[sflag:s16] =	ssyncset.done $0x0  }
0x1bf: {  	[sflag:s16] =	ssyncadd.s32 $0xFFFFC000  }
0x1c0: {  	[spmem:s2] =	stream.indirect.scatter.add.f32 [tilespmem:s14], [sflag:$0x3], $0x80, s5, s12, $0xb8;
	[tilespmem:$0x1D000] =	vst v63  }
0x1c1: {  	_ =	swait.ge [sflag:s10], $0x4000  }
0x1c2: {  	[sflag:s10] =	ssyncset.done $0x0  }
0x1c3: {  	[sflag:s10] =	ssyncadd.s32 $0xFFFFC000  }
0x1c4: {  	[bflag:$0x0] =	sbarrier.arrive $0xFFFF  }
0x1c5: {  	s7 =	rddreg [dreg:$0x12]  }
0x1c6: {  	s9 =	rddreg [dreg:$0x13]  }
0x1c7: {  	s8 =	rddreg [dreg:$0x15]  }
0x1c8: {  	[hbm:s9], [sflag:s7] =	dma.local [spmem:s8], $0x2800  }
0x1c9: {  	_ =	swait.ge [sflag:s10], $0x2800  }
0x1ca: {  	s6 =	rddreg [dreg:$0x16]  }
0x1cb: {  	s9 =	sadd.s32 $0x1, s6;
	s6 =	rddreg [dreg:$0x14]  }
0x1cc: {  	p0 =	sne.s32 s9, s6  }
.Ltmp1:
0x1cd: {  	_ = 	snop;
	(pc) =	sbr.rel @p0 .LBB2_1-.Ltmp1, $3  }
0x1ce: {  	_ =	sdelay $0x1  }
0x1cf: {  	[sflag:s10] =	ssyncset.done $0x0  }
0x1d0: {  	[sflag:s10] =	ssyncadd.s32 $0xFFFFD800  }
0x1d1: {  	_ =	sfence.sel $0x180000  }
0x1d2: {  	[bflag:$0x0] =	sbarrier.arrive $0xFFFF  }
0x1d3: {  	_ =	strace $0x9000004A  }
0x1d4: {  	s0 =	stileid.u32;
	[bflag:$0x2] =	sbarrier.arrive $0xFFFF  }
0x1d5: {  	p0 =	sne.s32 s0, $0x0;
	s0 =	rddreg [dreg:$0x2]  }
0x1d6: {  	s0 =	sadd.s32 @!p0 $0x100000, s0  }
0x1d7: {  	[sflag:s0] =	ssyncadd.tile.s32 @!p0 $0x1;
	_ =	shalt  }
.Lfunc_end2:
_tile_overlayer_lowered:
.L_overlay_start_2:
0x1d8: {  	(tag) =	ssettag $0x2  }
0x1d9: {  	s0 =	rddreg [dreg:$0x0];
	s2 =	stileid.u32  }
0x1da: {  	s1 =	rddreg [dreg:$0x1];
	p0 =	sne.s32 s2, $0x0  }
0x1db: {  	s3 =	rddreg [dreg:$0x2];
	[bflag:$0x3] =	sbarrier.arrive $0xFFFF;
	s2 =	simm.s32 @!p0 $0x1C03  }
0x1dc: {  	[timem:s3], [sflag:s2] =	dma.local @!p0 [hbm:s0], s1  }
0x1dd: {  	s0 =	simm.s32 @!p0 $0x3  }
0x1de: {  	_ =	swait.ge @!p0 [sflag:s0], s1  }
0x1df: {  	s1 =	ssub.s32 @!p0 $0x0, s1;
	[sflag:s0] =	ssyncset.done @!p0 $0x0  }
0x1e0: {  	[sflag:s0] =	ssyncadd.s32 @!p0 s1  }
0x1e1: {  	[bflag:$0x3] =	sbarrier.arrive $0xFFFF  }
0x1e2: {  	_ =	shalt  }

// kernel: kernel.14.cloned.1.call-start
scs
__scs_entry_jumppad:
0x0: {  	(pc) =	sbr.rel $0x88, $3  }
0x1: {  	(tag) =	ssettag $0x0;
	lr =	simm.s32 $0x1  }
0x2: {  	[smem:$0x3F91] =	sst lr;
	_ =	strace $0xD0000000  }
0x3: {  	_ = 	snop  }
0x4: {  	_ = 	snop  }
0x5: {  	_ = 	snop  }
0x6: {  	_ = 	snop  }
0x7: {  	_ = 	snop  }
__scs_overlays_trampoline_lowered:
0x8: {  	[smem:$0x3FA0] =	sst s0  }
0x9: {  	[smem:$0x3FA1] =	sst s1  }
0xa: {  	[smem:$0x3FA2] =	sst s2  }
0xb: {  	[smem:$0x3FA3] =	sst s3  }
0xc: {  	[smem:$0x3FA4] =	sst s4  }
0xd: {  	[smem:$0x3FA5] =	sst s5  }
0xe: {  	[smem:$0x3FA6] =	sst s6  }
0xf: {  	[smem:$0x3FA7] =	sst s7  }
0x10: {  	[smem:$0x3FA8] =	sst s8  }
0x11: {  	[smem:$0x3FA9] =	sst s9;
	s0 =	simm.s32 @!p0 $0x0  }
0x12: {  	s1 =	sld [smem:$0x3F8F];
	s0 =	simm.s32 @p0 $0x1  }
0x13: {  	[smem:$0x3FAA] =	sst s0;
	s0 =	simm.s32 @!p1 $0x0  }
0x14: {  	s2 =	sld [smem:$0x3F8E];
	s0 =	simm.s32 @p1 $0x1  }
0x15: {  	[smem:$0x3FAB] =	sst s0;
	s0 =	simm.s32 @!p2 $0x0  }
0x16: {  	s3 =	sld [smem:$0x3FDB];
	s0 =	simm.s32 @p2 $0x1  }
0x17: {  	s4 =	simm.s32 $0x1BF5;
	[smem:$0x3FAD] =	sst s0  }
0x18: {  	s0 =	sld [smem:$0x3F90];
	_ =	swait.ge [sflag:s4], $0x0  }
0x19: {  	s7 =	sld [smem:$0x3F91]  }
0x1a: {  	s8 =	sadd.s32 $0xFFFFE003, lr  }
0x1b: {  	s9 =	sadd.s32 $0xFFFFFEF7, lr;
	s5 =	simm.s32 $0xFFFFFFFF;
	p2 =	slt.u32 s8, $0xFFFFF086  }
0x1c: {  	p1 =	slt.u32 s9, $0xF7A;
	s5 =	simm.s32 @!p2 $0x0  }
0x1d: {  	s5 =	simm.s32 @p1 $0x1;
	p0 =	seq.s32 s7, s2  }
0x1e: {  	s7 =	smul.u32 @!p0 $0xF7A, s2;
	p2 =	seq.s32 @!p0 s5, $0x0  }
0x1f: {  	s9 =	smul.u32 $0xF7A, s1;
	s8 =	simm.s32 @!p0 $0x1BF5;
	p2 =	por !p2, p0  }
0x20: {  	[sflag:s8] =	ssyncset.s32 @!p0 $0xFFFFF086;
	s6 =	sadd.s32 @!p0 s3, s7;
	s7 =	simm.s32 @!p0 $0x108  }
0x21: {  	s3 =	sadd.s32 s3, s9;
	s6 =	sadd.s32 @!p0 $0x88, s6;
	s7 =	simm.s32 @p2 $0x1082  }
0x22: {  	[simem:s7], [sflag:s8] =	dma.local @!p0 [hbm:s6], $0xF7A  }
0x23: {  	s9 =	sor.u32 $0xD0000000, s2;
	s6 =	simm.s32 $0x108;
	_ =	swait.ge @!p0 [sflag:s8], $0x0  }
0x24: {  	s3 =	sadd.s32 $0x88, s3;
	s6 =	simm.s32 @!p1 $0x1082;
	[sflag:s4] =	ssyncset.s32 $0xFFFFF086  }
0x25: {  	[simem:s6], [sflag:s4] =	dma.local [hbm:s3], $0xF7A  }
0x26: {  	[smem:$0x3F91] =	sst s1;
	(tag) =	ssettag s2;
	_ =	strace s9  }
0x27: {  	s1 =	sld [smem:$0x3FA1]  }
0x28: {  	s2 =	sld [smem:$0x3FA2]  }
0x29: {  	s4 =	sld [smem:$0x3FA4]  }
0x2a: {  	p0 =	seq.s32 s5, $0x0;
	s5 =	sld [smem:$0x3FA5]  }
0x2b: {  	s6 =	sld [smem:$0x3FA6]  }
0x2c: {  	s7 =	sld [smem:$0x3FA7]  }
0x2d: {  	s3 =	simm.s32 $0x108;
	s8 =	sld [smem:$0x3FA8]  }
0x2e: {  	s3 =	simm.s32 @!p0 $0x1082;
	s9 =	sld [smem:$0x3FA9]  }
0x2f: {  	lr =	sadd.s32 s0, s3;
	s0 =	sld [smem:$0x3FA0]  }
0x30: {  	s3 =	sld [smem:$0x3FA3]  }
0x31: {  	[smem:$0x3FAC] =	sst s10  }
0x32: {  	s10 =	sld [smem:$0x3FAA];
	_ =	sdelay $0x3  }
0x33: {  	p0 =	seq.s32 s10, $0x1;
	s10 =	sld [smem:$0x3FAC];
	_ =	sdelay $0x3  }
0x34: {  	[smem:$0x3FAC] =	sst s10  }
0x35: {  	s10 =	sld [smem:$0x3FAB];
	_ =	sdelay $0x3  }
0x36: {  	p1 =	seq.s32 s10, $0x1;
	s10 =	sld [smem:$0x3FAC];
	_ =	sdelay $0x3  }
0x37: {  	[smem:$0x3FAC] =	sst s10  }
0x38: {  	s10 =	sld [smem:$0x3FAD]  }
0x39: {  	_ = 	snop;
	(pc) =	sbr.ind lr, $3  }
0x3a: {  	_ = 	snop  }
0x3b: {  	_ = 	snop  }
0x3c: {  	p2 =	seq.s32 s10, $0x1;
	s10 =	sld [smem:$0x3FAC]  }
0x3d: {  	_ =	shalt  }
0x3e: {  	_ =	shalt  }
0x3f: {  	_ =	shalt  }
0x40: {  	_ =	shalt  }
0x41: {  	_ =	shalt  }
0x42: {  	_ =	shalt  }
0x43: {  	_ =	shalt  }
0x44: {  	_ =	shalt  }
0x45: {  	_ =	shalt  }
0x46: {  	_ =	shalt  }
0x47: {  	_ =	shalt  }
0x48: {  	_ =	shalt  }
0x49: {  	_ =	shalt  }
0x4a: {  	_ =	shalt  }
0x4b: {  	_ =	shalt  }
0x4c: {  	_ =	shalt  }
0x4d: {  	_ =	shalt  }
0x4e: {  	_ =	shalt  }
0x4f: {  	_ =	shalt  }
0x50: {  	_ =	shalt  }
0x51: {  	_ =	shalt  }
0x52: {  	_ =	shalt  }
0x53: {  	_ =	shalt  }
0x54: {  	_ =	shalt  }
0x55: {  	_ =	shalt  }
0x56: {  	_ =	shalt  }
0x57: {  	_ =	shalt  }
0x58: {  	_ =	shalt  }
0x59: {  	_ =	shalt  }
0x5a: {  	_ =	shalt  }
0x5b: {  	_ =	shalt  }
0x5c: {  	_ =	shalt  }
0x5d: {  	_ =	shalt  }
0x5e: {  	_ =	shalt  }
0x5f: {  	_ =	shalt  }
0x60: {  	_ =	shalt  }
0x61: {  	_ =	shalt  }
0x62: {  	_ =	shalt  }
0x63: {  	_ =	shalt  }
0x64: {  	_ =	shalt  }
0x65: {  	_ =	shalt  }
0x66: {  	_ =	shalt  }
0x67: {  	_ =	shalt  }
0x68: {  	_ =	shalt  }
0x69: {  	_ =	shalt  }
0x6a: {  	_ =	shalt  }
0x6b: {  	_ =	shalt  }
0x6c: {  	_ =	shalt  }
0x6d: {  	_ =	shalt  }
0x6e: {  	_ =	shalt  }
0x6f: {  	_ =	shalt  }
0x70: {  	_ =	shalt  }
0x71: {  	_ =	shalt  }
0x72: {  	_ =	shalt  }
0x73: {  	_ =	shalt  }
0x74: {  	_ =	shalt  }
0x75: {  	_ =	shalt  }
0x76: {  	_ =	shalt  }
0x77: {  	_ =	shalt  }
0x78: {  	_ =	shalt  }
0x79: {  	_ =	shalt  }
0x7a: {  	_ =	shalt  }
0x7b: {  	_ =	shalt  }
0x7c: {  	_ =	shalt  }
0x7d: {  	_ =	shalt  }
0x7e: {  	_ =	shalt  }
0x7f: {  	_ =	shalt  }
0x80: {  	_ =	shalt  }
0x81: {  	_ =	shalt  }
0x82: {  	_ =	shalt  }
0x83: {  	_ =	shalt  }
0x84: {  	_ =	shalt  }
0x85: {  	_ =	shalt  }
0x86: {  	_ =	shalt  }
0x87: {  	_ =	shalt  }
.Lfunc_end0:
.L_simem_size_0:
called_computation.2_lowered:
.L_overlay_start_0:
0x88: {  	s2 =	sld [smem:$0x3FD9]  }
0x89: {  	s3 =	sld [smem:$0x3FFE];
	_ =	sdelay $0x1  }
0x8a: {  	s1 =	srdreg.scid  }
0x8b: {  	s0 =	sand.u32 $0x1, s1  }
0x8c: {  	s16 =	sshll.u32 s0, $0xA;
	s2 =	sadd.s32 s3, s2  }
0x8d: {  	s2 =	sadd.s32 s2, s16  }
0x8e: {  	[smem:$0x3FB8] =	sst s2  }
0x8f: {  	_ = 	snop  }
0x90: {  	(tm) =	ssettm $0x1  }
0x91: {  	s17 =	sld [smem:$0x3FFB];
	_ =	sdelay $0x3  }
0x92: {  	_ =	strace s17  }
0x93: {  	s2 =	sld [smem:$0x3FFC];
	_ =	sdelay $0x3  }
0x94: {  	_ =	strace s2  }
0x95: {  	s2 =	sld [smem:$0x3FFD];
	_ =	sdelay $0x3  }
0x96: {  	_ =	strace s2  }
0x97: {  	_ =	strace $0x8FFFFFFF  }
0x98: {  	s18 =	sld [smem:$0x3FDB];
	_ =	sdelay $0x1  }
0x99: {  	s19 =	simm.s32 $_scs_section_size  }
0x9a: {  	s4 =	simm.s32 $_size__tile_overlayer_lowered;
	s5 =	simm.s32 $_tile_overlayer_lowered  }
0x9b: {  	s22 =	simm.s32 $0x1BFF;
	s21 =	sshll.u32 s5, $0x1;
	s2 =	sadd.s32 s19, s18  }
0x9c: {  	s6 =	simm.s32 $0x0;
	s20 =	sshll.u32 s4, $0x1;
	s4 =	sadd.s32 s21, s2  }
0x9d: {  	[timem:s6], [sflag:s22] =	dma.local [hbm:s4], s20  }
0x9e: {  	_ =	swait.ge [sflag:s22], s20  }
0x9f: {  	s3 =	ssub.s32 $0x0, s20;
	[sflag:s22] =	ssyncset.done $0x0  }
0xa0: {  	[sflag:s22] =	ssyncadd.s32 s3;
	_ =	sdelay $0x1  }
0xa1: {  	s23 =	simm.s32 $0x1B8B  }
0xa2: {  	_ =	swait.ge [sflag:s23], $0x1  }
0xa3: {  	[sflag:s23] =	ssyncset.done $0x0  }
0xa4: {  	s25 =	simm.s32 $0x1B8E;
	s24 =	sld [smem:$0x3FFE];
	[sflag:s23] =	ssyncadd.s32 $0xFFFFFFFF  }
0xa5: {  	s26 =	simm.s32 $execute0_lowered;
	[smem:$0x3FD2] =	sst s25  }
0xa6: {  	s4 =	sshll.u32 s26, $0x1;
	_ =	strace $0x8000004C;
	[dreg:$0x1] =	wrdreg $0xFFFFFFFF  }
0xa7: {  	s28 =	simm.s32 $_size_execute0_lowered;
	s2 =	sadd.s32 s2, s4;
	[dreg:$0x0] =	wrdreg $0x0  }
0xa8: {  	s4 =	sshll.u32 s28, $0x1;
	[dreg:$0x2] =	wrdreg s2  }
0xa9: {  	[dreg:$0x3] =	wrdreg s4  }
0xaa: {  	[dreg:$0x4] =	wrdreg $0xC0  }
0xab: {  	_ =	task [dreg:s6], $0x5FFFF  }
0xac: {  	[dreg:$0x1] =	wrdreg $0xFFFFFFFF  }
0xad: {  	[dreg:$0x0] =	wrdreg $0x60  }
0xae: {  	[dreg:$0x2] =	wrdreg s24  }
0xaf: {  	[dreg:$0x3] =	wrdreg $0x90000  }
0xb0: {  	[dreg:$0x4] =	wrdreg $0x9  }
0xb1: {  	_ =	task.clear_ibuf [dreg:s6], $0x5FFFF;
	_ =	strace $0x9000004C  }
0xb2: {  	s29 =	simm.s32 $0x9;
	_ =	strace $0x8000004E  }
0xb3: {  	_ =	swait.ge [sflag:s29], $0x1  }
0xb4: {  	[sflag:s29] =	ssyncadd.s32 $0xFFFFFFFF  }
0xb5: {  	_ =	strace $0x9000004E  }
0xb6: {  	_ =	sfence  }
0xb7: {  	s30 =	sld [smem:$0x0];
	_ =	sdelay $0x2  }
0xb8: {  	s31 =	sshll.u32 s1, $0xD;
	s1 =	sshrl.u32 s1, $0x2  }
0xb9: {  	s3 =	sand.u32 $0x4000, s31;
	s1 =	sadd.s32 s1, s30  }
0xba: {  	s0 =	sor.u32 s3, s0;
	s1 =	sshll.u32 s1, $0x11  }
0xbb: {  	s0 =	sor.u32 s1, s0  }
0xbc: {  	s0 =	sadd.s32 $0x8F2B, s0  }
0xbd: {  	[sflag:s0] =	ssyncadd.remote.s32 $0x1  }
0xbe: {  	_ =	sfence.sel $0xFFFF  }
0xbf: {  	[dreg:$0x0] =	wrdreg $0xFFFFFFFF;
	(pc) =	sbr.abs _section_cstart, $3  }
0xc0: {  	[dreg:$0x1] =	wrdreg $0xFFFFFFFF  }
0xc1: {  	_ =	task.clear_ibuf [dreg:s6], $0x2FFFF;
	_ =	strace $0x9FFFFFFF  }
0xc2: {  	(tm) =	ssettm $0x7FFFFFFF  }
0xc3: {  	_ =	shalt  }
tec
execute0_lowered:
.L_overlay_start_1:
0x0: {  	(tag) =	ssettag $0x1  }
0x1: {  	s0 =	srdreg.scid;
	s1 =	rddreg [dreg:$0x0]  }
0x2: {  	s9 =	stileid.u32;
	s2 =	rddreg [dreg:$0x1]  }
0x3: {  	s3 =	simm.s32 $0x0;
	s14 =	simm.s32 $0x100;
	s15 =	simm.s32 $0x880  }
0x4: {  	s17 =	simm.s32 $0x180;
	[smem:$0x7FF] =	sst s3;
	s26 =	sadd.s32 $0x85C00, s1  }
0x5: {  	s18 =	simm.s32 $0x900;
	_ =	strace $0x8000004D;
	[dreg:$0x11] =	wrdreg s26  }
0x6: {  	s19 =	simm.s32 $0x200;
	s20 =	simm.s32 $0x980;
	[dreg:$0x5] =	wrdreg s14  }
0x7: {  	s21 =	simm.s32 $0x280;
	s22 =	simm.s32 $0xA00;
	[dreg:$0x6] =	wrdreg s15  }
0x8: {  	s23 =	simm.s32 $0x300;
	s24 =	simm.s32 $0xA80;
	[dreg:$0x7] =	wrdreg s17  }
0x9: {  	s28 =	simm.s32 $0x680;
	s29 =	simm.s32 $0xE00;
	[dreg:$0x8] =	wrdreg s18  }
0xa: {  	s30 =	simm.s32 $0x700;
	s5 =	smul.u32 $0x5000, s9;
	[dreg:$0x9] =	wrdreg s19  }
0xb: {  	s31 =	simm.s32 $0xE80;
	s7 =	smul.u32 $0x14000, s9;
	[dreg:$0xa] =	wrdreg s20  }
0xc: {  	s0 =	sand.u32 $0x1, s0;
	s8 =	smul.u32 $0xA00, s9;
	[dreg:$0xb] =	wrdreg s21  }
0xd: {  	s11 =	smul.u32 $0x50000, s9;
	s16 =	sshll.u32 s9, $0x6;
	[dreg:$0xc] =	wrdreg s22  }
0xe: {  	s9 =	simm.s32 $0x0;
	s4 =	smul.u32 $0x50000, s0;
	[dreg:$0xd] =	wrdreg s23  }
0xf: {  	s6 =	smul.u32 $0x140000, s0;
	s0 =	ssub.s32 $0x2, s0;
	[dreg:$0xe] =	wrdreg s24  }
0x10: {  	s14 =	simm.s32 $0x5000;
	s26 =	simm.s32 $0xB00;
	s15 =	simm.s32 $0x1  }
0x11: {  	s17 =	simm.s32 $0x400;
	s18 =	simm.s32 $0xB80;
	s19 =	simm.s32 $0x480  }
0x12: {  	s20 =	simm.s32 $0xC00;
	s21 =	simm.s32 $0x500;
	s22 =	simm.s32 $0xC80  }
0x13: {  	s23 =	simm.s32 $0x580;
	s24 =	simm.s32 $0xD00;
	s25 =	sadd.s32 s8, s1  }
0x14: {  	s10 =	sshrl.u32 s0, $0x1;
	s13 =	sshrl.u32 s11, $0x2;
	s11 =	simm.s32 $0x800  }
0x15: {  	[dreg:$0x10] =	wrdreg s26;
	s26 =	simm.s32 $0xD80;
	s5 =	sadd.s32 s4, s5  }
0x16: {  	s4 =	sadd.s32 $0x3600, s1;
	s6 =	sadd.s32 s7, s6;
	s0 =	ssub.s32 s0, s10  }
0x17: {  	s12 =	sadd.s32 $0x53C00, s25;
	s7 =	sor.u32 $0x1C03, s16;
	s10 =	simm.s32 $0x3  }
0x18: {  	s25 =	simm.s32 $0x380;
	s16 =	simm.s32 $0x2;
	s5 =	sshrl.u32 s5, $0x3  }
0x19: {  	s6 =	sshrl.u32 s6, $0x3;
	[dreg:$0x4] =	wrdreg s12;
	s0 =	smax.u32 s0, $0x1  }
0x1a: {  	s12 =	simm.s32 $0x80;
	[dreg:$0xf] =	wrdreg s25;
	s25 =	simm.s32 $0x600  }
0x1b: {  	[dreg:$0x12] =	wrdreg s7;
	s5 =	sadd.s32 s5, s1;
	s1 =	sadd.s32 s6, s1  }
0x1c: {  	s6 =	sadd.s32 s13, s2;
	[dreg:$0x14] =	wrdreg s0;
	s5 =	sadd.s32 $0x71C00, s5  }
0x1d: {  	s13 =	simm.s32 $0x1000;
	s1 =	sadd.s32 $0x88400, s1;
	[dreg:$0x3] =	wrdreg s5  }
0x1e: {  	s0 =	simm.s32 $0xF00;
	s8 =	sshrl.u32 s6, $0x3;
	[dreg:$0x13] =	wrdreg s1  }
0x1f: {  	s1 =	simm.s32 $0x780;
	s5 =	simm.s32 $0xF80;
	[dreg:$0x15] =	wrdreg s8  }
.LBB2_1:
0x20: {  	[dreg:$0x16] =	wrdreg s9  }
0x21: {  	s6 =	rddreg [dreg:$0x11]  }
0x22: {  	[spmem:s8], [sflag:s7] =	dma.local [hbm:s6], $0x2800  }
0x23: {  	_ =	swait.ge [sflag:s10], $0x2800  }
0x24: {  	[sflag:s10] =	ssyncset.done $0x0  }
0x25: {  	[sflag:s10] =	ssyncadd.s32 $0xFFFFD800  }
0x26: {  	[bflag:$0x0] =	sbarrier.arrive $0xFFFF  }
0x27: {  	s8 =	rddreg [dreg:$0x3]  }
0x28: {  	s6 =	sadd.s32 $0x0, s8  }
0x29: {  	[tilespmem:s3], [sflag:$0x3] =	stream.linear.gather [hbm4b:s6+s3], $0x800, $0x38;
	[tilespmem:$0x1D000] =	vst v63  }
0x2a: {  	_ =	swait.ge [sflag:s10], $0x800  }
0x2b: {  	s9 =	rddreg [dreg:$0x4];
	[sflag:s10] =	ssyncset.done $0x0  }
0x2c: {  	[sflag:s10] =	ssyncadd.s32 $0xFFFFF800;
	s6 =	sadd.s32 $0x0, s9  }
0x2d: {  	[tilespmem:s11], [sflag:$0x3] =	stream.linear.gather [hbm4b:s6+s3], $0x800, $0x38;
	[tilespmem:$0x1D000] =	vst v63  }
0x2e: {  	_ =	swait.ge [sflag:s10], $0x800  }
0x2f: {  	[sflag:s10] =	ssyncset.done $0x0  }
0x30: {  	[sflag:s10] =	ssyncadd.s32 $0xFFFFF800  }
0x31: {  	[tilespmem:s13], [sflag:$0x1] =	stream.indirect.gather [hbm4b:s4+s12], $0x80, s3, s12, $0xb8;
	[tilespmem:$0x1D000] =	vst v63  }
0x32: {  	_ = 	snop  }
0x33: {  	[tilespmem:s14], [sflag:$0x2] =	stream.indirect.gather [hbm4b:s4+s12], $0x80, s12, s12, $0xb8;
	[tilespmem:$0x1D000] =	vst v63  }
0x34: {  	_ =	swait.ge [sflag:s15], $0x4000  }
0x35: {  	[sflag:s15] =	ssyncset.done $0x0  }
0x36: {  	[sflag:s15] =	ssyncadd.s32 $0xFFFFC000  }
0x37: {  	[spmem:s2] =	stream.indirect.scatter.add.f32 [tilespmem:s13], [sflag:$0x3], $0x80, s11, s12, $0xb8;
	[tilespmem:$0x1D000] =	vst v63  }
0x38: {  	_ =	swait.ge [sflag:s10], $0x4000  }
0x39: {  	[sflag:s10] =	ssyncset.done $0x0  }
0x3a: {  	s7 =	rddreg [dreg:$0x5];
	[sflag:s10] =	ssyncadd.s32 $0xFFFFC000  }
0x3b: {  	[tilespmem:s13], [sflag:$0x1] =	stream.indirect.gather [hbm4b:s4+s12], $0x80, s7, s12, $0xb8;
	[tilespmem:$0x1D000] =	vst v63  }
0x3c: {  	_ =	swait.ge [sflag:s16], $0x4000  }
0x3d: {  	[sflag:s16] =	ssyncset.done $0x0  }
0x3e: {  	s8 =	rddreg [dreg:$0x6];
	[sflag:s16] =	ssyncadd.s32 $0xFFFFC000  }
0x3f: {  	[spmem:s2] =	stream.indirect.scatter.add.f32 [tilespmem:s14], [sflag:$0x3], $0x80, s8, s12, $0xb8;
	[tilespmem:$0x1D000] =	vst v63  }
0x40: {  	_ =	swait.ge [sflag:s10], $0x4000  }
0x41: {  	[sflag:s10] =	ssyncset.done $0x0  }
0x42: {  	s9 =	rddreg [dreg:$0x7];
	[sflag:s10] =	ssyncadd.s32 $0xFFFFC000  }
0x43: {  	[tilespmem:s14], [sflag:$0x2] =	stream.indirect.gather [hbm4b:s4+s12], $0x80, s9, s12, $0xb8;
	[tilespmem:$0x1D000] =	vst v63  }
0x44: {  	_ =	swait.ge [sflag:s15], $0x4000  }
0x45: {  	[sflag:s15] =	ssyncset.done $0x0  }
0x46: {  	s7 =	rddreg [dreg:$0x8];
	[sflag:s15] =	ssyncadd.s32 $0xFFFFC000  }
0x47: {  	[spmem:s2] =	stream.indirect.scatter.add.f32 [tilespmem:s13], [sflag:$0x3], $0x80, s7, s12, $0xb8;
	[tilespmem:$0x1D000] =	vst v63  }
0x48: {  	_ =	swait.ge [sflag:s10], $0x4000  }
0x49: {  	[sflag:s10] =	ssyncset.done $0x0  }
0x4a: {  	s8 =	rddreg [dreg:$0x9];
	[sflag:s10] =	ssyncadd.s32 $0xFFFFC000  }
0x4b: {  	[tilespmem:s13], [sflag:$0x1] =	stream.indirect.gather [hbm4b:s4+s12], $0x80, s8, s12, $0xb8;
	[tilespmem:$0x1D000] =	vst v63  }
0x4c: {  	_ =	swait.ge [sflag:s16], $0x4000  }
0x4d: {  	[sflag:s16] =	ssyncset.done $0x0  }
0x4e: {  	s9 =	rddreg [dreg:$0xa];
	[sflag:s16] =	ssyncadd.s32 $0xFFFFC000  }
0x4f: {  	[spmem:s2] =	stream.indirect.scatter.add.f32 [tilespmem:s14], [sflag:$0x3], $0x80, s9, s12, $0xb8;
	[tilespmem:$0x1D000] =	vst v63  }
0x50: {  	_ =	swait.ge [sflag:s10], $0x4000  }
0x51: {  	[sflag:s10] =	ssyncset.done $0x0  }
0x52: {  	s7 =	rddreg [dreg:$0xb];
	[sflag:s10] =	ssyncadd.s32 $0xFFFFC000  }
0x53: {  	[tilespmem:s14], [sflag:$0x2] =	stream.indirect.gather [hbm4b:s4+s12], $0x80, s7, s12, $0xb8;
	[tilespmem:$0x1D000] =	vst v63  }
0x54: {  	_ =	swait.ge [sflag:s15], $0x4000  }
0x55: {  	[sflag:s15] =	ssyncset.done $0x0  }
0x56: {  	s8 =	rddreg [dreg:$0xc];
	[sflag:s15] =	ssyncadd.s32 $0xFFFFC000  }
0x57: {  	[spmem:s2] =	stream.indirect.scatter.add.f32 [tilespmem:s13], [sflag:$0x3], $0x80, s8, s12, $0xb8;
	[tilespmem:$0x1D000] =	vst v63  }
0x58: {  	_ =	swait.ge [sflag:s10], $0x4000  }
0x59: {  	[sflag:s10] =	ssyncset.done $0x0  }
0x5a: {  	s9 =	rddreg [dreg:$0xd];
	[sflag:s10] =	ssyncadd.s32 $0xFFFFC000  }
0x5b: {  	[tilespmem:s13], [sflag:$0x1] =	stream.indirect.gather [hbm4b:s4+s12], $0x80, s9, s12, $0xb8;
	[tilespmem:$0x1D000] =	vst v63  }
0x5c: {  	_ =	swait.ge [sflag:s16], $0x4000  }
0x5d: {  	[sflag:s16] =	ssyncset.done $0x0  }
0x5e: {  	s7 =	rddreg [dreg:$0xe];
	[sflag:s16] =	ssyncadd.s32 $0xFFFFC000  }
0x5f: {  	[spmem:s2] =	stream.indirect.scatter.add.f32 [tilespmem:s14], [sflag:$0x3], $0x80, s7, s12, $0xb8;
	[tilespmem:$0x1D000] =	vst v63  }
0x60: {  	_ =	swait.ge [sflag:s10], $0x4000  }
0x61: {  	[sflag:s10] =	ssyncset.done $0x0  }
0x62: {  	s8 =	rddreg [dreg:$0xf];
	[sflag:s10] =	ssyncadd.s32 $0xFFFFC000  }
0x63: {  	[tilespmem:s14], [sflag:$0x2] =	stream.indirect.gather [hbm4b:s4+s12], $0x80, s8, s12, $0xb8;
	[tilespmem:$0x1D000] =	vst v63  }
0x64: {  	_ =	swait.ge [sflag:s15], $0x4000  }
0x65: {  	[sflag:s15] =	ssyncset.done $0x0  }
0x66: {  	s9 =	rddreg [dreg:$0x10];
	[sflag:s15] =	ssyncadd.s32 $0xFFFFC000  }
0x67: {  	[spmem:s2] =	stream.indirect.scatter.add.f32 [tilespmem:s13], [sflag:$0x3], $0x80, s9, s12, $0xb8;
	[tilespmem:$0x1D000] =	vst v63  }
0x68: {  	_ =	swait.ge [sflag:s10], $0x4000  }
0x69: {  	[sflag:s10] =	ssyncset.done $0x0  }
0x6a: {  	[sflag:s10] =	ssyncadd.s32 $0xFFFFC000  }
0x6b: {  	[tilespmem:s13], [sflag:$0x1] =	stream.indirect.gather [hbm4b:s4+s12], $0x80, s17, s12, $0xb8;
	[tilespmem:$0x1D000] =	vst v63  }
0x6c: {  	_ =	swait.ge [sflag:s16], $0x4000  }
0x6d: {  	[sflag:s16] =	ssyncset.done $0x0  }
0x6e: {  	[sflag:s16] =	ssyncadd.s32 $0xFFFFC000  }
0x6f: {  	[spmem:s2] =	stream.indirect.scatter.add.f32 [tilespmem:s14], [sflag:$0x3], $0x80, s18, s12, $0xb8;
	[tilespmem:$0x1D000] =	vst v63  }
0x70: {  	_ =	swait.ge [sflag:s10], $0x4000  }
0x71: {  	[sflag:s10] =	ssyncset.done $0x0  }
0x72: {  	[sflag:s10] =	ssyncadd.s32 $0xFFFFC000  }
0x73: {  	[tilespmem:s14], [sflag:$0x2] =	stream.indirect.gather [hbm4b:s4+s12], $0x80, s19, s12, $0xb8;
	[tilespmem:$0x1D000] =	vst v63  }
0x74: {  	_ =	swait.ge [sflag:s15], $0x4000  }
0x75: {  	[sflag:s15] =	ssyncset.done $0x0  }
0x76: {  	[sflag:s15] =	ssyncadd.s32 $0xFFFFC000  }
0x77: {  	[spmem:s2] =	stream.indirect.scatter.add.f32 [tilespmem:s13], [sflag:$0x3], $0x80, s20, s12, $0xb8;
	[tilespmem:$0x1D000] =	vst v63  }
0x78: {  	_ =	swait.ge [sflag:s10], $0x4000  }
0x79: {  	[sflag:s10] =	ssyncset.done $0x0  }
0x7a: {  	[sflag:s10] =	ssyncadd.s32 $0xFFFFC000  }
0x7b: {  	[tilespmem:s13], [sflag:$0x1] =	stream.indirect.gather [hbm4b:s4+s12], $0x80, s21, s12, $0xb8;
	[tilespmem:$0x1D000] =	vst v63  }
0x7c: {  	_ =	swait.ge [sflag:s16], $0x4000  }
0x7d: {  	[sflag:s16] =	ssyncset.done $0x0  }
0x7e: {  	[sflag:s16] =	ssyncadd.s32 $0xFFFFC000  }
0x7f: {  	[spmem:s2] =	stream.indirect.scatter.add.f32 [tilespmem:s14], [sflag:$0x3], $0x80, s22, s12, $0xb8;
	[tilespmem:$0x1D000] =	vst v63  }
0x80: {  	_ =	swait.ge [sflag:s10], $0x4000  }
0x81: {  	[sflag:s10] =	ssyncset.done $0x0  }
0x82: {  	[sflag:s10] =	ssyncadd.s32 $0xFFFFC000  }
0x83: {  	[tilespmem:s14], [sflag:$0x2] =	stream.indirect.gather [hbm4b:s4+s12], $0x80, s23, s12, $0xb8;
	[tilespmem:$0x1D000] =	vst v63  }
0x84: {  	_ =	swait.ge [sflag:s15], $0x4000  }
0x85: {  	[sflag:s15] =	ssyncset.done $0x0  }
0x86: {  	[sflag:s15] =	ssyncadd.s32 $0xFFFFC000  }
0x87: {  	[spmem:s2] =	stream.indirect.scatter.add.f32 [tilespmem:s13], [sflag:$0x3], $0x80, s24, s12, $0xb8;
	[tilespmem:$0x1D000] =	vst v63  }
0x88: {  	_ =	swait.ge [sflag:s10], $0x4000  }
0x89: {  	[sflag:s10] =	ssyncset.done $0x0  }
0x8a: {  	[sflag:s10] =	ssyncadd.s32 $0xFFFFC000  }
0x8b: {  	[tilespmem:s13], [sflag:$0x1] =	stream.indirect.gather [hbm4b:s4+s12], $0x80, s25, s12, $0xb8;
	[tilespmem:$0x1D000] =	vst v63  }
0x8c: {  	_ =	swait.ge [sflag:s16], $0x4000  }
0x8d: {  	[sflag:s16] =	ssyncset.done $0x0  }
0x8e: {  	[sflag:s16] =	ssyncadd.s32 $0xFFFFC000  }
0x8f: {  	[spmem:s2] =	stream.indirect.scatter.add.f32 [tilespmem:s14], [sflag:$0x3], $0x80, s26, s12, $0xb8;
	[tilespmem:$0x1D000] =	vst v63  }
0x90: {  	_ =	swait.ge [sflag:s10], $0x4000  }
0x91: {  	[sflag:s10] =	ssyncset.done $0x0  }
0x92: {  	[sflag:s10] =	ssyncadd.s32 $0xFFFFC000  }
0x93: {  	[tilespmem:s14], [sflag:$0x2] =	stream.indirect.gather [hbm4b:s4+s12], $0x80, s28, s12, $0xb8;
	[tilespmem:$0x1D000] =	vst v63  }
0x94: {  	_ =	swait.ge [sflag:s15], $0x4000  }
0x95: {  	[sflag:s15] =	ssyncset.done $0x0  }
0x96: {  	[sflag:s15] =	ssyncadd.s32 $0xFFFFC000  }
0x97: {  	[spmem:s2] =	stream.indirect.scatter.add.f32 [tilespmem:s13], [sflag:$0x3], $0x80, s29, s12, $0xb8;
	[tilespmem:$0x1D000] =	vst v63  }
0x98: {  	_ =	swait.ge [sflag:s10], $0x4000  }
0x99: {  	[sflag:s10] =	ssyncset.done $0x0  }
0x9a: {  	[sflag:s10] =	ssyncadd.s32 $0xFFFFC000  }
0x9b: {  	[tilespmem:s13], [sflag:$0x1] =	stream.indirect.gather [hbm4b:s4+s12], $0x80, s30, s12, $0xb8;
	[tilespmem:$0x1D000] =	vst v63  }
0x9c: {  	_ =	swait.ge [sflag:s16], $0x4000  }
0x9d: {  	[sflag:s16] =	ssyncset.done $0x0  }
0x9e: {  	[sflag:s16] =	ssyncadd.s32 $0xFFFFC000  }
0x9f: {  	[spmem:s2] =	stream.indirect.scatter.add.f32 [tilespmem:s14], [sflag:$0x3], $0x80, s31, s12, $0xb8;
	[tilespmem:$0x1D000] =	vst v63  }
0xa0: {  	_ =	swait.ge [sflag:s10], $0x4000  }
0xa1: {  	[sflag:s10] =	ssyncset.done $0x0  }
0xa2: {  	[sflag:s10] =	ssyncadd.s32 $0xFFFFC000  }
0xa3: {  	[tilespmem:s14], [sflag:$0x2] =	stream.indirect.gather [hbm4b:s4+s12], $0x80, s1, s12, $0xb8;
	[tilespmem:$0x1D000] =	vst v63  }
0xa4: {  	_ =	swait.ge [sflag:s15], $0x4000  }
0xa5: {  	[sflag:s15] =	ssyncset.done $0x0  }
0xa6: {  	[sflag:s15] =	ssyncadd.s32 $0xFFFFC000  }
0xa7: {  	[spmem:s2] =	stream.indirect.scatter.add.f32 [tilespmem:s13], [sflag:$0x3], $0x80, s0, s12, $0xb8;
	[tilespmem:$0x1D000] =	vst v63  }
0xa8: {  	_ =	swait.ge [sflag:s10], $0x4000  }
0xa9: {  	[sflag:s10] =	ssyncset.done $0x0  }
0xaa: {  	[sflag:s10] =	ssyncadd.s32 $0xFFFFC000  }
0xab: {  	_ =	swait.ge [sflag:s16], $0x4000  }
0xac: {  	[sflag:s16] =	ssyncset.done $0x0  }
0xad: {  	[sflag:s16] =	ssyncadd.s32 $0xFFFFC000  }
0xae: {  	[spmem:s2] =	stream.indirect.scatter.add.f32 [tilespmem:s14], [sflag:$0x3], $0x80, s5, s12, $0xb8;
	[tilespmem:$0x1D000] =	vst v63  }
0xaf: {  	s6 =	simm.s32 $0x200;
	_ =	swait.ge [sflag:s10], $0x4000  }
0xb0: {  	s8 =	simm.s32 $0x100;
	s9 =	rddreg [dreg:$0x3];
	[sflag:s10] =	ssyncset.done $0x0  }
.LBB2_2:
0xb1: {  	[sflag:s10] =	ssyncadd.s32 $0xFFFFC000;
	s9 =	sadd.s32 s8, s9  }
0xb2: {  	[tilespmem:s3], [sflag:$0x3] =	stream.linear.gather [hbm4b:s9+s3], $0x800, $0x38;
	[tilespmem:$0x1D000] =	vst v63  }
0xb3: {  	_ =	swait.ge [sflag:s10], $0x800  }
0xb4: {  	s9 =	rddreg [dreg:$0x4];
	[sflag:s10] =	ssyncset.done $0x0  }
0xb5: {  	[sflag:s10] =	ssyncadd.s32 $0xFFFFF800;
	s9 =	sadd.s32 s8, s9  }
0xb6: {  	[tilespmem:s11], [sflag:$0x3] =	stream.linear.gather [hbm4b:s9+s3], $0x800, $0x38;
	[tilespmem:$0x1D000] =	vst v63  }
0xb7: {  	_ =	swait.ge [sflag:s10], $0x800  }
0xb8: {  	[sflag:s10] =	ssyncset.done $0x0  }
0xb9: {  	[sflag:s10] =	ssyncadd.s32 $0xFFFFF800  }
0xba: {  	[tilespmem:s13], [sflag:$0x1] =	stream.indirect.gather [hbm4b:s4+s12], $0x80, s3, s12, $0xb8;
	[tilespmem:$0x1D000] =	vst v63  }
0xbb: {  	_ = 	snop  }
0xbc: {  	[tilespmem:s14], [sflag:$0x2] =	stream.indirect.gather [hbm4b:s4+s12], $0x80, s12, s12, $0xb8;
	[tilespmem:$0x1D000] =	vst v63  }
0xbd: {  	_ =	swait.ge [sflag:s15], $0x4000  }
0xbe: {  	[sflag:s15] =	ssyncset.done $0x0  }
0xbf: {  	[sflag:s15] =	ssyncadd.s32 $0xFFFFC000  }
0xc0: {  	[spmem:s2] =	stream.indirect.scatter.add.f32 [tilespmem:s13], [sflag:$0x3], $0x80, s11, s12, $0xb8;
	[tilespmem:$0x1D000] =	vst v63  }
0xc1: {  	_ =	swait.ge [sflag:s10], $0x4000  }
0xc2: {  	[sflag:s10] =	ssyncset.done $0x0  }
0xc3: {  	s9 =	rddreg [dreg:$0x5];
	[sflag:s10] =	ssyncadd.s32 $0xFFFFC000  }
0xc4: {  	[tilespmem:s13], [sflag:$0x1] =	stream.indirect.gather [hbm4b:s4+s12], $0x80, s9, s12, $0xb8;
	[tilespmem:$0x1D000] =	vst v63  }
0xc5: {  	_ =	swait.ge [sflag:s16], $0x4000  }
0xc6: {  	[sflag:s16] =	ssyncset.done $0x0  }
0xc7: {  	s9 =	rddreg [dreg:$0x6];
	[sflag:s16] =	ssyncadd.s32 $0xFFFFC000  }
0xc8: {  	[spmem:s2] =	stream.indirect.scatter.add.f32 [tilespmem:s14], [sflag:$0x3], $0x80, s9, s12, $0xb8;
	[tilespmem:$0x1D000] =	vst v63  }
0xc9: {  	_ =	swait.ge [sflag:s10], $0x4000  }
0xca: {  	[sflag:s10] =	ssyncset.done $0x0  }
0xcb: {  	s9 =	rddreg [dreg:$0x7];
	[sflag:s10] =	ssyncadd.s32 $0xFFFFC000  }
0xcc: {  	[tilespmem:s14], [sflag:$0x2] =	stream.indirect.gather [hbm4b:s4+s12], $0x80, s9, s12, $0xb8;
	[tilespmem:$0x1D000] =	vst v63  }
0xcd: {  	_ =	swait.ge [sflag:s15], $0x4000  }
0xce: {  	[sflag:s15] =	ssyncset.done $0x0  }
0xcf: {  	s9 =	rddreg [dreg:$0x8];
	[sflag:s15] =	ssyncadd.s32 $0xFFFFC000  }
0xd0: {  	[spmem:s2] =	stream.indirect.scatter.add.f32 [tilespmem:s13], [sflag:$0x3], $0x80, s9, s12, $0xb8;
	[tilespmem:$0x1D000] =	vst v63  }
0xd1: {  	_ =	swait.ge [sflag:s10], $0x4000  }
0xd2: {  	[sflag:s10] =	ssyncset.done $0x0  }
0xd3: {  	s9 =	rddreg [dreg:$0x9];
	[sflag:s10] =	ssyncadd.s32 $0xFFFFC000  }
0xd4: {  	[tilespmem:s13], [sflag:$0x1] =	stream.indirect.gather [hbm4b:s4+s12], $0x80, s9, s12, $0xb8;
	[tilespmem:$0x1D000] =	vst v63  }
0xd5: {  	_ =	swait.ge [sflag:s16], $0x4000  }
0xd6: {  	[sflag:s16] =	ssyncset.done $0x0  }
0xd7: {  	s9 =	rddreg [dreg:$0xa];
	[sflag:s16] =	ssyncadd.s32 $0xFFFFC000  }
0xd8: {  	[spmem:s2] =	stream.indirect.scatter.add.f32 [tilespmem:s14], [sflag:$0x3], $0x80, s9, s12, $0xb8;
	[tilespmem:$0x1D000] =	vst v63  }
0xd9: {  	_ =	swait.ge [sflag:s10], $0x4000  }
0xda: {  	[sflag:s10] =	ssyncset.done $0x0  }
0xdb: {  	s9 =	rddreg [dreg:$0xb];
	[sflag:s10] =	ssyncadd.s32 $0xFFFFC000  }
0xdc: {  	[tilespmem:s14], [sflag:$0x2] =	stream.indirect.gather [hbm4b:s4+s12], $0x80, s9, s12, $0xb8;
	[tilespmem:$0x1D000] =	vst v63  }
0xdd: {  	_ =	swait.ge [sflag:s15], $0x4000  }
0xde: {  	[sflag:s15] =	ssyncset.done $0x0  }
0xdf: {  	s9 =	rddreg [dreg:$0xc];
	[sflag:s15] =	ssyncadd.s32 $0xFFFFC000  }
0xe0: {  	[spmem:s2] =	stream.indirect.scatter.add.f32 [tilespmem:s13], [sflag:$0x3], $0x80, s9, s12, $0xb8;
	[tilespmem:$0x1D000] =	vst v63  }
0xe1: {  	_ =	swait.ge [sflag:s10], $0x4000  }
0xe2: {  	[sflag:s10] =	ssyncset.done $0x0  }
0xe3: {  	s9 =	rddreg [dreg:$0xd];
	[sflag:s10] =	ssyncadd.s32 $0xFFFFC000  }
0xe4: {  	[tilespmem:s13], [sflag:$0x1] =	stream.indirect.gather [hbm4b:s4+s12], $0x80, s9, s12, $0xb8;
	[tilespmem:$0x1D000] =	vst v63  }
0xe5: {  	_ =	swait.ge [sflag:s16], $0x4000  }
0xe6: {  	[sflag:s16] =	ssyncset.done $0x0  }
0xe7: {  	s9 =	rddreg [dreg:$0xe];
	[sflag:s16] =	ssyncadd.s32 $0xFFFFC000  }
0xe8: {  	[spmem:s2] =	stream.indirect.scatter.add.f32 [tilespmem:s14], [sflag:$0x3], $0x80, s9, s12, $0xb8;
	[tilespmem:$0x1D000] =	vst v63  }
0xe9: {  	_ =	swait.ge [sflag:s10], $0x4000  }
0xea: {  	[sflag:s10] =	ssyncset.done $0x0  }
0xeb: {  	s9 =	rddreg [dreg:$0xf];
	[sflag:s10] =	ssyncadd.s32 $0xFFFFC000  }
0xec: {  	[tilespmem:s14], [sflag:$0x2] =	stream.indirect.gather [hbm4b:s4+s12], $0x80, s9, s12, $0xb8;
	[tilespmem:$0x1D000] =	vst v63  }
0xed: {  	_ =	swait.ge [sflag:s15], $0x4000  }
0xee: {  	[sflag:s15] =	ssyncset.done $0x0  }
0xef: {  	s9 =	rddreg [dreg:$0x10];
	[sflag:s15] =	ssyncadd.s32 $0xFFFFC000  }
0xf0: {  	[spmem:s2] =	stream.indirect.scatter.add.f32 [tilespmem:s13], [sflag:$0x3], $0x80, s9, s12, $0xb8;
	[tilespmem:$0x1D000] =	vst v63  }
0xf1: {  	_ =	swait.ge [sflag:s10], $0x4000  }
0xf2: {  	[sflag:s10] =	ssyncset.done $0x0  }
0xf3: {  	[sflag:s10] =	ssyncadd.s32 $0xFFFFC000  }
0xf4: {  	[tilespmem:s13], [sflag:$0x1] =	stream.indirect.gather [hbm4b:s4+s12], $0x80, s17, s12, $0xb8;
	[tilespmem:$0x1D000] =	vst v63  }
0xf5: {  	_ =	swait.ge [sflag:s16], $0x4000  }
0xf6: {  	[sflag:s16] =	ssyncset.done $0x0  }
0xf7: {  	[sflag:s16] =	ssyncadd.s32 $0xFFFFC000  }
0xf8: {  	[spmem:s2] =	stream.indirect.scatter.add.f32 [tilespmem:s14], [sflag:$0x3], $0x80, s18, s12, $0xb8;
	[tilespmem:$0x1D000] =	vst v63  }
0xf9: {  	_ =	swait.ge [sflag:s10], $0x4000  }
0xfa: {  	[sflag:s10] =	ssyncset.done $0x0  }
0xfb: {  	[sflag:s10] =	ssyncadd.s32 $0xFFFFC000  }
0xfc: {  	[tilespmem:s14], [sflag:$0x2] =	stream.indirect.gather [hbm4b:s4+s12], $0x80, s19, s12, $0xb8;
	[tilespmem:$0x1D000] =	vst v63  }
0xfd: {  	_ =	swait.ge [sflag:s15], $0x4000  }
0xfe: {  	[sflag:s15] =	ssyncset.done $0x0  }
0xff: {  	[sflag:s15] =	ssyncadd.s32 $0xFFFFC000  }
0x100: {  	[spmem:s2] =	stream.indirect.scatter.add.f32 [tilespmem:s13], [sflag:$0x3], $0x80, s20, s12, $0xb8;
	[tilespmem:$0x1D000] =	vst v63  }
0x101: {  	_ =	swait.ge [sflag:s10], $0x4000  }
0x102: {  	[sflag:s10] =	ssyncset.done $0x0  }
0x103: {  	[sflag:s10] =	ssyncadd.s32 $0xFFFFC000  }
0x104: {  	[tilespmem:s13], [sflag:$0x1] =	stream.indirect.gather [hbm4b:s4+s12], $0x80, s21, s12, $0xb8;
	[tilespmem:$0x1D000] =	vst v63  }
0x105: {  	_ =	swait.ge [sflag:s16], $0x4000  }
0x106: {  	[sflag:s16] =	ssyncset.done $0x0  }
0x107: {  	[sflag:s16] =	ssyncadd.s32 $0xFFFFC000  }
0x108: {  	[spmem:s2] =	stream.indirect.scatter.add.f32 [tilespmem:s14], [sflag:$0x3], $0x80, s22, s12, $0xb8;
	[tilespmem:$0x1D000] =	vst v63  }
0x109: {  	_ =	swait.ge [sflag:s10], $0x4000  }
0x10a: {  	[sflag:s10] =	ssyncset.done $0x0  }
0x10b: {  	[sflag:s10] =	ssyncadd.s32 $0xFFFFC000  }
0x10c: {  	[tilespmem:s14], [sflag:$0x2] =	stream.indirect.gather [hbm4b:s4+s12], $0x80, s23, s12, $0xb8;
	[tilespmem:$0x1D000] =	vst v63  }
0x10d: {  	_ =	swait.ge [sflag:s15], $0x4000  }
0x10e: {  	[sflag:s15] =	ssyncset.done $0x0  }
0x10f: {  	[sflag:s15] =	ssyncadd.s32 $0xFFFFC000  }
0x110: {  	[spmem:s2] =	stream.indirect.scatter.add.f32 [tilespmem:s13], [sflag:$0x3], $0x80, s24, s12, $0xb8;
	[tilespmem:$0x1D000] =	vst v63  }
0x111: {  	_ =	swait.ge [sflag:s10], $0x4000  }
0x112: {  	[sflag:s10] =	ssyncset.done $0x0  }
0x113: {  	[sflag:s10] =	ssyncadd.s32 $0xFFFFC000  }
0x114: {  	[tilespmem:s13], [sflag:$0x1] =	stream.indirect.gather [hbm4b:s4+s12], $0x80, s25, s12, $0xb8;
	[tilespmem:$0x1D000] =	vst v63  }
0x115: {  	_ =	swait.ge [sflag:s16], $0x4000  }
0x116: {  	[sflag:s16] =	ssyncset.done $0x0  }
0x117: {  	[sflag:s16] =	ssyncadd.s32 $0xFFFFC000  }
0x118: {  	[spmem:s2] =	stream.indirect.scatter.add.f32 [tilespmem:s14], [sflag:$0x3], $0x80, s26, s12, $0xb8;
	[tilespmem:$0x1D000] =	vst v63  }
0x119: {  	_ =	swait.ge [sflag:s10], $0x4000  }
0x11a: {  	[sflag:s10] =	ssyncset.done $0x0  }
0x11b: {  	[sflag:s10] =	ssyncadd.s32 $0xFFFFC000  }
0x11c: {  	[tilespmem:s14], [sflag:$0x2] =	stream.indirect.gather [hbm4b:s4+s12], $0x80, s28, s12, $0xb8;
	[tilespmem:$0x1D000] =	vst v63  }
0x11d: {  	_ =	swait.ge [sflag:s15], $0x4000  }
0x11e: {  	[sflag:s15] =	ssyncset.done $0x0  }
0x11f: {  	[sflag:s15] =	ssyncadd.s32 $0xFFFFC000  }
0x120: {  	[spmem:s2] =	stream.indirect.scatter.add.f32 [tilespmem:s13], [sflag:$0x3], $0x80, s29, s12, $0xb8;
	[tilespmem:$0x1D000] =	vst v63  }
0x121: {  	_ =	swait.ge [sflag:s10], $0x4000  }
0x122: {  	[sflag:s10] =	ssyncset.done $0x0  }
0x123: {  	[sflag:s10] =	ssyncadd.s32 $0xFFFFC000  }
0x124: {  	[tilespmem:s13], [sflag:$0x1] =	stream.indirect.gather [hbm4b:s4+s12], $0x80, s30, s12, $0xb8;
	[tilespmem:$0x1D000] =	vst v63  }
0x125: {  	_ =	swait.ge [sflag:s16], $0x4000  }
0x126: {  	[sflag:s16] =	ssyncset.done $0x0  }
0x127: {  	[sflag:s16] =	ssyncadd.s32 $0xFFFFC000  }
0x128: {  	[spmem:s2] =	stream.indirect.scatter.add.f32 [tilespmem:s14], [sflag:$0x3], $0x80, s31, s12, $0xb8;
	[tilespmem:$0x1D000] =	vst v63  }
0x129: {  	_ =	swait.ge [sflag:s10], $0x4000  }
0x12a: {  	[sflag:s10] =	ssyncset.done $0x0  }
0x12b: {  	[sflag:s10] =	ssyncadd.s32 $0xFFFFC000  }
0x12c: {  	[tilespmem:s14], [sflag:$0x2] =	stream.indirect.gather [hbm4b:s4+s12], $0x80, s1, s12, $0xb8;
	[tilespmem:$0x1D000] =	vst v63  }
0x12d: {  	_ =	swait.ge [sflag:s15], $0x4000  }
0x12e: {  	[sflag:s15] =	ssyncset.done $0x0  }
0x12f: {  	[sflag:s15] =	ssyncadd.s32 $0xFFFFC000  }
0x130: {  	[spmem:s2] =	stream.indirect.scatter.add.f32 [tilespmem:s13], [sflag:$0x3], $0x80, s0, s12, $0xb8;
	[tilespmem:$0x1D000] =	vst v63  }
0x131: {  	_ =	swait.ge [sflag:s10], $0x4000  }
0x132: {  	[sflag:s10] =	ssyncset.done $0x0  }
0x133: {  	[sflag:s10] =	ssyncadd.s32 $0xFFFFC000  }
0x134: {  	p0 =	sne.s32 s6, $0x900;
	_ =	swait.ge [sflag:s16], $0x4000  }
.Ltmp0:
0x135: {  	[sflag:s16] =	ssyncset.done $0x0;
	(pc) =	sbr.rel @p0 .LBB2_2-.Ltmp0, $4  }
0x136: {  	[sflag:s16] =	ssyncadd.s32 $0xFFFFC000  }
0x137: {  	[spmem:s2] =	stream.indirect.scatter.add.f32 [tilespmem:s14], [sflag:$0x3], $0x80, s5, s12, $0xb8;
	[tilespmem:$0x1D000] =	vst v63  }
0x138: {  	s7 =	smov.u32 s6;
	s6 =	sadd.s32 $0x100, s6;
	_ =	swait.ge [sflag:s10], $0x4000  }
0x139: {  	s8 =	smov.u32 s7;
	s9 =	rddreg [dreg:$0x3];
	[sflag:s10] =	ssyncset.done $0x0  }
0x13a: {  	[sflag:s10] =	ssyncadd.s32 $0xFFFFC000;
	s6 =	sadd.s32 s8, s9  }
0x13b: {  	[tilespmem:s3], [sflag:$0x3] =	stream.linear.gather [hbm4b:s6+s3], $0x800, $0x38;
	[tilespmem:$0x1D000] =	vst v63  }
0x13c: {  	_ =	swait.ge [sflag:s10], $0x800  }
0x13d: {  	s7 =	rddreg [dreg:$0x4];
	[sflag:s10] =	ssyncset.done $0x0  }
0x13e: {  	s6 =	sadd.s32 s8, s7;
	[sflag:s10] =	ssyncadd.s32 $0xFFFFF800  }
0x13f: {  	[tilespmem:s11], [sflag:$0x3] =	stream.linear.gather [hbm4b:s6+s3], $0x800, $0x38;
	[tilespmem:$0x1D000] =	vst v63  }
0x140: {  	_ =	swait.ge [sflag:s10], $0x800  }
0x141: {  	[sflag:s10] =	ssyncset.done $0x0  }
0x142: {  	[sflag:s10] =	ssyncadd.s32 $0xFFFFF800  }
0x143: {  	[tilespmem:s13], [sflag:$0x1] =	stream.indirect.gather [hbm4b:s4+s12], $0x80, s3, s12, $0xb8;
	[tilespmem:$0x1D000] =	vst v63  }
0x144: {  	_ = 	snop  }
0x145: {  	[tilespmem:s14], [sflag:$0x2] =	stream.indirect.gather [hbm4b:s4+s12], $0x80, s12, s12, $0xb8;
	[tilespmem:$0x1D000] =	vst v63  }
0x146: {  	_ =	swait.ge [sflag:s15], $0x4000  }
0x147: {  	[sflag:s15] =	ssyncset.done $0x0  }
0x148: {  	[sflag:s15] =	ssyncadd.s32 $0xFFFFC000  }
0x149: {  	[spmem:s2] =	stream.indirect.scatter.add.f32 [tilespmem:s13], [sflag:$0x3], $0x80, s11, s12, $0xb8;
	[tilespmem:$0x1D000] =	vst v63  }
0x14a: {  	_ =	swait.ge [sflag:s10], $0x4000  }
0x14b: {  	[sflag:s10] =	ssyncset.done $0x0  }
0x14c: {  	s9 =	rddreg [dreg:$0x5];
	[sflag:s10] =	ssyncadd.s32 $0xFFFFC000  }
0x14d: {  	[tilespmem:s13], [sflag:$0x1] =	stream.indirect.gather [hbm4b:s4+s12], $0x80, s9, s12, $0xb8;
	[tilespmem:$0x1D000] =	vst v63  }
0x14e: {  	_ =	swait.ge [sflag:s16], $0x4000  }
0x14f: {  	[sflag:s16] =	ssyncset.done $0x0  }
0x150: {  	s7 =	rddreg [dreg:$0x6];
	[sflag:s16] =	ssyncadd.s32 $0xFFFFC000  }
0x151: {  	[spmem:s2] =	stream.indirect.scatter.add.f32 [tilespmem:s14], [sflag:$0x3], $0x80, s7, s12, $0xb8;
	[tilespmem:$0x1D000] =	vst v63  }
0x152: {  	_ =	swait.ge [sflag:s10], $0x4000  }
0x153: {  	[sflag:s10] =	ssyncset.done $0x0  }
0x154: {  	s8 =	rddreg [dreg:$0x7];
	[sflag:s10] =	ssyncadd.s32 $0xFFFFC000  }
0x155: {  	[tilespmem:s14], [sflag:$0x2] =	stream.indirect.gather [hbm4b:s4+s12], $0x80, s8, s12, $0xb8;
	[tilespmem:$0x1D000] =	vst v63  }
0x156: {  	_ =	swait.ge [sflag:s15], $0x4000  }
0x157: {  	[sflag:s15] =	ssyncset.done $0x0  }
0x158: {  	s9 =	rddreg [dreg:$0x8];
	[sflag:s15] =	ssyncadd.s32 $0xFFFFC000  }
0x159: {  	[spmem:s2] =	stream.indirect.scatter.add.f32 [tilespmem:s13], [sflag:$0x3], $0x80, s9, s12, $0xb8;
	[tilespmem:$0x1D000] =	vst v63  }
0x15a: {  	_ =	swait.ge [sflag:s10], $0x4000  }
0x15b: {  	[sflag:s10] =	ssyncset.done $0x0  }
0x15c: {  	s7 =	rddreg [dreg:$0x9];
	[sflag:s10] =	ssyncadd.s32 $0xFFFFC000  }
0x15d: {  	[tilespmem:s13], [sflag:$0x1] =	stream.indirect.gather [hbm4b:s4+s12], $0x80, s7, s12, $0xb8;
	[tilespmem:$0x1D000] =	vst v63  }
0x15e: {  	_ =	swait.ge [sflag:s16], $0x4000  }
0x15f: {  	[sflag:s16] =	ssyncset.done $0x0  }
0x160: {  	s8 =	rddreg [dreg:$0xa];
	[sflag:s16] =	ssyncadd.s32 $0xFFFFC000  }
0x161: {  	[spmem:s2] =	stream.indirect.scatter.add.f32 [tilespmem:s14], [sflag:$0x3], $0x80, s8, s12, $0xb8;
	[tilespmem:$0x1D000] =	vst v63  }
0x162: {  	_ =	swait.ge [sflag:s10], $0x4000  }
0x163: {  	[sflag:s10] =	ssyncset.done $0x0  }
0x164: {  	s9 =	rddreg [dreg:$0xb];
	[sflag:s10] =	ssyncadd.s32 $0xFFFFC000  }
0x165: {  	[tilespmem:s14], [sflag:$0x2] =	stream.indirect.gather [hbm4b:s4+s12], $0x80, s9, s12, $0xb8;
	[tilespmem:$0x1D000] =	vst v63  }
0x166: {  	_ =	swait.ge [sflag:s15], $0x4000  }
0x167: {  	[sflag:s15] =	ssyncset.done $0x0  }
0x168: {  	s7 =	rddreg [dreg:$0xc];
	[sflag:s15] =	ssyncadd.s32 $0xFFFFC000  }
0x169: {  	[spmem:s2] =	stream.indirect.scatter.add.f32 [tilespmem:s13], [sflag:$0x3], $0x80, s7, s12, $0xb8;
	[tilespmem:$0x1D000] =	vst v63  }
0x16a: {  	_ =	swait.ge [sflag:s10], $0x4000  }
0x16b: {  	[sflag:s10] =	ssyncset.done $0x0  }
0x16c: {  	s8 =	rddreg [dreg:$0xd];
	[sflag:s10] =	ssyncadd.s32 $0xFFFFC000  }
0x16d: {  	[tilespmem:s13], [sflag:$0x1] =	stream.indirect.gather [hbm4b:s4+s12], $0x80, s8, s12, $0xb8;
	[tilespmem:$0x1D000] =	vst v63  }
0x16e: {  	_ =	swait.ge [sflag:s16], $0x4000  }
0x16f: {  	[sflag:s16] =	ssyncset.done $0x0  }
0x170: {  	s9 =	rddreg [dreg:$0xe];
	[sflag:s16] =	ssyncadd.s32 $0xFFFFC000  }
0x171: {  	[spmem:s2] =	stream.indirect.scatter.add.f32 [tilespmem:s14], [sflag:$0x3], $0x80, s9, s12, $0xb8;
	[tilespmem:$0x1D000] =	vst v63  }
0x172: {  	_ =	swait.ge [sflag:s10], $0x4000  }
0x173: {  	[sflag:s10] =	ssyncset.done $0x0  }
0x174: {  	s7 =	rddreg [dreg:$0xf];
	[sflag:s10] =	ssyncadd.s32 $0xFFFFC000  }
0x175: {  	[tilespmem:s14], [sflag:$0x2] =	stream.indirect.gather [hbm4b:s4+s12], $0x80, s7, s12, $0xb8;
	[tilespmem:$0x1D000] =	vst v63  }
0x176: {  	_ =	swait.ge [sflag:s15], $0x4000  }
0x177: {  	[sflag:s15] =	ssyncset.done $0x0  }
0x178: {  	s8 =	rddreg [dreg:$0x10];
	[sflag:s15] =	ssyncadd.s32 $0xFFFFC000  }
0x179: {  	[spmem:s2] =	stream.indirect.scatter.add.f32 [tilespmem:s13], [sflag:$0x3], $0x80, s8, s12, $0xb8;
	[tilespmem:$0x1D000] =	vst v63  }
0x17a: {  	_ =	swait.ge [sflag:s10], $0x4000  }
0x17b: {  	[sflag:s10] =	ssyncset.done $0x0  }
0x17c: {  	[sflag:s10] =	ssyncadd.s32 $0xFFFFC000  }
0x17d: {  	[tilespmem:s13], [sflag:$0x1] =	stream.indirect.gather [hbm4b:s4+s12], $0x80, s17, s12, $0xb8;
	[tilespmem:$0x1D000] =	vst v63  }
0x17e: {  	_ =	swait.ge [sflag:s16], $0x4000  }
0x17f: {  	[sflag:s16] =	ssyncset.done $0x0  }
0x180: {  	[sflag:s16] =	ssyncadd.s32 $0xFFFFC000  }
0x181: {  	[spmem:s2] =	stream.indirect.scatter.add.f32 [tilespmem:s14], [sflag:$0x3], $0x80, s18, s12, $0xb8;
	[tilespmem:$0x1D000] =	vst v63  }
0x182: {  	_ =	swait.ge [sflag:s10], $0x4000  }
0x183: {  	[sflag:s10] =	ssyncset.done $0x0  }
0x184: {  	[sflag:s10] =	ssyncadd.s32 $0xFFFFC000  }
0x185: {  	[tilespmem:s14], [sflag:$0x2] =	stream.indirect.gather [hbm4b:s4+s12], $0x80, s19, s12, $0xb8;
	[tilespmem:$0x1D000] =	vst v63  }
0x186: {  	_ =	swait.ge [sflag:s15], $0x4000  }
0x187: {  	[sflag:s15] =	ssyncset.done $0x0  }
0x188: {  	[sflag:s15] =	ssyncadd.s32 $0xFFFFC000  }
0x189: {  	[spmem:s2] =	stream.indirect.scatter.add.f32 [tilespmem:s13], [sflag:$0x3], $0x80, s20, s12, $0xb8;
	[tilespmem:$0x1D000] =	vst v63  }
0x18a: {  	_ =	swait.ge [sflag:s10], $0x4000  }
0x18b: {  	[sflag:s10] =	ssyncset.done $0x0  }
0x18c: {  	[sflag:s10] =	ssyncadd.s32 $0xFFFFC000  }
0x18d: {  	[tilespmem:s13], [sflag:$0x1] =	stream.indirect.gather [hbm4b:s4+s12], $0x80, s21, s12, $0xb8;
	[tilespmem:$0x1D000] =	vst v63  }
0x18e: {  	_ =	swait.ge [sflag:s16], $0x4000  }
0x18f: {  	[sflag:s16] =	ssyncset.done $0x0  }
0x190: {  	[sflag:s16] =	ssyncadd.s32 $0xFFFFC000  }
0x191: {  	[spmem:s2] =	stream.indirect.scatter.add.f32 [tilespmem:s14], [sflag:$0x3], $0x80, s22, s12, $0xb8;
	[tilespmem:$0x1D000] =	vst v63  }
0x192: {  	_ =	swait.ge [sflag:s10], $0x4000  }
0x193: {  	[sflag:s10] =	ssyncset.done $0x0  }
0x194: {  	[sflag:s10] =	ssyncadd.s32 $0xFFFFC000  }
0x195: {  	[tilespmem:s14], [sflag:$0x2] =	stream.indirect.gather [hbm4b:s4+s12], $0x80, s23, s12, $0xb8;
	[tilespmem:$0x1D000] =	vst v63  }
0x196: {  	_ =	swait.ge [sflag:s15], $0x4000  }
0x197: {  	[sflag:s15] =	ssyncset.done $0x0  }
0x198: {  	[sflag:s15] =	ssyncadd.s32 $0xFFFFC000  }
0x199: {  	[spmem:s2] =	stream.indirect.scatter.add.f32 [tilespmem:s13], [sflag:$0x3], $0x80, s24, s12, $0xb8;
	[tilespmem:$0x1D000] =	vst v63  }
0x19a: {  	_ =	swait.ge [sflag:s10], $0x4000  }
0x19b: {  	[sflag:s10] =	ssyncset.done $0x0  }
0x19c: {  	[sflag:s10] =	ssyncadd.s32 $0xFFFFC000  }
0x19d: {  	[tilespmem:s13], [sflag:$0x1] =	stream.indirect.gather [hbm4b:s4+s12], $0x80, s25, s12, $0xb8;
	[tilespmem:$0x1D000] =	vst v63  }
0x19e: {  	_ =	swait.ge [sflag:s16], $0x4000  }
0x19f: {  	[sflag:s16] =	ssyncset.done $0x0  }
0x1a0: {  	[sflag:s16] =	ssyncadd.s32 $0xFFFFC000  }
0x1a1: {  	[spmem:s2] =	stream.indirect.scatter.add.f32 [tilespmem:s14], [sflag:$0x3], $0x80, s26, s12, $0xb8;
	[tilespmem:$0x1D000] =	vst v63  }
0x1a2: {  	_ =	swait.ge [sflag:s10], $0x4000  }
0x1a3: {  	[sflag:s10] =	ssyncset.done $0x0  }
0x1a4: {  	[sflag:s10] =	ssyncadd.s32 $0xFFFFC000  }
0x1a5: {  	[tilespmem:s14], [sflag:$0x2] =	stream.indirect.gather [hbm4b:s4+s12], $0x80, s28, s12, $0xb8;
	[tilespmem:$0x1D000] =	vst v63  }
0x1a6: {  	_ =	swait.ge [sflag:s15], $0x4000  }
0x1a7: {  	[sflag:s15] =	ssyncset.done $0x0  }
0x1a8: {  	[sflag:s15] =	ssyncadd.s32 $0xFFFFC000  }
0x1a9: {  	[spmem:s2] =	stream.indirect.scatter.add.f32 [tilespmem:s13], [sflag:$0x3], $0x80, s29, s12, $0xb8;
	[tilespmem:$0x1D000] =	vst v63  }
0x1aa: {  	_ =	swait.ge [sflag:s10], $0x4000  }
0x1ab: {  	[sflag:s10] =	ssyncset.done $0x0  }
0x1ac: {  	[sflag:s10] =	ssyncadd.s32 $0xFFFFC000  }
0x1ad: {  	[tilespmem:s13], [sflag:$0x1] =	stream.indirect.gather [hbm4b:s4+s12], $0x80, s30, s12, $0xb8;
	[tilespmem:$0x1D000] =	vst v63  }
0x1ae: {  	_ =	swait.ge [sflag:s16], $0x4000  }
0x1af: {  	[sflag:s16] =	ssyncset.done $0x0  }
0x1b0: {  	[sflag:s16] =	ssyncadd.s32 $0xFFFFC000  }
0x1b1: {  	[spmem:s2] =	stream.indirect.scatter.add.f32 [tilespmem:s14], [sflag:$0x3], $0x80, s31, s12, $0xb8;
	[tilespmem:$0x1D000] =	vst v63  }
0x1b2: {  	_ =	swait.ge [sflag:s10], $0x4000  }
0x1b3: {  	[sflag:s10] =	ssyncset.done $0x0  }
0x1b4: {  	[sflag:s10] =	ssyncadd.s32 $0xFFFFC000  }
0x1b5: {  	[tilespmem:s14], [sflag:$0x2] =	stream.indirect.gather [hbm4b:s4+s12], $0x80, s1, s12, $0xb8;
	[tilespmem:$0x1D000] =	vst v63  }
0x1b6: {  	_ =	swait.ge [sflag:s15], $0x4000  }
0x1b7: {  	[sflag:s15] =	ssyncset.done $0x0  }
0x1b8: {  	[sflag:s15] =	ssyncadd.s32 $0xFFFFC000  }
0x1b9: {  	[spmem:s2] =	stream.indirect.scatter.add.f32 [tilespmem:s13], [sflag:$0x3], $0x80, s0, s12, $0xb8;
	[tilespmem:$0x1D000] =	vst v63  }
0x1ba: {  	_ =	swait.ge [sflag:s10], $0x4000  }
0x1bb: {  	[sflag:s10] =	ssyncset.done $0x0  }
0x1bc: {  	[sflag:s10] =	ssyncadd.s32 $0xFFFFC000  }
0x1bd: {  	_ =	swait.ge [sflag:s16], $0x4000  }
0x1be: {  	[sflag:s16] =	ssyncset.done $0x0  }
0x1bf: {  	[sflag:s16] =	ssyncadd.s32 $0xFFFFC000  }
0x1c0: {  	[spmem:s2] =	stream.indirect.scatter.add.f32 [tilespmem:s14], [sflag:$0x3], $0x80, s5, s12, $0xb8;
	[tilespmem:$0x1D000] =	vst v63  }
0x1c1: {  	_ =	swait.ge [sflag:s10], $0x4000  }
0x1c2: {  	[sflag:s10] =	ssyncset.done $0x0  }
0x1c3: {  	[sflag:s10] =	ssyncadd.s32 $0xFFFFC000  }
0x1c4: {  	[bflag:$0x0] =	sbarrier.arrive $0xFFFF  }
0x1c5: {  	s7 =	rddreg [dreg:$0x12]  }
0x1c6: {  	s9 =	rddreg [dreg:$0x13]  }
0x1c7: {  	s8 =	rddreg [dreg:$0x15]  }
0x1c8: {  	[hbm:s9], [sflag:s7] =	dma.local [spmem:s8], $0x2800  }
0x1c9: {  	_ =	swait.ge [sflag:s10], $0x2800  }
0x1ca: {  	s6 =	rddreg [dreg:$0x16]  }
0x1cb: {  	s9 =	sadd.s32 $0x1, s6;
	s6 =	rddreg [dreg:$0x14]  }
0x1cc: {  	p0 =	sne.s32 s9, s6  }
.Ltmp1:
0x1cd: {  	_ = 	snop;
	(pc) =	sbr.rel @p0 .LBB2_1-.Ltmp1, $3  }
0x1ce: {  	_ =	sdelay $0x1  }
0x1cf: {  	[sflag:s10] =	ssyncset.done $0x0  }
0x1d0: {  	[sflag:s10] =	ssyncadd.s32 $0xFFFFD800  }
0x1d1: {  	_ =	sfence.sel $0x180000  }
0x1d2: {  	[bflag:$0x0] =	sbarrier.arrive $0xFFFF  }
0x1d3: {  	_ =	strace $0x9000004D  }
0x1d4: {  	s0 =	stileid.u32;
	[bflag:$0x2] =	sbarrier.arrive $0xFFFF  }
0x1d5: {  	p0 =	sne.s32 s0, $0x0;
	s0 =	rddreg [dreg:$0x2]  }
0x1d6: {  	s0 =	sadd.s32 @!p0 $0x100000, s0  }
0x1d7: {  	[sflag:s0] =	ssyncadd.tile.s32 @!p0 $0x1;
	_ =	shalt  }
.Lfunc_end2:
_tile_overlayer_lowered:
.L_overlay_start_2:
0x1d8: {  	(tag) =	ssettag $0x2  }
0x1d9: {  	s0 =	rddreg [dreg:$0x0];
	s2 =	stileid.u32  }
0x1da: {  	s1 =	rddreg [dreg:$0x1];
	p0 =	sne.s32 s2, $0x0  }
0x1db: {  	s3 =	rddreg [dreg:$0x2];
	[bflag:$0x3] =	sbarrier.arrive $0xFFFF;
	s2 =	simm.s32 @!p0 $0x1C03  }
0x1dc: {  	[timem:s3], [sflag:s2] =	dma.local @!p0 [hbm:s0], s1  }
0x1dd: {  	s0 =	simm.s32 @!p0 $0x3  }
0x1de: {  	_ =	swait.ge @!p0 [sflag:s0], s1  }
0x1df: {  	s1 =	ssub.s32 @!p0 $0x0, s1;
	[sflag:s0] =	ssyncset.done @!p0 $0x0  }
0x1e0: {  	[sflag:s0] =	ssyncadd.s32 @!p0 s1  }
0x1e1: {  	[bflag:$0x3] =	sbarrier.arrive $0xFFFF  }
0x1e2: {  	_ =	shalt  }

// kernel: kernel.8.cloned.1.call-start
scs
__scs_entry_jumppad:
0x0: {  	(pc) =	sbr.rel $0x88, $3  }
0x1: {  	(tag) =	ssettag $0x0;
	lr =	simm.s32 $0x1  }
0x2: {  	[smem:$0x3F91] =	sst lr;
	_ =	strace $0xD0000000  }
0x3: {  	_ = 	snop  }
0x4: {  	_ = 	snop  }
0x5: {  	_ = 	snop  }
0x6: {  	_ = 	snop  }
0x7: {  	_ = 	snop  }
__scs_overlays_trampoline_lowered:
0x8: {  	[smem:$0x3FA0] =	sst s0  }
0x9: {  	[smem:$0x3FA1] =	sst s1  }
0xa: {  	[smem:$0x3FA2] =	sst s2  }
0xb: {  	[smem:$0x3FA3] =	sst s3  }
0xc: {  	[smem:$0x3FA4] =	sst s4  }
0xd: {  	[smem:$0x3FA5] =	sst s5  }
0xe: {  	[smem:$0x3FA6] =	sst s6  }
0xf: {  	[smem:$0x3FA7] =	sst s7  }
0x10: {  	[smem:$0x3FA8] =	sst s8  }
0x11: {  	[smem:$0x3FA9] =	sst s9;
	s0 =	simm.s32 @!p0 $0x0  }
0x12: {  	s1 =	sld [smem:$0x3F8F];
	s0 =	simm.s32 @p0 $0x1  }
0x13: {  	[smem:$0x3FAA] =	sst s0;
	s0 =	simm.s32 @!p1 $0x0  }
0x14: {  	s2 =	sld [smem:$0x3F8E];
	s0 =	simm.s32 @p1 $0x1  }
0x15: {  	[smem:$0x3FAB] =	sst s0;
	s0 =	simm.s32 @!p2 $0x0  }
0x16: {  	s3 =	sld [smem:$0x3FDB];
	s0 =	simm.s32 @p2 $0x1  }
0x17: {  	s4 =	simm.s32 $0x1BF5;
	[smem:$0x3FAD] =	sst s0  }
0x18: {  	s0 =	sld [smem:$0x3F90];
	_ =	swait.ge [sflag:s4], $0x0  }
0x19: {  	s7 =	sld [smem:$0x3F91]  }
0x1a: {  	s8 =	sadd.s32 $0xFFFFE003, lr  }
0x1b: {  	s9 =	sadd.s32 $0xFFFFFEF7, lr;
	s5 =	simm.s32 $0xFFFFFFFF;
	p2 =	slt.u32 s8, $0xFFFFF086  }
0x1c: {  	p1 =	slt.u32 s9, $0xF7A;
	s5 =	simm.s32 @!p2 $0x0  }
0x1d: {  	s5 =	simm.s32 @p1 $0x1;
	p0 =	seq.s32 s7, s2  }
0x1e: {  	s7 =	smul.u32 @!p0 $0xF7A, s2;
	p2 =	seq.s32 @!p0 s5, $0x0  }
0x1f: {  	s9 =	smul.u32 $0xF7A, s1;
	s8 =	simm.s32 @!p0 $0x1BF5;
	p2 =	por !p2, p0  }
0x20: {  	[sflag:s8] =	ssyncset.s32 @!p0 $0xFFFFF086;
	s6 =	sadd.s32 @!p0 s3, s7;
	s7 =	simm.s32 @!p0 $0x108  }
0x21: {  	s3 =	sadd.s32 s3, s9;
	s6 =	sadd.s32 @!p0 $0x88, s6;
	s7 =	simm.s32 @p2 $0x1082  }
0x22: {  	[simem:s7], [sflag:s8] =	dma.local @!p0 [hbm:s6], $0xF7A  }
0x23: {  	s9 =	sor.u32 $0xD0000000, s2;
	s6 =	simm.s32 $0x108;
	_ =	swait.ge @!p0 [sflag:s8], $0x0  }
0x24: {  	s3 =	sadd.s32 $0x88, s3;
	s6 =	simm.s32 @!p1 $0x1082;
	[sflag:s4] =	ssyncset.s32 $0xFFFFF086  }
0x25: {  	[simem:s6], [sflag:s4] =	dma.local [hbm:s3], $0xF7A  }
0x26: {  	[smem:$0x3F91] =	sst s1;
	(tag) =	ssettag s2;
	_ =	strace s9  }
0x27: {  	s1 =	sld [smem:$0x3FA1]  }
0x28: {  	s2 =	sld [smem:$0x3FA2]  }
0x29: {  	s4 =	sld [smem:$0x3FA4]  }
0x2a: {  	p0 =	seq.s32 s5, $0x0;
	s5 =	sld [smem:$0x3FA5]  }
0x2b: {  	s6 =	sld [smem:$0x3FA6]  }
0x2c: {  	s7 =	sld [smem:$0x3FA7]  }
0x2d: {  	s3 =	simm.s32 $0x108;
	s8 =	sld [smem:$0x3FA8]  }
0x2e: {  	s3 =	simm.s32 @!p0 $0x1082;
	s9 =	sld [smem:$0x3FA9]  }
0x2f: {  	lr =	sadd.s32 s0, s3;
	s0 =	sld [smem:$0x3FA0]  }
0x30: {  	s3 =	sld [smem:$0x3FA3]  }
0x31: {  	[smem:$0x3FAC] =	sst s10  }
0x32: {  	s10 =	sld [smem:$0x3FAA];
	_ =	sdelay $0x3  }
0x33: {  	p0 =	seq.s32 s10, $0x1;
	s10 =	sld [smem:$0x3FAC];
	_ =	sdelay $0x3  }
0x34: {  	[smem:$0x3FAC] =	sst s10  }
0x35: {  	s10 =	sld [smem:$0x3FAB];
	_ =	sdelay $0x3  }
0x36: {  	p1 =	seq.s32 s10, $0x1;
	s10 =	sld [smem:$0x3FAC];
	_ =	sdelay $0x3  }
0x37: {  	[smem:$0x3FAC] =	sst s10  }
0x38: {  	s10 =	sld [smem:$0x3FAD]  }
0x39: {  	_ = 	snop;
	(pc) =	sbr.ind lr, $3  }
0x3a: {  	_ = 	snop  }
0x3b: {  	_ = 	snop  }
0x3c: {  	p2 =	seq.s32 s10, $0x1;
	s10 =	sld [smem:$0x3FAC]  }
0x3d: {  	_ =	shalt  }
0x3e: {  	_ =	shalt  }
0x3f: {  	_ =	shalt  }
0x40: {  	_ =	shalt  }
0x41: {  	_ =	shalt  }
0x42: {  	_ =	shalt  }
0x43: {  	_ =	shalt  }
0x44: {  	_ =	shalt  }
0x45: {  	_ =	shalt  }
0x46: {  	_ =	shalt  }
0x47: {  	_ =	shalt  }
0x48: {  	_ =	shalt  }
0x49: {  	_ =	shalt  }
0x4a: {  	_ =	shalt  }
0x4b: {  	_ =	shalt  }
0x4c: {  	_ =	shalt  }
0x4d: {  	_ =	shalt  }
0x4e: {  	_ =	shalt  }
0x4f: {  	_ =	shalt  }
0x50: {  	_ =	shalt  }
0x51: {  	_ =	shalt  }
0x52: {  	_ =	shalt  }
0x53: {  	_ =	shalt  }
0x54: {  	_ =	shalt  }
0x55: {  	_ =	shalt  }
0x56: {  	_ =	shalt  }
0x57: {  	_ =	shalt  }
0x58: {  	_ =	shalt  }
0x59: {  	_ =	shalt  }
0x5a: {  	_ =	shalt  }
0x5b: {  	_ =	shalt  }
0x5c: {  	_ =	shalt  }
0x5d: {  	_ =	shalt  }
0x5e: {  	_ =	shalt  }
0x5f: {  	_ =	shalt  }
0x60: {  	_ =	shalt  }
0x61: {  	_ =	shalt  }
0x62: {  	_ =	shalt  }
0x63: {  	_ =	shalt  }
0x64: {  	_ =	shalt  }
0x65: {  	_ =	shalt  }
0x66: {  	_ =	shalt  }
0x67: {  	_ =	shalt  }
0x68: {  	_ =	shalt  }
0x69: {  	_ =	shalt  }
0x6a: {  	_ =	shalt  }
0x6b: {  	_ =	shalt  }
0x6c: {  	_ =	shalt  }
0x6d: {  	_ =	shalt  }
0x6e: {  	_ =	shalt  }
0x6f: {  	_ =	shalt  }
0x70: {  	_ =	shalt  }
0x71: {  	_ =	shalt  }
0x72: {  	_ =	shalt  }
0x73: {  	_ =	shalt  }
0x74: {  	_ =	shalt  }
0x75: {  	_ =	shalt  }
0x76: {  	_ =	shalt  }
0x77: {  	_ =	shalt  }
0x78: {  	_ =	shalt  }
0x79: {  	_ =	shalt  }
0x7a: {  	_ =	shalt  }
0x7b: {  	_ =	shalt  }
0x7c: {  	_ =	shalt  }
0x7d: {  	_ =	shalt  }
0x7e: {  	_ =	shalt  }
0x7f: {  	_ =	shalt  }
0x80: {  	_ =	shalt  }
0x81: {  	_ =	shalt  }
0x82: {  	_ =	shalt  }
0x83: {  	_ =	shalt  }
0x84: {  	_ =	shalt  }
0x85: {  	_ =	shalt  }
0x86: {  	_ =	shalt  }
0x87: {  	_ =	shalt  }
.Lfunc_end0:
.L_simem_size_0:
called_computation_lowered:
.L_overlay_start_0:
0x88: {  	s2 =	sld [smem:$0x3FD9]  }
0x89: {  	s3 =	sld [smem:$0x3FFE];
	_ =	sdelay $0x1  }
0x8a: {  	s1 =	srdreg.scid  }
0x8b: {  	s0 =	sand.u32 $0x1, s1  }
0x8c: {  	s17 =	sshll.u32 s0, $0xA;
	s2 =	sadd.s32 s3, s2  }
0x8d: {  	s2 =	sadd.s32 s2, s17  }
0x8e: {  	[smem:$0x3FB8] =	sst s2  }
0x8f: {  	_ = 	snop  }
0x90: {  	s2 =	sld [smem:$0x3FC9];
	(tm) =	ssettm $0x1  }
0x91: {  	s18 =	sld [smem:$0x3FFB];
	_ =	sdelay $0x3  }
0x92: {  	_ =	strace s18  }
0x93: {  	s3 =	sld [smem:$0x3FFC];
	_ =	sdelay $0x3  }
0x94: {  	_ =	strace s3  }
0x95: {  	s3 =	sld [smem:$0x3FFD];
	_ =	sdelay $0x3  }
0x96: {  	_ =	strace s3  }
0x97: {  	_ =	strace $0x8FFFFFFF  }
0x98: {  	s19 =	sld [smem:$0x3FDB];
	_ =	sdelay $0x1  }
0x99: {  	s4 =	simm.s32 $_scs_section_size  }
0x9a: {  	s5 =	simm.s32 $_size__tile_overlayer_lowered;
	s6 =	simm.s32 $_tile_overlayer_lowered  }
0x9b: {  	s22 =	simm.s32 $0x1BFF;
	s21 =	sshll.u32 s6, $0x1;
	s3 =	sadd.s32 s4, s19  }
0x9c: {  	s7 =	simm.s32 $0x0;
	s20 =	sshll.u32 s5, $0x1;
	s5 =	sadd.s32 s21, s3  }
0x9d: {  	[timem:s7], [sflag:s22] =	dma.local [hbm:s5], s20  }
0x9e: {  	_ =	swait.ge [sflag:s22], s20  }
0x9f: {  	s4 =	ssub.s32 $0x0, s20;
	[sflag:s22] =	ssyncset.done $0x0  }
0xa0: {  	[sflag:s22] =	ssyncadd.s32 s4;
	_ =	sdelay $0x1  }
0xa1: {  	s23 =	simm.s32 $0x1B8B  }
0xa2: {  	_ =	swait.ge [sflag:s23], $0x1  }
0xa3: {  	[sflag:s23] =	ssyncset.done $0x0  }
0xa4: {  	s25 =	simm.s32 $0x1B8E;
	s24 =	sld [smem:$0x3FFE];
	[sflag:s23] =	ssyncadd.s32 $0xFFFFFFFF  }
0xa5: {  	s26 =	simm.s32 $execute0_lowered;
	[smem:$0x3FD2] =	sst s25  }
0xa6: {  	s5 =	sshll.u32 s26, $0x1;
	_ =	strace $0x80000046;
	[dreg:$0x1] =	wrdreg $0xFFFFFFFF  }
0xa7: {  	s28 =	simm.s32 $_size_execute0_lowered;
	s3 =	sadd.s32 s3, s5;
	[dreg:$0x0] =	wrdreg $0x0  }
0xa8: {  	s5 =	sshll.u32 s28, $0x1;
	[dreg:$0x2] =	wrdreg s3  }
0xa9: {  	[dreg:$0x3] =	wrdreg s5  }
0xaa: {  	[dreg:$0x4] =	wrdreg $0xC0  }
0xab: {  	_ =	task [dreg:s7], $0x5FFFF  }
0xac: {  	[dreg:$0x1] =	wrdreg $0xFFFFFFFF  }
0xad: {  	[dreg:$0x0] =	wrdreg $0x60  }
0xae: {  	[dreg:$0x2] =	wrdreg s2  }
0xaf: {  	[dreg:$0x3] =	wrdreg s24  }
0xb0: {  	[dreg:$0x4] =	wrdreg $0x9  }
0xb1: {  	_ =	task.clear_ibuf [dreg:s7], $0x5FFFF;
	_ =	strace $0x90000046  }
0xb2: {  	s29 =	simm.s32 $0x9;
	_ =	strace $0x80000048  }
0xb3: {  	_ =	swait.ge [sflag:s29], $0x1  }
0xb4: {  	[sflag:s29] =	ssyncadd.s32 $0xFFFFFFFF  }
0xb5: {  	_ =	strace $0x90000048  }
0xb6: {  	_ =	sfence  }
0xb7: {  	s30 =	sld [smem:$0x0];
	_ =	sdelay $0x2  }
0xb8: {  	s31 =	sshll.u32 s1, $0xD;
	s1 =	sshrl.u32 s1, $0x2  }
0xb9: {  	s3 =	sand.u32 $0x4000, s31;
	s1 =	sadd.s32 s1, s30  }
0xba: {  	s0 =	sor.u32 s3, s0;
	s1 =	sshll.u32 s1, $0x11  }
0xbb: {  	s0 =	sor.u32 s1, s0  }
0xbc: {  	s0 =	sadd.s32 $0x8F2B, s0  }
0xbd: {  	[sflag:s0] =	ssyncadd.remote.s32 $0x1  }
0xbe: {  	_ =	sfence.sel $0xFFFF  }
0xbf: {  	[dreg:$0x0] =	wrdreg $0xFFFFFFFF;
	(pc) =	sbr.abs _section_cstart, $3  }
0xc0: {  	[dreg:$0x1] =	wrdreg $0xFFFFFFFF  }
0xc1: {  	_ =	task.clear_ibuf [dreg:s7], $0x2FFFF;
	_ =	strace $0x9FFFFFFF  }
0xc2: {  	(tm) =	ssettm $0x7FFFFFFF  }
0xc3: {  	_ =	shalt  }
tec
execute0_lowered:
.L_overlay_start_1:
0x0: {  	(tag) =	ssettag $0x1  }
0x1: {  	s2 =	rddreg [dreg:$0x0]  }
0x2: {  	s4 =	rddreg [dreg:$0x1];
	s1 =	stileid.u32  }
0x3: {  	s0 =	rddreg [dreg:$0x2];
	s5 =	simm.s32 $0x0;
	s26 =	srdreg.scid  }
0x4: {  	p2 =	por $0x0, $0x0;
	s6 =	sshll.u32 s1, $0x7;
	s28 =	sand.u32 $0x1, s26  }
0x5: {  	s3 =	sshrl.u32 s1, $0x3;
	s25 =	sand.u32 $0x380, s6;
	s6 =	ssub.s32 $0x2, s28  }
0x6: {  	[smem:$0x7FF] =	sst s5;
	s7 =	smul.u32 $0x2700, s1;
	s29 =	sshrl.u32 s6, $0x1  }
0x7: {  	s9 =	smul.u32 $0x14000, s1;
	s10 =	sadd.s32 $0x3C00, s4;
	s11 =	ssub.s32 s6, s29  }
0x8: {  	s3 =	smul.u32 $0x1400, s3;
	_ =	strace $0x80000047;
	s31 =	smax.u32 s11, $0x1  }
0x9: {  	p0 =	seq.s32 s28, $0x1;
	s5 =	sadd.s32 s2, s7;
	s16 =	sadd.s32 $0xFFFFFFFF, s31  }
0xa: {  	s30 =	sshrl.u32 s9, $0x3;
	p1 =	sne.s32 @!p0 s1, $0x0;
	p3 =	sne.s32 s16, $0x0  }
.Ltmp0:
0xb: {  	s9 =	sshll.u32 @!p0 s1, $0x6;
	s3 =	sor.u32 s25, s3;
	(pc) =	sbr.rel @!p3 .LBB2_1-.Ltmp0, $4  }
0xc: {  	s6 =	sadd.s32 s10, s7;
	s7 =	sadd.s32 s10, s30;
	s3 =	sshrl.u32 s3, $0x3  }
0xd: {  	p1 =	por p1, p0;
	s11 =	simm.s32 @p0 $0x80;
	s8 =	sadd.s32 s3, s4  }
0xe: {  	s3 =	sadd.s32 $0x27000, s2;
	s4 =	sadd.s32 $0x2AC00, s4;
	s10 =	sadd.s32 $0x3600, s8  }
0xf: {  	s8 =	sadd.s32 $0x28000, s7;
	s7 =	sor.u32 @!p0 $0x1C02, s9;
	s9 =	simm.s32 @p0 $0x2  }
0x10: {  	s12 =	simm.s32 @p0 $0x400;
	s13 =	simm.s32 @p0 $0x0  }
0x11: {  	[tilespmem:s13], [sflag:$0x2] =	stream.strided.gather @p0 [hbm4b:s10+s11], $0x280, s12, s11, $0x38;
	[tilespmem:$0x14280] =	vst v63  }
0x12: {  	_ =	swait.ge @p0 [sflag:s9], $0x280  }
0x13: {  	[sflag:s9] =	ssyncset.done @p0 $0x0  }
0x14: {  	s14 =	simm.s32 @p0 $0x280;
	s15 =	simm.s32 @p0 $0x1;
	[sflag:s9] =	ssyncadd.s32 @p0 $0xFFFFFD80  }
0x15: {  	[tilespmem:s14], [sflag:$0x1] =	stream.indirect.gather @p0 [hbm4b:s2+s14], $0x80, s13, s14, $0xb8;
	[tilespmem:$0x14280] =	vst v63  }
0x16: {  	_ =	swait.ge @p0 [sflag:s15], $0x14000  }
0x17: {  	[sflag:s15] =	ssyncset.done @p0 $0x0  }
0x18: {  	[sflag:s15] =	ssyncadd.s32 @p0 $0xFFFEC000  }
0x19: {  	[hbm4b:s8+s13] =	stream.linear.scatter @p0 [tilespmem:s14], [sflag:$0x2], $0x14000, $0x38;
	[tilespmem:$0x14280] =	vst v63  }
0x1a: {  	_ =	swait.ge @p0 [sflag:s9], $0x14000  }
0x1b: {  	[sflag:s9] =	ssyncset.done @p0 $0x0  }
0x1c: {  	s17 =	simm.s32 @!p0 $0x2;
	s18 =	sadd.s32 $0xFFFFFFFF, s16;
	[sflag:s9] =	ssyncadd.s32 @p0 $0xFFFEC000  }
0x1d: {  	[hbm:s6], [sflag:s7] =	dma.local @!p0 [hbm:s5], $0x2700  }
0x1e: {  	p3 =	sne.s32 s18, $0x0;
	_ =	swait.ge @!p0 [sflag:s17], $0x2700  }
.Ltmp1:
0x1f: {  	[sflag:s17] =	ssyncset.done @!p0 $0x0;
	(pc) =	sbr.rel @!p3 .LBB2_4-.Ltmp1, $4  }
0x20: {  	s16 =	simm.s32 @!p1 $0x2;
	[sflag:s17] =	ssyncadd.s32 @!p0 $0xFFFFD900  }
0x21: {  	[hbm:s4], [sflag:s7] =	dma.local @!p1 [hbm:s3], $0x100  }
0x22: {  	_ =	swait.ge @!p1 [sflag:s16], $0x100  }
0x23: {  	p2 =	por $0x1, $0x1;
	[sflag:s16] =	ssyncset.done @!p1 $0x0  }
.LBB2_3:
0x24: {  	[sflag:s16] =	ssyncadd.s32 @!p1 $0xFFFFFF00  }
0x25: {  	[tilespmem:s13], [sflag:$0x2] =	stream.strided.gather @p0 [hbm4b:s10+s11], $0x280, s12, s11, $0x38;
	[tilespmem:$0x14280] =	vst v63  }
0x26: {  	s18 =	sadd.s32 $0xFFFFFFFF, s18;
	_ =	swait.ge @p0 [sflag:s9], $0x280  }
0x27: {  	p3 =	sne.s32 s18, $0x0;
	[sflag:s9] =	ssyncset.done @p0 $0x0  }
0x28: {  	[sflag:s9] =	ssyncadd.s32 @p0 $0xFFFFFD80  }
0x29: {  	[tilespmem:s14], [sflag:$0x1] =	stream.indirect.gather @p0 [hbm4b:s2+s14], $0x80, s13, s14, $0xb8;
	[tilespmem:$0x14280] =	vst v63  }
0x2a: {  	_ =	swait.ge @p0 [sflag:s15], $0x14000  }
0x2b: {  	[sflag:s15] =	ssyncset.done @p0 $0x0  }
0x2c: {  	[sflag:s15] =	ssyncadd.s32 @p0 $0xFFFEC000  }
0x2d: {  	[hbm4b:s8+s13] =	stream.linear.scatter @p0 [tilespmem:s14], [sflag:$0x2], $0x14000, $0x38;
	[tilespmem:$0x14280] =	vst v63  }
0x2e: {  	_ =	swait.ge @p0 [sflag:s9], $0x14000  }
0x2f: {  	[sflag:s9] =	ssyncset.done @p0 $0x0  }
0x30: {  	[sflag:s9] =	ssyncadd.s32 @p0 $0xFFFEC000  }
0x31: {  	[hbm:s6], [sflag:s7] =	dma.local @!p0 [hbm:s5], $0x2700  }
0x32: {  	_ =	swait.ge @!p0 [sflag:s17], $0x2700  }
.Ltmp2:
0x33: {  	[sflag:s17] =	ssyncset.done @!p0 $0x0;
	(pc) =	sbr.rel @p3 .LBB2_3-.Ltmp2, $4  }
0x34: {  	[sflag:s17] =	ssyncadd.s32 @!p0 $0xFFFFD900  }
0x35: {  	[hbm:s4], [sflag:s7] =	dma.local @!p1 [hbm:s3], $0x100  }
0x36: {  	_ =	swait.ge @!p1 [sflag:s16], $0x100  }
0x37: {  	[sflag:s16] =	ssyncset.done @!p1 $0x0  }
.LBB2_4:
0x38: {  	p2 =	por p1, !p2  }
0x39: {  	s12 =	simm.s32 @p0 $0x400;
	s13 =	simm.s32 @p0 $0x0;
	[sflag:s16] =	ssyncadd.s32 @!p2 $0xFFFFFF00  }
0x3a: {  	[tilespmem:s13], [sflag:$0x2] =	stream.strided.gather @p0 [hbm4b:s10+s11], $0x280, s12, s11, $0x38;
	[tilespmem:$0x14280] =	vst v63  }
0x3b: {  	_ =	swait.ge @p0 [sflag:s9], $0x280  }
0x3c: {  	[sflag:s9] =	ssyncset.done @p0 $0x0  }
0x3d: {  	s10 =	simm.s32 @p0 $0x280;
	s11 =	simm.s32 @p0 $0x1;
	[sflag:s9] =	ssyncadd.s32 @p0 $0xFFFFFD80  }
0x3e: {  	[tilespmem:s10], [sflag:$0x1] =	stream.indirect.gather @p0 [hbm4b:s2+s10], $0x80, s13, s10, $0xb8;
	[tilespmem:$0x14280] =	vst v63  }
0x3f: {  	_ =	swait.ge @p0 [sflag:s11], $0x14000  }
0x40: {  	[sflag:s11] =	ssyncset.done @p0 $0x0  }
0x41: {  	[sflag:s11] =	ssyncadd.s32 @p0 $0xFFFEC000  }
0x42: {  	[hbm4b:s8+s13] =	stream.linear.scatter @p0 [tilespmem:s10], [sflag:$0x2], $0x14000, $0x38;
	[tilespmem:$0x14280] =	vst v63  }
0x43: {  	_ =	swait.ge @p0 [sflag:s9], $0x14000  }
0x44: {  	[sflag:s9] =	ssyncset.done @p0 $0x0  }
0x45: {  	s2 =	simm.s32 @!p0 $0x2;
	[sflag:s9] =	ssyncadd.s32 @p0 $0xFFFEC000  }
0x46: {  	[hbm:s6], [sflag:s7] =	dma.local @!p0 [hbm:s5], $0x2700  }
0x47: {  	_ =	swait.ge @!p0 [sflag:s2], $0x2700  }
0x48: {  	[sflag:s2] =	ssyncset.done @!p0 $0x0  }
0x49: {  	[sflag:s2] =	ssyncadd.s32 @!p0 $0xFFFFD900;
	s2 =	simm.s32 @!p1 $0x2  }
0x4a: {  	[hbm:s4], [sflag:s7] =	dma.local @!p1 [hbm:s3], $0x100  }
0x4b: {  	_ =	swait.ge @!p1 [sflag:s2], $0x100  }
0x4c: {  	[sflag:s2] =	ssyncset.done @!p1 $0x0  }
0x4d: {  	[sflag:s2] =	ssyncadd.s32 @!p1 $0xFFFFFF00  }
0x4e: {  	_ =	sfence.sel $0x180000  }
0x4f: {  	[bflag:$0x0] =	sbarrier.arrive $0xFFFF  }
0x50: {  	p0 =	sne.s32 s1, $0x0;
	_ =	strace $0x90000047  }
0x51: {  	s0 =	sadd.s32 @!p0 $0x100000, s0;
	[bflag:$0x2] =	sbarrier.arrive $0xFFFF  }
0x52: {  	[sflag:s0] =	ssyncadd.tile.s32 @!p0 $0x1;
	_ =	shalt  }
.LBB2_1:
.Ltmp3:
0x53: {  	(pc) =	sbr.rel .LBB2_4-.Ltmp3, $2  }
0x54: {  	_ =	sdelay $0x2  }
0x55: {  	_ = 	snop  }
.Lfunc_end2:
_tile_overlayer_lowered:
.L_overlay_start_2:
0x56: {  	(tag) =	ssettag $0x2  }
0x57: {  	s0 =	rddreg [dreg:$0x0];
	s2 =	stileid.u32  }
0x58: {  	s1 =	rddreg [dreg:$0x1];
	p0 =	sne.s32 s2, $0x0  }
0x59: {  	s3 =	rddreg [dreg:$0x2];
	[bflag:$0x3] =	sbarrier.arrive $0xFFFF;
	s2 =	simm.s32 @!p0 $0x1C02  }
0x5a: {  	[timem:s3], [sflag:s2] =	dma.local @!p0 [hbm:s0], s1  }
0x5b: {  	s0 =	simm.s32 @!p0 $0x2  }
0x5c: {  	_ =	swait.ge @!p0 [sflag:s0], s1  }
0x5d: {  	s1 =	ssub.s32 @!p0 $0x0, s1;
	[sflag:s0] =	ssyncset.done @!p0 $0x0  }
0x5e: {  	[sflag:s0] =	ssyncadd.s32 @!p0 s1  }
0x5f: {  	[bflag:$0x3] =	sbarrier.arrive $0xFFFF  }
0x60: {  	_ =	shalt  }

</sc_bundles>
